<compile_context>
chip_gen: v7x
topology: tpu7x:2x2x1
jax: 0.10.2.dev20260603
libtpu: 0.0.44.dev20260713+nightly
codegen_flags: <defaults>
</compile_context>

<pallas_src>
import functools

import jax
import jax.numpy as jnp
import numpy as np
from jax import lax
from jax.experimental import pallas as pl
from jax.experimental.pallas import tpu as pltpu
from jax.experimental.pallas import tpu_sc as plsc

_NC = 2
_NS = 16
_L = 16
_UNROLL = 8

_TL, _TH = 0.49, 0.565
_KTL = int(np.float32(_TL).view(np.int32))
_KTH = int(np.float32(_TH).view(np.int32))
_IMIN = -(2 ** 31)
_IMAX = 2 ** 31 - 1
_CCAP = 16384


def _i32(x):
    return x.astype(jnp.int32)


def _splat(x, dtype=jnp.int32):
    return jnp.full((_L,), x, dtype=dtype)


def _decode(c):
    bits = jnp.where(c >= 0, c, c ^ jnp.int32(0x7FFFFFFF))
    return lax.bitcast_convert_type(bits, jnp.float32)


def _make_sc_kernel(b, n, k):
    rows_per_w = b // (_NC * _NS)
    n_chunks = n // (_L * _UNROLL)
    mesh = plsc.VectorSubcoreMesh(core_axis_name="c", subcore_axis_name="s")

    @functools.partial(
        pl.kernel,
        out_type=jax.ShapeDtypeStruct((b, n), jnp.float32),
        mesh=mesh,
        scratch_types=[
            pltpu.VMEM((n,), jnp.float32),
            pltpu.VMEM((n,), jnp.float32),
            pltpu.VMEM((n,), jnp.float32),
            pltpu.VMEM((_CCAP + 4 * _L,), jnp.float32),
            pltpu.SemaphoreType.DMA,
            pltpu.SemaphoreType.DMA,
            pltpu.SemaphoreType.DMA,
            pltpu.SemaphoreType.DMA,
            pltpu.SemaphoreType.DMA,
            pltpu.SemaphoreType.DMA,
        ],
        compiler_params=pltpu.CompilerParams(needs_layout_passes=False),
    )
    def sc_kernel(x_hbm, out_hbm, row_a, row_b, row_c, cbuf_v,
                  sem_in_a, sem_in_b, sem_in_c,
                  sem_out_a, sem_out_b, sem_out_c):
        wid = lax.axis_index("s") * _NC + lax.axis_index("c")
        lane = lax.iota(jnp.int32, _L)
        zero_i = _splat(0)
        kk = jnp.int32(k)
        tls = _splat(_TL, jnp.float32)
        ths = _splat(_TH, jnp.float32)
        dumpc = lane + _splat(_CCAP)

        def process_row(row_v, row):
            def pa_body(i, carry):
                a_hi, off_vec = carry
                xv = row_v[pl.ds(i * _L, _L)]
                ge_hi = xv >= ths
                a_hi = a_hi + _i32(ge_hi)
                keep = (xv >= tls) & (xv < ths)
                idx = jnp.minimum(lane + (off_vec << 4), dumpc)
                plsc.store_scatter(cbuf_v, [idx], xv, mask=keep)
                off_vec = off_vec + _i32(keep)
                return a_hi, off_vec

            a_hi, off_vec = plsc.parallel_loop(
                0, n // _L, unroll=_UNROLL, carry=(zero_i, zero_i))(pa_body)
            n_hi = jnp.sum(a_hi)
            n_lo = n_hi + jnp.sum(off_vec)
            max_off = jnp.max(off_vec)

            in_window = ((n_hi < kk) & (n_lo >= kk)
                         & (max_off < jnp.int32(_CCAP // _L)))

            def fast_fn():
                def cond(carry):
                    lo, hi = carry
                    return (hi - lo) != 1

                def body(carry):
                    lo, hi = carry
                    c = lo + lax.shift_right_logical(hi - lo, 1)
                    ts = _splat(_decode(c), jnp.float32)

                    def bcnt(j, acc):
                        xv = cbuf_v[pl.ds(j * _L, _L)]
                        valid = _splat(j) < off_vec
                        return acc + _i32(valid & (xv >= ts))

                    acc = plsc.parallel_loop(
                        0, max_off, unroll=4, carry=zero_i)(bcnt)
                    cnt = n_hi + jnp.sum(acc)
                    ok = cnt >= kk
                    return jnp.where(ok, c, lo), jnp.where(ok, hi, c)

                lo, _ = lax.while_loop(cond, body,
                                       (jnp.int32(_KTL), jnp.int32(_KTH)))
                return lo

            def slow_fn():
                below = n_lo < kk
                lo0 = jnp.where(below, jnp.int32(_IMIN), jnp.int32(_KTH))
                hi0 = jnp.where(below, jnp.int32(_KTL), jnp.int32(_IMAX))

                def cond(carry):
                    lo, hi = carry
                    return (hi - lo) != 1

                def body(carry):
                    lo, hi = carry
                    c = lo + lax.shift_right_logical(hi - lo, 1)
                    ts = _splat(_decode(c), jnp.float32)

                    def bcnt(i, acc):
                        base = i * (_L * _UNROLL)
                        for u in range(_UNROLL):
                            xv = row_v[pl.ds(base + u * _L, _L)]
                            acc = acc + _i32(xv >= ts)
                        return acc

                    acc = lax.fori_loop(0, n_chunks, bcnt, zero_i)
                    cnt = jnp.sum(acc)
                    ok = cnt >= kk
                    return jnp.where(ok, c, lo), jnp.where(ok, hi, c)

                lo, _ = lax.while_loop(cond, body, (lo0, hi0))
                return lo

            tkey = lax.cond(in_window, fast_fn, slow_fn)
            tf = _splat(_decode(tkey), jnp.float32)

            one_f = _splat(1.0, jnp.float32)
            zero_f = _splat(0.0, jnp.float32)

            def mask_body(i):
                sl = pl.ds(i * _L, _L)
                row_v[sl] = jnp.where(row_v[sl] >= tf, one_f, zero_f)

            plsc.parallel_loop(0, n // _L, unroll=_UNROLL)(mask_body)

        bufs = [row_a, row_b, row_c]
        sem_in = [sem_in_a, sem_in_b, sem_in_c]
        sem_out = [sem_out_a, sem_out_b, sem_out_c]
        base_row = wid * rows_per_w
        nprime = min(3, rows_per_w)
        h_in = [pltpu.async_copy(x_hbm.at[base_row + p], bufs[p], sem_in[p])
                for p in range(nprime)] + [None] * (3 - nprime)
        h_out = [None, None, None]
        for r in range(rows_per_w):
            p = r % 3
            h_in[p].wait()
            process_row(bufs[p], base_row + r)
            if 3 <= r + 2 < rows_per_w:
                q = (r + 2) % 3
                h_out[q].wait()
                h_out[q] = None
                h_in[q] = pltpu.async_copy(x_hbm.at[base_row + r + 2],
                                           bufs[q], sem_in[q])
            h_out[p] = pltpu.async_copy(bufs[p], out_hbm.at[base_row + r],
                                        sem_out[p])
        for p in range(3):
            if h_out[p] is not None:
                h_out[p].wait()

    return sc_kernel


@jax.jit
def kernel(attention_scores):
    b, n = attention_scores.shape
    k = max(1, int(n * 0.3))
    return _make_sc_kernel(b, n, k)(attention_scores)

# --- scband reference (transcript-rebuilt; emitter-appended) ---
"""Pipeline reference for scband-straight-through-router-44590350467496 (READ-ONLY COPY).

The authoritative reference and input builder live on the scoring server;
editing this copy changes nothing except your own understanding.
"""

import jax, jax.numpy as jnp
import numpy as np


def setup_inputs(seed: int = 0) -> dict:
    key = jax.random.key(seed)
    attention_scores = jax.random.normal(key, (128, 32768), dtype=jnp.float32)
    return {"attention_scores": attention_scores}


def reference(attention_scores):
    # StraightThroughRouter.forward with inference_mode='top_p' (deterministic branch).
    B, N = attention_scores.shape
    probs = jax.nn.sigmoid(attention_scores)
    top_p = 0.3
    k = max(1, int(N * top_p))
    _, top_indices = jax.lax.top_k(probs, k)
    rows = jnp.arange(B)[:, None]
    routing_mask = jnp.zeros_like(probs).at[rows, top_indices].set(1.0)
    return routing_mask

if __name__ == "__main__":
    import jax
    _d = setup_inputs()
    print(jax.jit(kernel)(*tuple(_d.values())))

</pallas_src>

<mosaic_0001>
#map = affine_map<(d0, d1) -> (0, 0)>
module attributes {stable_mosaic.version = 14 : i64} {
  func.func @sc_kernel(%arg0: i32, %arg1: i32, %arg2: memref<128x32768xf32, #tpu.memory_space<hbm>>, %arg3: memref<128x32768xf32, #tpu.memory_space<hbm>>, %arg4: memref<32768xf32, #tpu.memory_space<vmem>>, %arg5: memref<32768xf32, #tpu.memory_space<vmem>>, %arg6: memref<32768xf32, #tpu.memory_space<vmem>>, %arg7: memref<16448xf32, #tpu.memory_space<vmem>>, %arg8: memref<!tpu.dma_semaphore, #tpu.memory_space<semaphore_mem>>, %arg9: memref<!tpu.dma_semaphore, #tpu.memory_space<semaphore_mem>>, %arg10: memref<!tpu.dma_semaphore, #tpu.memory_space<semaphore_mem>>, %arg11: memref<!tpu.dma_semaphore, #tpu.memory_space<semaphore_mem>>, %arg12: memref<!tpu.dma_semaphore, #tpu.memory_space<semaphore_mem>>, %arg13: memref<!tpu.dma_semaphore, #tpu.memory_space<semaphore_mem>>) attributes {dimension_semantics = [#tpu.dimension_semantics<core_parallel>, #tpu.dimension_semantics<subcore_parallel>], iteration_bounds = array<i64: 2, 16>, scalar_prefetch = 0 : i64, scratch_operands = 10 : i64, tpu.core_type = #tpu.core_type<sc_vector_subcore>, window_params = [{transform_indices = #map}, {transform_indices = #map}]} {
    %mul3A = arith.constant 2 : i32
    %mul3A_0 = arith.muli %arg1, %mul3A : i32
    %add3A = arith.addi %mul3A_0, %arg0 : i32
    %iota3A = tpu.iota {dimensions = array<i32: 0>} : vector<16xi32>
    %broadcast_in_dim3A = arith.constant 0 : i32
    %broadcast_in_dim3A_1 = vector.broadcast %broadcast_in_dim3A : i32 to vector<16xi32>
    %broadcast_in_dim3A_2 = arith.constant 4.900000e-01 : f32
    %broadcast_in_dim3A_3 = vector.broadcast %broadcast_in_dim3A_2 : f32 to vector<16xf32>
    %broadcast_in_dim3A_4 = arith.constant 5.650000e-01 : f32
    %broadcast_in_dim3A_5 = vector.broadcast %broadcast_in_dim3A_4 : f32 to vector<16xf32>
    %broadcast_in_dim3A_6 = arith.constant 16384 : i32
    %broadcast_in_dim3A_7 = vector.broadcast %broadcast_in_dim3A_6 : i32 to vector<16xi32>
    %add3A_8 = arith.addi %iota3A, %broadcast_in_dim3A_7 : vector<16xi32>
    %mul3A_9 = arith.constant 4 : i32
    %mul3A_10 = arith.muli %add3A, %mul3A_9 : i32
    %add3A_11 = arith.constant 0 : i32
    %add3A_12 = arith.addi %mul3A_10, %add3A_11 : i32
    %dma_start3A = arith.constant 0 : i32
    %dma_start3A_13 = tpu.memref_slice %arg2[%add3A_12, %dma_start3A] : memref<128x32768xf32, #tpu.memory_space<hbm>> -> memref<1x32768xf32, #tpu.memory_space<hbm>>
    %dma_start3A_14 = tpu.memref_squeeze %dma_start3A_13 : memref<1x32768xf32, #tpu.memory_space<hbm>> -> memref<32768xf32, #tpu.memory_space<hbm>>
    %dma_start3A_15 = arith.constant 0 : i32
    %dma_start3A_16 = tpu.memref_slice %arg2[%add3A_12, %dma_start3A_15] : memref<128x32768xf32, #tpu.memory_space<hbm>> -> memref<1x32768xf32, #tpu.memory_space<hbm>>
    %dma_start3A_17 = tpu.memref_squeeze %dma_start3A_16 : memref<1x32768xf32, #tpu.memory_space<hbm>> -> memref<32768xf32, #tpu.memory_space<hbm>>
    tpu.enqueue_dma source(%dma_start3A_17 : memref<32768xf32, #tpu.memory_space<hbm>>) target(%arg4 : memref<32768xf32, #tpu.memory_space<vmem>>) target_semaphore(%arg8 : memref<!tpu.dma_semaphore, #tpu.memory_space<semaphore_mem>>)
    %add3A_18 = arith.constant 1 : i32
    %add3A_19 = arith.addi %mul3A_10, %add3A_18 : i32
    %dma_start3A_20 = arith.constant 0 : i32
    %dma_start3A_21 = tpu.memref_slice %arg2[%add3A_19, %dma_start3A_20] : memref<128x32768xf32, #tpu.memory_space<hbm>> -> memref<1x32768xf32, #tpu.memory_space<hbm>>
    %dma_start3A_22 = tpu.memref_squeeze %dma_start3A_21 : memref<1x32768xf32, #tpu.memory_space<hbm>> -> memref<32768xf32, #tpu.memory_space<hbm>>
    %dma_start3A_23 = arith.constant 0 : i32
    %dma_start3A_24 = tpu.memref_slice %arg2[%add3A_19, %dma_start3A_23] : memref<128x32768xf32, #tpu.memory_space<hbm>> -> memref<1x32768xf32, #tpu.memory_space<hbm>>
    %dma_start3A_25 = tpu.memref_squeeze %dma_start3A_24 : memref<1x32768xf32, #tpu.memory_space<hbm>> -> memref<32768xf32, #tpu.memory_space<hbm>>
    tpu.enqueue_dma source(%dma_start3A_25 : memref<32768xf32, #tpu.memory_space<hbm>>) target(%arg5 : memref<32768xf32, #tpu.memory_space<vmem>>) target_semaphore(%arg9 : memref<!tpu.dma_semaphore, #tpu.memory_space<semaphore_mem>>)
    %add3A_26 = arith.constant 2 : i32
    %add3A_27 = arith.addi %mul3A_10, %add3A_26 : i32
    %dma_start3A_28 = arith.constant 0 : i32
    %dma_start3A_29 = tpu.memref_slice %arg2[%add3A_27, %dma_start3A_28] : memref<128x32768xf32, #tpu.memory_space<hbm>> -> memref<1x32768xf32, #tpu.memory_space<hbm>>
    %dma_start3A_30 = tpu.memref_squeeze %dma_start3A_29 : memref<1x32768xf32, #tpu.memory_space<hbm>> -> memref<32768xf32, #tpu.memory_space<hbm>>
    %dma_start3A_31 = arith.constant 0 : i32
    %dma_start3A_32 = tpu.memref_slice %arg2[%add3A_27, %dma_start3A_31] : memref<128x32768xf32, #tpu.memory_space<hbm>> -> memref<1x32768xf32, #tpu.memory_space<hbm>>
    %dma_start3A_33 = tpu.memref_squeeze %dma_start3A_32 : memref<1x32768xf32, #tpu.memory_space<hbm>> -> memref<32768xf32, #tpu.memory_space<hbm>>
    tpu.enqueue_dma source(%dma_start3A_33 : memref<32768xf32, #tpu.memory_space<hbm>>) target(%arg6 : memref<32768xf32, #tpu.memory_space<vmem>>) target_semaphore(%arg10 : memref<!tpu.dma_semaphore, #tpu.memory_space<semaphore_mem>>)
    %dma_wait3A = arith.constant 0 : i32
    %dma_wait3A_34 = tpu.memref_slice %arg2[%add3A_12, %dma_wait3A] : memref<128x32768xf32, #tpu.memory_space<hbm>> -> memref<1x32768xf32, #tpu.memory_space<hbm>>
    %dma_wait3A_35 = tpu.memref_squeeze %dma_wait3A_34 : memref<1x32768xf32, #tpu.memory_space<hbm>> -> memref<32768xf32, #tpu.memory_space<hbm>>
    %dma_wait3A_36 = arith.constant 0 : i32
    %dma_wait3A_37 = tpu.memref_slice %arg2[%add3A_12, %dma_wait3A_36] : memref<128x32768xf32, #tpu.memory_space<hbm>> -> memref<1x32768xf32, #tpu.memory_space<hbm>>
    %dma_wait3A_38 = tpu.memref_squeeze %dma_wait3A_37 : memref<1x32768xf32, #tpu.memory_space<hbm>> -> memref<32768xf32, #tpu.memory_space<hbm>>
    tpu.wait_dma2 semaphore(%arg8 : memref<!tpu.dma_semaphore, #tpu.memory_space<semaphore_mem>>) src(%dma_wait3A_38 : memref<32768xf32, #tpu.memory_space<hbm>>) dst(%arg4 : memref<32768xf32, #tpu.memory_space<vmem>>)
    %add3A_39 = arith.constant 0 : i32
    %add3A_40 = arith.addi %mul3A_10, %add3A_39 : i32
    %parallel_loop3A = arith.constant 0 : i32
    %parallel_loop3A_41 = arith.constant 2048 : i32
    %parallel_loop3A_42 = arith.constant 1 : i32
    %parallel_loop3A_43:2 = scf.for %parallel_loop3A_312 = %parallel_loop3A to %parallel_loop3A_41 step %parallel_loop3A_42 iter_args(%parallel_loop3A_313 = %broadcast_in_dim3A_1, %parallel_loop3A_314 = %broadcast_in_dim3A_1) -> (vector<16xi32>, vector<16xi32>)  : i32 {
      %parallel_loop3A_315 = arith.constant 16 : i32
      %parallel_loop3A_316 = arith.muli %parallel_loop3A_312, %parallel_loop3A_315 : i32
      %parallel_loop3A_317 = arith.index_cast %parallel_loop3A_316 : i32 to index
      %parallel_loop3A_318 = tpu.vector_load %arg4[%parallel_loop3A_317] {strides = array<i32>} : memref<32768xf32, #tpu.memory_space<vmem>>, vector<16xf32>,
      %parallel_loop3A_319 = arith.cmpf oge, %parallel_loop3A_318, %broadcast_in_dim3A_5 : vector<16xf32>
      %parallel_loop3A_320 = arith.extui %parallel_loop3A_319 : vector<16xi1> to vector<16xi32>
      %parallel_loop3A_321 = arith.addi %parallel_loop3A_313, %parallel_loop3A_320 : vector<16xi32>
      %parallel_loop3A_322 = arith.cmpf oge, %parallel_loop3A_318, %broadcast_in_dim3A_3 : vector<16xf32>
      %parallel_loop3A_323 = arith.cmpf olt, %parallel_loop3A_318, %broadcast_in_dim3A_5 : vector<16xf32>
      %parallel_loop3A_324 = arith.andi %parallel_loop3A_322, %parallel_loop3A_323 : vector<16xi1>
      %parallel_loop3A_325 = arith.constant 4 : i32
      %parallel_loop3A_326 = vector.broadcast %parallel_loop3A_325 : i32 to vector<16xi32>
      %parallel_loop3A_327 = arith.shli %parallel_loop3A_314, %parallel_loop3A_326 : vector<16xi32>
      %parallel_loop3A_328 = arith.addi %iota3A, %parallel_loop3A_327 : vector<16xi32>
      %parallel_loop3A_329 = arith.minsi %parallel_loop3A_328, %add3A_8 : vector<16xi32>
      tpu.vector_store_idx %arg7[%parallel_loop3A_329], %parallel_loop3A_318 masked %parallel_loop3A_324 : memref<16448xf32, #tpu.memory_space<vmem>>[vector<16xi32>], vector<16xf32>, vector<16xi1>
      %parallel_loop3A_330 = arith.extui %parallel_loop3A_324 : vector<16xi1> to vector<16xi32>
      %parallel_loop3A_331 = arith.addi %parallel_loop3A_314, %parallel_loop3A_330 : vector<16xi32>
      scf.yield %parallel_loop3A_321, %parallel_loop3A_331 : vector<16xi32>, vector<16xi32>
    } {sc.loop_unroll_factor = 8 : i64, sc.parallel_access}
    %reduce_sum3A = arith.constant true
    %reduce_sum3A_44 = vector.broadcast %reduce_sum3A : i1 to vector<16xi1>
    %reduce_sum3A_45 = tpu.scan <sum>, %parallel_loop3A_43#0 masked %reduce_sum3A_44 : vector<16xi32>, vector<16xi1> -> vector<16xi32>
    %reduce_sum3A_46 = vector.extract %reduce_sum3A_45[15] : i32 from vector<16xi32>
    %reduce_sum3A_47 = arith.constant true
    %reduce_sum3A_48 = vector.broadcast %reduce_sum3A_47 : i1 to vector<16xi1>
    %reduce_sum3A_49 = tpu.scan <sum>, %parallel_loop3A_43#1 masked %reduce_sum3A_48 : vector<16xi32>, vector<16xi1> -> vector<16xi32>
    %reduce_sum3A_50 = vector.extract %reduce_sum3A_49[15] : i32 from vector<16xi32>
    %add3A_51 = arith.addi %reduce_sum3A_46, %reduce_sum3A_50 : i32
    %reduce_max3A = arith.constant true
    %reduce_max3A_52 = vector.broadcast %reduce_max3A : i1 to vector<16xi1>
    %reduce_max3A_53 = arith.constant -2147483648 : i32
    %reduce_max3A_54 = vector.broadcast %reduce_max3A_53 : i32 to vector<16xi32>
    %reduce_max3A_55 = arith.xori %parallel_loop3A_43#1, %reduce_max3A_54 : vector<16xi32>
    %reduce_max3A_56 = tpu.scan <max>, %reduce_max3A_55 masked %reduce_max3A_52 : vector<16xi32>, vector<16xi1> -> vector<16xi32>
    %reduce_max3A_57 = arith.xori %reduce_max3A_56, %reduce_max3A_54 : vector<16xi32>
    %reduce_max3A_58 = vector.extract %reduce_max3A_57[15] : i32 from vector<16xi32>
    %lt3A = arith.constant 9830 : i32
    %lt3A_59 = arith.cmpi slt, %reduce_sum3A_46, %lt3A : i32
    %ge3A = arith.constant 9830 : i32
    %ge3A_60 = arith.cmpi sge, %add3A_51, %ge3A : i32
    %and3A = arith.andi %lt3A_59, %ge3A_60 : i1
    %lt3A_61 = arith.constant 1024 : i32
    %lt3A_62 = arith.cmpi slt, %reduce_max3A_58, %lt3A_61 : i32
    %and3A_63 = arith.andi %and3A, %lt3A_62 : i1
    %convert_element_type3A = arith.extui %and3A_63 : i1 to i32
    %cond3A = arith.constant 9830 : i32
    %cond3A_64 = arith.constant 0 : i32
    %cond3A_65 = arith.cmpi ne, %convert_element_type3A, %cond3A_64 : i32
    %cond3A_66 = scf.if %cond3A_65 -> (i32) {
      %while3A = arith.constant 1056629064 : i32
      %while3A_312 = arith.constant 1058055127 : i32
      %while3A_313:2 = scf.while (%while3A_314 = %while3A, %while3A_315 = %while3A_312) : (i32, i32) -> (i32, i32) {
        %sub3A = arith.subi %while3A_315, %while3A_314 : i32
        %ne3A = arith.constant 1 : i32
        %ne3A_316 = arith.cmpi ne, %sub3A, %ne3A : i32
        scf.condition(%ne3A_316) %while3A_314, %while3A_315 : i32, i32
      } do {
      ^bb0(%while3A_314: i32, %while3A_315: i32):
        %sub3A = arith.subi %while3A_315, %while3A_314 : i32
        %shift_right_logical3A = arith.constant 1 : i32
        %shift_right_logical3A_316 = arith.shrui %sub3A, %shift_right_logical3A : i32
        %add3A_317 = arith.addi %while3A_314, %shift_right_logical3A_316 : i32
        %ge3A_318 = arith.constant 0 : i32
        %ge3A_319 = arith.cmpi sge, %add3A_317, %ge3A_318 : i32
        %xor3A_320 = arith.constant 2147483647 : i32
        %xor3A_321 = arith.xori %add3A_317, %xor3A_320 : i32
        %select_n3A_322 = arith.select %ge3A_319, %add3A_317, %xor3A_321 : i32
        %bitcast_convert_type3A_323 = arith.bitcast %select_n3A_322 : i32 to f32
        %broadcast_in_dim3A_324 = vector.broadcast %bitcast_convert_type3A_323 : f32 to vector<16xf32>
        %parallel_loop3A_325 = arith.constant 0 : i32
        %parallel_loop3A_326 = arith.constant 1 : i32
        %parallel_loop3A_327 = scf.for %parallel_loop3A_336 = %parallel_loop3A_325 to %reduce_max3A_58 step %parallel_loop3A_326 iter_args(%parallel_loop3A_337 = %broadcast_in_dim3A_1) -> (vector<16xi32>)  : i32 {
          %parallel_loop3A_338 = arith.constant 16 : i32
          %parallel_loop3A_339 = arith.muli %parallel_loop3A_336, %parallel_loop3A_338 : i32
          %parallel_loop3A_340 = arith.index_cast %parallel_loop3A_339 : i32 to index
          %parallel_loop3A_341 = tpu.vector_load %arg7[%parallel_loop3A_340] {strides = array<i32>} : memref<16448xf32, #tpu.memory_space<vmem>>, vector<16xf32>,
          %parallel_loop3A_342 = vector.broadcast %parallel_loop3A_336 : i32 to vector<16xi32>
          %parallel_loop3A_343 = arith.cmpi slt, %parallel_loop3A_342, %parallel_loop3A_43#1 : vector<16xi32>
          %parallel_loop3A_344 = arith.cmpf oge, %parallel_loop3A_341, %broadcast_in_dim3A_324 : vector<16xf32>
          %parallel_loop3A_345 = arith.andi %parallel_loop3A_343, %parallel_loop3A_344 : vector<16xi1>
          %parallel_loop3A_346 = arith.extui %parallel_loop3A_345 : vector<16xi1> to vector<16xi32>
          %parallel_loop3A_347 = arith.addi %parallel_loop3A_337, %parallel_loop3A_346 : vector<16xi32>
          scf.yield %parallel_loop3A_347 : vector<16xi32>
        } {sc.loop_unroll_factor = 4 : i64, sc.parallel_access}
        %reduce_sum3A_328 = arith.constant true
        %reduce_sum3A_329 = vector.broadcast %reduce_sum3A_328 : i1 to vector<16xi1>
        %reduce_sum3A_330 = tpu.scan <sum>, %parallel_loop3A_327 masked %reduce_sum3A_329 : vector<16xi32>, vector<16xi1> -> vector<16xi32>
        %reduce_sum3A_331 = vector.extract %reduce_sum3A_330[15] : i32 from vector<16xi32>
        %add3A_332 = arith.addi %reduce_sum3A_46, %reduce_sum3A_331 : i32
        %ge3A_333 = arith.cmpi sge, %add3A_332, %cond3A : i32
        %select_n3A_334 = arith.select %ge3A_333, %add3A_317, %while3A_314 : i32
        %select_n3A_335 = arith.select %ge3A_333, %while3A_315, %add3A_317 : i32
        scf.yield %select_n3A_334, %select_n3A_335 : i32, i32
      }
      scf.yield %while3A_313#0 : i32
    } else {
      %lt3A_312 = arith.cmpi slt, %add3A_51, %cond3A : i32
      %jit3A = arith.constant -2147483648 : i32
      %jit3A_313 = arith.constant 1058055127 : i32
      %select_n3A_314 = arith.select %lt3A_312, %jit3A, %jit3A_313 : i32
      %jit3A_315 = arith.constant 1056629064 : i32
      %jit3A_316 = arith.constant 2147483647 : i32
      %select_n3A_317 = arith.select %lt3A_312, %jit3A_315, %jit3A_316 : i32
      %while3A:2 = scf.while (%while3A_318 = %select_n3A_314, %while3A_319 = %select_n3A_317) : (i32, i32) -> (i32, i32) {
        %sub3A = arith.subi %while3A_319, %while3A_318 : i32
        %ne3A = arith.constant 1 : i32
        %ne3A_320 = arith.cmpi ne, %sub3A, %ne3A : i32
        scf.condition(%ne3A_320) %while3A_318, %while3A_319 : i32, i32
      } do {
      ^bb0(%while3A_318: i32, %while3A_319: i32):
        %sub3A = arith.subi %while3A_319, %while3A_318 : i32
        %shift_right_logical3A = arith.constant 1 : i32
        %shift_right_logical3A_320 = arith.shrui %sub3A, %shift_right_logical3A : i32
        %add3A_321 = arith.addi %while3A_318, %shift_right_logical3A_320 : i32
        %ge3A_322 = arith.constant 0 : i32
        %ge3A_323 = arith.cmpi sge, %add3A_321, %ge3A_322 : i32
        %xor3A_324 = arith.constant 2147483647 : i32
        %xor3A_325 = arith.xori %add3A_321, %xor3A_324 : i32
        %select_n3A_326 = arith.select %ge3A_323, %add3A_321, %xor3A_325 : i32
        %bitcast_convert_type3A_327 = arith.bitcast %select_n3A_326 : i32 to f32
        %broadcast_in_dim3A_328 = vector.broadcast %bitcast_convert_type3A_327 : f32 to vector<16xf32>
        %scan3A = arith.constant 0 : i32
        %scan3A_329 = arith.constant 256 : i32
        %scan3A_330 = arith.addi %scan3A, %scan3A_329 : i32
        %scan3A_331 = arith.constant 1 : i32
        %scan3A_332 = scf.for %scan3A_341 = %scan3A to %scan3A_330 step %scan3A_331 iter_args(%scan3A_342 = %broadcast_in_dim3A_1) -> (vector<16xi32>)  : i32 {
          %mul3A_343 = arith.constant 128 : i32
          %mul3A_344 = arith.muli %scan3A_341, %mul3A_343 : i32
          %add3A_345 = arith.constant 0 : i32
          %add3A_346 = arith.addi %mul3A_344, %add3A_345 : i32
          %get3A = arith.index_cast %add3A_346 : i32 to index
          %get3A_347 = tpu.vector_load %arg4[%get3A] {strides = array<i32>} : memref<32768xf32, #tpu.memory_space<vmem>>, vector<16xf32>,
          %ge3A_348 = arith.cmpf oge, %get3A_347, %broadcast_in_dim3A_328 : vector<16xf32>
          %convert_element_type3A_349 = arith.extui %ge3A_348 : vector<16xi1> to vector<16xi32>
          %add3A_350 = arith.addi %scan3A_342, %convert_element_type3A_349 : vector<16xi32>
          %add3A_351 = arith.constant 16 : i32
          %add3A_352 = arith.addi %mul3A_344, %add3A_351 : i32
          %get3A_353 = arith.index_cast %add3A_352 : i32 to index
          %get3A_354 = tpu.vector_load %arg4[%get3A_353] {strides = array<i32>} : memref<32768xf32, #tpu.memory_space<vmem>>, vector<16xf32>,
          %ge3A_355 = arith.cmpf oge, %get3A_354, %broadcast_in_dim3A_328 : vector<16xf32>
          %convert_element_type3A_356 = arith.extui %ge3A_355 : vector<16xi1> to vector<16xi32>
          %add3A_357 = arith.addi %add3A_350, %convert_element_type3A_356 : vector<16xi32>
          %add3A_358 = arith.constant 32 : i32
          %add3A_359 = arith.addi %mul3A_344, %add3A_358 : i32
          %get3A_360 = arith.index_cast %add3A_359 : i32 to index
          %get3A_361 = tpu.vector_load %arg4[%get3A_360] {strides = array<i32>} : memref<32768xf32, #tpu.memory_space<vmem>>, vector<16xf32>,
          %ge3A_362 = arith.cmpf oge, %get3A_361, %broadcast_in_dim3A_328 : vector<16xf32>
          %convert_element_type3A_363 = arith.extui %ge3A_362 : vector<16xi1> to vector<16xi32>
          %add3A_364 = arith.addi %add3A_357, %convert_element_type3A_363 : vector<16xi32>
          %add3A_365 = arith.constant 48 : i32
          %add3A_366 = arith.addi %mul3A_344, %add3A_365 : i32
          %get3A_367 = arith.index_cast %add3A_366 : i32 to index
          %get3A_368 = tpu.vector_load %arg4[%get3A_367] {strides = array<i32>} : memref<32768xf32, #tpu.memory_space<vmem>>, vector<16xf32>,
          %ge3A_369 = arith.cmpf oge, %get3A_368, %broadcast_in_dim3A_328 : vector<16xf32>
          %convert_element_type3A_370 = arith.extui %ge3A_369 : vector<16xi1> to vector<16xi32>
          %add3A_371 = arith.addi %add3A_364, %convert_element_type3A_370 : vector<16xi32>
          %add3A_372 = arith.constant 64 : i32
          %add3A_373 = arith.addi %mul3A_344, %add3A_372 : i32
          %get3A_374 = arith.index_cast %add3A_373 : i32 to index
          %get3A_375 = tpu.vector_load %arg4[%get3A_374] {strides = array<i32>} : memref<32768xf32, #tpu.memory_space<vmem>>, vector<16xf32>,
          %ge3A_376 = arith.cmpf oge, %get3A_375, %broadcast_in_dim3A_328 : vector<16xf32>
          %convert_element_type3A_377 = arith.extui %ge3A_376 : vector<16xi1> to vector<16xi32>
          %add3A_378 = arith.addi %add3A_371, %convert_element_type3A_377 : vector<16xi32>
          %add3A_379 = arith.constant 80 : i32
          %add3A_380 = arith.addi %mul3A_344, %add3A_379 : i32
          %get3A_381 = arith.index_cast %add3A_380 : i32 to index
          %get3A_382 = tpu.vector_load %arg4[%get3A_381] {strides = array<i32>} : memref<32768xf32, #tpu.memory_space<vmem>>, vector<16xf32>,
          %ge3A_383 = arith.cmpf oge, %get3A_382, %broadcast_in_dim3A_328 : vector<16xf32>
          %convert_element_type3A_384 = arith.extui %ge3A_383 : vector<16xi1> to vector<16xi32>
          %add3A_385 = arith.addi %add3A_378, %convert_element_type3A_384 : vector<16xi32>
          %add3A_386 = arith.constant 96 : i32
          %add3A_387 = arith.addi %mul3A_344, %add3A_386 : i32
          %get3A_388 = arith.index_cast %add3A_387 : i32 to index
          %get3A_389 = tpu.vector_load %arg4[%get3A_388] {strides = array<i32>} : memref<32768xf32, #tpu.memory_space<vmem>>, vector<16xf32>,
          %ge3A_390 = arith.cmpf oge, %get3A_389, %broadcast_in_dim3A_328 : vector<16xf32>
          %convert_element_type3A_391 = arith.extui %ge3A_390 : vector<16xi1> to vector<16xi32>
          %add3A_392 = arith.addi %add3A_385, %convert_element_type3A_391 : vector<16xi32>
          %add3A_393 = arith.constant 112 : i32
          %add3A_394 = arith.addi %mul3A_344, %add3A_393 : i32
          %get3A_395 = arith.index_cast %add3A_394 : i32 to index
          %get3A_396 = tpu.vector_load %arg4[%get3A_395] {strides = array<i32>} : memref<32768xf32, #tpu.memory_space<vmem>>, vector<16xf32>,
          %ge3A_397 = arith.cmpf oge, %get3A_396, %broadcast_in_dim3A_328 : vector<16xf32>
          %convert_element_type3A_398 = arith.extui %ge3A_397 : vector<16xi1> to vector<16xi32>
          %add3A_399 = arith.addi %add3A_392, %convert_element_type3A_398 : vector<16xi32>
          scf.yield %add3A_399 : vector<16xi32>
        }
        %scan3A_333 = arith.constant 256 : i32
        %reduce_sum3A_334 = arith.constant true
        %reduce_sum3A_335 = vector.broadcast %reduce_sum3A_334 : i1 to vector<16xi1>
        %reduce_sum3A_336 = tpu.scan <sum>, %scan3A_332 masked %reduce_sum3A_335 : vector<16xi32>, vector<16xi1> -> vector<16xi32>
        %reduce_sum3A_337 = vector.extract %reduce_sum3A_336[15] : i32 from vector<16xi32>
        %ge3A_338 = arith.cmpi sge, %reduce_sum3A_337, %cond3A : i32
        %select_n3A_339 = arith.select %ge3A_338, %add3A_321, %while3A_318 : i32
        %select_n3A_340 = arith.select %ge3A_338, %while3A_319, %add3A_321 : i32
        scf.yield %select_n3A_339, %select_n3A_340 : i32, i32
      }
      scf.yield %while3A#0 : i32
    }
    %ge3A_67 = arith.constant 0 : i32
    %ge3A_68 = arith.cmpi sge, %cond3A_66, %ge3A_67 : i32
    %xor3A = arith.constant 2147483647 : i32
    %xor3A_69 = arith.xori %cond3A_66, %xor3A : i32
    %select_n3A = arith.select %ge3A_68, %cond3A_66, %xor3A_69 : i32
    %bitcast_convert_type3A = arith.bitcast %select_n3A : i32 to f32
    %broadcast_in_dim3A_70 = vector.broadcast %bitcast_convert_type3A : f32 to vector<16xf32>
    %broadcast_in_dim3A_71 = arith.constant 1.000000e+00 : f32
    %broadcast_in_dim3A_72 = vector.broadcast %broadcast_in_dim3A_71 : f32 to vector<16xf32>
    %broadcast_in_dim3A_73 = arith.constant 0.000000e+00 : f32
    %broadcast_in_dim3A_74 = vector.broadcast %broadcast_in_dim3A_73 : f32 to vector<16xf32>
    %parallel_loop3A_75 = arith.constant 0 : i32
    %parallel_loop3A_76 = arith.constant 2048 : i32
    %parallel_loop3A_77 = arith.constant 1 : i32
    scf.for %parallel_loop3A_312 = %parallel_loop3A_75 to %parallel_loop3A_76 step %parallel_loop3A_77  : i32 {
      %parallel_loop3A_313 = arith.constant 16 : i32
      %parallel_loop3A_314 = arith.muli %parallel_loop3A_312, %parallel_loop3A_313 : i32
      %parallel_loop3A_315 = arith.index_cast %parallel_loop3A_314 : i32 to index
      %parallel_loop3A_316 = tpu.vector_load %arg4[%parallel_loop3A_315] {strides = array<i32>} : memref<32768xf32, #tpu.memory_space<vmem>>, vector<16xf32>,
      %parallel_loop3A_317 = arith.cmpf oge, %parallel_loop3A_316, %broadcast_in_dim3A_70 : vector<16xf32>
      %parallel_loop3A_318 = arith.select %parallel_loop3A_317, %broadcast_in_dim3A_72, %broadcast_in_dim3A_74 : vector<16xi1>, vector<16xf32>
      %parallel_loop3A_319 = arith.index_cast %parallel_loop3A_314 : i32 to index
      %parallel_loop3A_320 = tpu.vector_load %arg4[%parallel_loop3A_319] {strides = array<i32>} : memref<32768xf32, #tpu.memory_space<vmem>>, vector<16xf32>,
      tpu.vector_store %arg4[%parallel_loop3A_319], %parallel_loop3A_318 {strides = array<i32>} : memref<32768xf32, #tpu.memory_space<vmem>>, vector<16xf32>,
    } {sc.loop_unroll_factor = 8 : i64, sc.parallel_access}
    %add3A_78 = arith.constant 0 : i32
    %add3A_79 = arith.addi %mul3A_10, %add3A_78 : i32
    %dma_start3A_80 = arith.constant 0 : i32
    %dma_start3A_81 = tpu.memref_slice %arg3[%add3A_79, %dma_start3A_80] : memref<128x32768xf32, #tpu.memory_space<hbm>> -> memref<1x32768xf32, #tpu.memory_space<hbm>>
    %dma_start3A_82 = tpu.memref_squeeze %dma_start3A_81 : memref<1x32768xf32, #tpu.memory_space<hbm>> -> memref<32768xf32, #tpu.memory_space<hbm>>
    %dma_start3A_83 = arith.constant 0 : i32
    %dma_start3A_84 = tpu.memref_slice %arg3[%add3A_79, %dma_start3A_83] : memref<128x32768xf32, #tpu.memory_space<hbm>> -> memref<1x32768xf32, #tpu.memory_space<hbm>>
    %dma_start3A_85 = tpu.memref_squeeze %dma_start3A_84 : memref<1x32768xf32, #tpu.memory_space<hbm>> -> memref<32768xf32, #tpu.memory_space<hbm>>
    tpu.enqueue_dma source(%arg4 : memref<32768xf32, #tpu.memory_space<vmem>>) target(%dma_start3A_85 : memref<32768xf32, #tpu.memory_space<hbm>>) target_semaphore(%arg11 : memref<!tpu.dma_semaphore, #tpu.memory_space<semaphore_mem>>)
    %dma_wait3A_86 = arith.constant 0 : i32
    %dma_wait3A_87 = tpu.memref_slice %arg2[%add3A_19, %dma_wait3A_86] : memref<128x32768xf32, #tpu.memory_space<hbm>> -> memref<1x32768xf32, #tpu.memory_space<hbm>>
    %dma_wait3A_88 = tpu.memref_squeeze %dma_wait3A_87 : memref<1x32768xf32, #tpu.memory_space<hbm>> -> memref<32768xf32, #tpu.memory_space<hbm>>
    %dma_wait3A_89 = arith.constant 0 : i32
    %dma_wait3A_90 = tpu.memref_slice %arg2[%add3A_19, %dma_wait3A_89] : memref<128x32768xf32, #tpu.memory_space<hbm>> -> memref<1x32768xf32, #tpu.memory_space<hbm>>
    %dma_wait3A_91 = tpu.memref_squeeze %dma_wait3A_90 : memref<1x32768xf32, #tpu.memory_space<hbm>> -> memref<32768xf32, #tpu.memory_space<hbm>>
    tpu.wait_dma2 semaphore(%arg9 : memref<!tpu.dma_semaphore, #tpu.memory_space<semaphore_mem>>) src(%dma_wait3A_91 : memref<32768xf32, #tpu.memory_space<hbm>>) dst(%arg5 : memref<32768xf32, #tpu.memory_space<vmem>>)
    %add3A_92 = arith.constant 1 : i32
    %add3A_93 = arith.addi %mul3A_10, %add3A_92 : i32
    %parallel_loop3A_94 = arith.constant 0 : i32
    %parallel_loop3A_95 = arith.constant 2048 : i32
    %parallel_loop3A_96 = arith.constant 1 : i32
    %parallel_loop3A_97:2 = scf.for %parallel_loop3A_312 = %parallel_loop3A_94 to %parallel_loop3A_95 step %parallel_loop3A_96 iter_args(%parallel_loop3A_313 = %broadcast_in_dim3A_1, %parallel_loop3A_314 = %broadcast_in_dim3A_1) -> (vector<16xi32>, vector<16xi32>)  : i32 {
      %parallel_loop3A_315 = arith.constant 16 : i32
      %parallel_loop3A_316 = arith.muli %parallel_loop3A_312, %parallel_loop3A_315 : i32
      %parallel_loop3A_317 = arith.index_cast %parallel_loop3A_316 : i32 to index
      %parallel_loop3A_318 = tpu.vector_load %arg5[%parallel_loop3A_317] {strides = array<i32>} : memref<32768xf32, #tpu.memory_space<vmem>>, vector<16xf32>,
      %parallel_loop3A_319 = arith.cmpf oge, %parallel_loop3A_318, %broadcast_in_dim3A_5 : vector<16xf32>
      %parallel_loop3A_320 = arith.extui %parallel_loop3A_319 : vector<16xi1> to vector<16xi32>
      %parallel_loop3A_321 = arith.addi %parallel_loop3A_313, %parallel_loop3A_320 : vector<16xi32>
      %parallel_loop3A_322 = arith.cmpf oge, %parallel_loop3A_318, %broadcast_in_dim3A_3 : vector<16xf32>
      %parallel_loop3A_323 = arith.cmpf olt, %parallel_loop3A_318, %broadcast_in_dim3A_5 : vector<16xf32>
      %parallel_loop3A_324 = arith.andi %parallel_loop3A_322, %parallel_loop3A_323 : vector<16xi1>
      %parallel_loop3A_325 = arith.constant 4 : i32
      %parallel_loop3A_326 = vector.broadcast %parallel_loop3A_325 : i32 to vector<16xi32>
      %parallel_loop3A_327 = arith.shli %parallel_loop3A_314, %parallel_loop3A_326 : vector<16xi32>
      %parallel_loop3A_328 = arith.addi %iota3A, %parallel_loop3A_327 : vector<16xi32>
      %parallel_loop3A_329 = arith.minsi %parallel_loop3A_328, %add3A_8 : vector<16xi32>
      tpu.vector_store_idx %arg7[%parallel_loop3A_329], %parallel_loop3A_318 masked %parallel_loop3A_324 : memref<16448xf32, #tpu.memory_space<vmem>>[vector<16xi32>], vector<16xf32>, vector<16xi1>
      %parallel_loop3A_330 = arith.extui %parallel_loop3A_324 : vector<16xi1> to vector<16xi32>
      %parallel_loop3A_331 = arith.addi %parallel_loop3A_314, %parallel_loop3A_330 : vector<16xi32>
      scf.yield %parallel_loop3A_321, %parallel_loop3A_331 : vector<16xi32>, vector<16xi32>
    } {sc.loop_unroll_factor = 8 : i64, sc.parallel_access}
    %reduce_sum3A_98 = arith.constant true
    %reduce_sum3A_99 = vector.broadcast %reduce_sum3A_98 : i1 to vector<16xi1>
    %reduce_sum3A_100 = tpu.scan <sum>, %parallel_loop3A_97#0 masked %reduce_sum3A_99 : vector<16xi32>, vector<16xi1> -> vector<16xi32>
    %reduce_sum3A_101 = vector.extract %reduce_sum3A_100[15] : i32 from vector<16xi32>
    %reduce_sum3A_102 = arith.constant true
    %reduce_sum3A_103 = vector.broadcast %reduce_sum3A_102 : i1 to vector<16xi1>
    %reduce_sum3A_104 = tpu.scan <sum>, %parallel_loop3A_97#1 masked %reduce_sum3A_103 : vector<16xi32>, vector<16xi1> -> vector<16xi32>
    %reduce_sum3A_105 = vector.extract %reduce_sum3A_104[15] : i32 from vector<16xi32>
    %add3A_106 = arith.addi %reduce_sum3A_101, %reduce_sum3A_105 : i32
    %reduce_max3A_107 = arith.constant true
    %reduce_max3A_108 = vector.broadcast %reduce_max3A_107 : i1 to vector<16xi1>
    %reduce_max3A_109 = arith.constant -2147483648 : i32
    %reduce_max3A_110 = vector.broadcast %reduce_max3A_109 : i32 to vector<16xi32>
    %reduce_max3A_111 = arith.xori %parallel_loop3A_97#1, %reduce_max3A_110 : vector<16xi32>
    %reduce_max3A_112 = tpu.scan <max>, %reduce_max3A_111 masked %reduce_max3A_108 : vector<16xi32>, vector<16xi1> -> vector<16xi32>
    %reduce_max3A_113 = arith.xori %reduce_max3A_112, %reduce_max3A_110 : vector<16xi32>
    %reduce_max3A_114 = vector.extract %reduce_max3A_113[15] : i32 from vector<16xi32>
    %lt3A_115 = arith.constant 9830 : i32
    %lt3A_116 = arith.cmpi slt, %reduce_sum3A_101, %lt3A_115 : i32
    %ge3A_117 = arith.constant 9830 : i32
    %ge3A_118 = arith.cmpi sge, %add3A_106, %ge3A_117 : i32
    %and3A_119 = arith.andi %lt3A_116, %ge3A_118 : i1
    %lt3A_120 = arith.constant 1024 : i32
    %lt3A_121 = arith.cmpi slt, %reduce_max3A_114, %lt3A_120 : i32
    %and3A_122 = arith.andi %and3A_119, %lt3A_121 : i1
    %convert_element_type3A_123 = arith.extui %and3A_122 : i1 to i32
    %cond3A_124 = arith.constant 9830 : i32
    %cond3A_125 = arith.constant 0 : i32
    %cond3A_126 = arith.cmpi ne, %convert_element_type3A_123, %cond3A_125 : i32
    %cond3A_127 = scf.if %cond3A_126 -> (i32) {
      %while3A = arith.constant 1056629064 : i32
      %while3A_312 = arith.constant 1058055127 : i32
      %while3A_313:2 = scf.while (%while3A_314 = %while3A, %while3A_315 = %while3A_312) : (i32, i32) -> (i32, i32) {
        %sub3A = arith.subi %while3A_315, %while3A_314 : i32
        %ne3A = arith.constant 1 : i32
        %ne3A_316 = arith.cmpi ne, %sub3A, %ne3A : i32
        scf.condition(%ne3A_316) %while3A_314, %while3A_315 : i32, i32
      } do {
      ^bb0(%while3A_314: i32, %while3A_315: i32):
        %sub3A = arith.subi %while3A_315, %while3A_314 : i32
        %shift_right_logical3A = arith.constant 1 : i32
        %shift_right_logical3A_316 = arith.shrui %sub3A, %shift_right_logical3A : i32
        %add3A_317 = arith.addi %while3A_314, %shift_right_logical3A_316 : i32
        %ge3A_318 = arith.constant 0 : i32
        %ge3A_319 = arith.cmpi sge, %add3A_317, %ge3A_318 : i32
        %xor3A_320 = arith.constant 2147483647 : i32
        %xor3A_321 = arith.xori %add3A_317, %xor3A_320 : i32
        %select_n3A_322 = arith.select %ge3A_319, %add3A_317, %xor3A_321 : i32
        %bitcast_convert_type3A_323 = arith.bitcast %select_n3A_322 : i32 to f32
        %broadcast_in_dim3A_324 = vector.broadcast %bitcast_convert_type3A_323 : f32 to vector<16xf32>
        %parallel_loop3A_325 = arith.constant 0 : i32
        %parallel_loop3A_326 = arith.constant 1 : i32
        %parallel_loop3A_327 = scf.for %parallel_loop3A_336 = %parallel_loop3A_325 to %reduce_max3A_114 step %parallel_loop3A_326 iter_args(%parallel_loop3A_337 = %broadcast_in_dim3A_1) -> (vector<16xi32>)  : i32 {
          %parallel_loop3A_338 = arith.constant 16 : i32
          %parallel_loop3A_339 = arith.muli %parallel_loop3A_336, %parallel_loop3A_338 : i32
          %parallel_loop3A_340 = arith.index_cast %parallel_loop3A_339 : i32 to index
          %parallel_loop3A_341 = tpu.vector_load %arg7[%parallel_loop3A_340] {strides = array<i32>} : memref<16448xf32, #tpu.memory_space<vmem>>, vector<16xf32>,
          %parallel_loop3A_342 = vector.broadcast %parallel_loop3A_336 : i32 to vector<16xi32>
          %parallel_loop3A_343 = arith.cmpi slt, %parallel_loop3A_342, %parallel_loop3A_97#1 : vector<16xi32>
          %parallel_loop3A_344 = arith.cmpf oge, %parallel_loop3A_341, %broadcast_in_dim3A_324 : vector<16xf32>
          %parallel_loop3A_345 = arith.andi %parallel_loop3A_343, %parallel_loop3A_344 : vector<16xi1>
          %parallel_loop3A_346 = arith.extui %parallel_loop3A_345 : vector<16xi1> to vector<16xi32>
          %parallel_loop3A_347 = arith.addi %parallel_loop3A_337, %parallel_loop3A_346 : vector<16xi32>
          scf.yield %parallel_loop3A_347 : vector<16xi32>
        } {sc.loop_unroll_factor = 4 : i64, sc.parallel_access}
        %reduce_sum3A_328 = arith.constant true
        %reduce_sum3A_329 = vector.broadcast %reduce_sum3A_328 : i1 to vector<16xi1>
        %reduce_sum3A_330 = tpu.scan <sum>, %parallel_loop3A_327 masked %reduce_sum3A_329 : vector<16xi32>, vector<16xi1> -> vector<16xi32>
        %reduce_sum3A_331 = vector.extract %reduce_sum3A_330[15] : i32 from vector<16xi32>
        %add3A_332 = arith.addi %reduce_sum3A_101, %reduce_sum3A_331 : i32
        %ge3A_333 = arith.cmpi sge, %add3A_332, %cond3A_124 : i32
        %select_n3A_334 = arith.select %ge3A_333, %add3A_317, %while3A_314 : i32
        %select_n3A_335 = arith.select %ge3A_333, %while3A_315, %add3A_317 : i32
        scf.yield %select_n3A_334, %select_n3A_335 : i32, i32
      }
      scf.yield %while3A_313#0 : i32
    } else {
      %lt3A_312 = arith.cmpi slt, %add3A_106, %cond3A_124 : i32
      %jit3A = arith.constant -2147483648 : i32
      %jit3A_313 = arith.constant 1058055127 : i32
      %select_n3A_314 = arith.select %lt3A_312, %jit3A, %jit3A_313 : i32
      %jit3A_315 = arith.constant 1056629064 : i32
      %jit3A_316 = arith.constant 2147483647 : i32
      %select_n3A_317 = arith.select %lt3A_312, %jit3A_315, %jit3A_316 : i32
      %while3A:2 = scf.while (%while3A_318 = %select_n3A_314, %while3A_319 = %select_n3A_317) : (i32, i32) -> (i32, i32) {
        %sub3A = arith.subi %while3A_319, %while3A_318 : i32
        %ne3A = arith.constant 1 : i32
        %ne3A_320 = arith.cmpi ne, %sub3A, %ne3A : i32
        scf.condition(%ne3A_320) %while3A_318, %while3A_319 : i32, i32
      } do {
      ^bb0(%while3A_318: i32, %while3A_319: i32):
        %sub3A = arith.subi %while3A_319, %while3A_318 : i32
        %shift_right_logical3A = arith.constant 1 : i32
        %shift_right_logical3A_320 = arith.shrui %sub3A, %shift_right_logical3A : i32
        %add3A_321 = arith.addi %while3A_318, %shift_right_logical3A_320 : i32
        %ge3A_322 = arith.constant 0 : i32
        %ge3A_323 = arith.cmpi sge, %add3A_321, %ge3A_322 : i32
        %xor3A_324 = arith.constant 2147483647 : i32
        %xor3A_325 = arith.xori %add3A_321, %xor3A_324 : i32
        %select_n3A_326 = arith.select %ge3A_323, %add3A_321, %xor3A_325 : i32
        %bitcast_convert_type3A_327 = arith.bitcast %select_n3A_326 : i32 to f32
        %broadcast_in_dim3A_328 = vector.broadcast %bitcast_convert_type3A_327 : f32 to vector<16xf32>
        %scan3A = arith.constant 0 : i32
        %scan3A_329 = arith.constant 256 : i32
        %scan3A_330 = arith.addi %scan3A, %scan3A_329 : i32
        %scan3A_331 = arith.constant 1 : i32
        %scan3A_332 = scf.for %scan3A_341 = %scan3A to %scan3A_330 step %scan3A_331 iter_args(%scan3A_342 = %broadcast_in_dim3A_1) -> (vector<16xi32>)  : i32 {
          %mul3A_343 = arith.constant 128 : i32
          %mul3A_344 = arith.muli %scan3A_341, %mul3A_343 : i32
          %add3A_345 = arith.constant 0 : i32
          %add3A_346 = arith.addi %mul3A_344, %add3A_345 : i32
          %get3A = arith.index_cast %add3A_346 : i32 to index
          %get3A_347 = tpu.vector_load %arg5[%get3A] {strides = array<i32>} : memref<32768xf32, #tpu.memory_space<vmem>>, vector<16xf32>,
          %ge3A_348 = arith.cmpf oge, %get3A_347, %broadcast_in_dim3A_328 : vector<16xf32>
          %convert_element_type3A_349 = arith.extui %ge3A_348 : vector<16xi1> to vector<16xi32>
          %add3A_350 = arith.addi %scan3A_342, %convert_element_type3A_349 : vector<16xi32>
          %add3A_351 = arith.constant 16 : i32
          %add3A_352 = arith.addi %mul3A_344, %add3A_351 : i32
          %get3A_353 = arith.index_cast %add3A_352 : i32 to index
          %get3A_354 = tpu.vector_load %arg5[%get3A_353] {strides = array<i32>} : memref<32768xf32, #tpu.memory_space<vmem>>, vector<16xf32>,
          %ge3A_355 = arith.cmpf oge, %get3A_354, %broadcast_in_dim3A_328 : vector<16xf32>
          %convert_element_type3A_356 = arith.extui %ge3A_355 : vector<16xi1> to vector<16xi32>
          %add3A_357 = arith.addi %add3A_350, %convert_element_type3A_356 : vector<16xi32>
          %add3A_358 = arith.constant 32 : i32
          %add3A_359 = arith.addi %mul3A_344, %add3A_358 : i32
          %get3A_360 = arith.index_cast %add3A_359 : i32 to index
          %get3A_361 = tpu.vector_load %arg5[%get3A_360] {strides = array<i32>} : memref<32768xf32, #tpu.memory_space<vmem>>, vector<16xf32>,
          %ge3A_362 = arith.cmpf oge, %get3A_361, %broadcast_in_dim3A_328 : vector<16xf32>
          %convert_element_type3A_363 = arith.extui %ge3A_362 : vector<16xi1> to vector<16xi32>
          %add3A_364 = arith.addi %add3A_357, %convert_element_type3A_363 : vector<16xi32>
          %add3A_365 = arith.constant 48 : i32
          %add3A_366 = arith.addi %mul3A_344, %add3A_365 : i32
          %get3A_367 = arith.index_cast %add3A_366 : i32 to index
          %get3A_368 = tpu.vector_load %arg5[%get3A_367] {strides = array<i32>} : memref<32768xf32, #tpu.memory_space<vmem>>, vector<16xf32>,
          %ge3A_369 = arith.cmpf oge, %get3A_368, %broadcast_in_dim3A_328 : vector<16xf32>
          %convert_element_type3A_370 = arith.extui %ge3A_369 : vector<16xi1> to vector<16xi32>
          %add3A_371 = arith.addi %add3A_364, %convert_element_type3A_370 : vector<16xi32>
          %add3A_372 = arith.constant 64 : i32
          %add3A_373 = arith.addi %mul3A_344, %add3A_372 : i32
          %get3A_374 = arith.index_cast %add3A_373 : i32 to index
          %get3A_375 = tpu.vector_load %arg5[%get3A_374] {strides = array<i32>} : memref<32768xf32, #tpu.memory_space<vmem>>, vector<16xf32>,
          %ge3A_376 = arith.cmpf oge, %get3A_375, %broadcast_in_dim3A_328 : vector<16xf32>
          %convert_element_type3A_377 = arith.extui %ge3A_376 : vector<16xi1> to vector<16xi32>
          %add3A_378 = arith.addi %add3A_371, %convert_element_type3A_377 : vector<16xi32>
          %add3A_379 = arith.constant 80 : i32
          %add3A_380 = arith.addi %mul3A_344, %add3A_379 : i32
          %get3A_381 = arith.index_cast %add3A_380 : i32 to index
          %get3A_382 = tpu.vector_load %arg5[%get3A_381] {strides = array<i32>} : memref<32768xf32, #tpu.memory_space<vmem>>, vector<16xf32>,
          %ge3A_383 = arith.cmpf oge, %get3A_382, %broadcast_in_dim3A_328 : vector<16xf32>
          %convert_element_type3A_384 = arith.extui %ge3A_383 : vector<16xi1> to vector<16xi32>
          %add3A_385 = arith.addi %add3A_378, %convert_element_type3A_384 : vector<16xi32>
          %add3A_386 = arith.constant 96 : i32
          %add3A_387 = arith.addi %mul3A_344, %add3A_386 : i32
          %get3A_388 = arith.index_cast %add3A_387 : i32 to index
          %get3A_389 = tpu.vector_load %arg5[%get3A_388] {strides = array<i32>} : memref<32768xf32, #tpu.memory_space<vmem>>, vector<16xf32>,
          %ge3A_390 = arith.cmpf oge, %get3A_389, %broadcast_in_dim3A_328 : vector<16xf32>
          %convert_element_type3A_391 = arith.extui %ge3A_390 : vector<16xi1> to vector<16xi32>
          %add3A_392 = arith.addi %add3A_385, %convert_element_type3A_391 : vector<16xi32>
          %add3A_393 = arith.constant 112 : i32
          %add3A_394 = arith.addi %mul3A_344, %add3A_393 : i32
          %get3A_395 = arith.index_cast %add3A_394 : i32 to index
          %get3A_396 = tpu.vector_load %arg5[%get3A_395] {strides = array<i32>} : memref<32768xf32, #tpu.memory_space<vmem>>, vector<16xf32>,
          %ge3A_397 = arith.cmpf oge, %get3A_396, %broadcast_in_dim3A_328 : vector<16xf32>
          %convert_element_type3A_398 = arith.extui %ge3A_397 : vector<16xi1> to vector<16xi32>
          %add3A_399 = arith.addi %add3A_392, %convert_element_type3A_398 : vector<16xi32>
          scf.yield %add3A_399 : vector<16xi32>
        }
        %scan3A_333 = arith.constant 256 : i32
        %reduce_sum3A_334 = arith.constant true
        %reduce_sum3A_335 = vector.broadcast %reduce_sum3A_334 : i1 to vector<16xi1>
        %reduce_sum3A_336 = tpu.scan <sum>, %scan3A_332 masked %reduce_sum3A_335 : vector<16xi32>, vector<16xi1> -> vector<16xi32>
        %reduce_sum3A_337 = vector.extract %reduce_sum3A_336[15] : i32 from vector<16xi32>
        %ge3A_338 = arith.cmpi sge, %reduce_sum3A_337, %cond3A_124 : i32
        %select_n3A_339 = arith.select %ge3A_338, %add3A_321, %while3A_318 : i32
        %select_n3A_340 = arith.select %ge3A_338, %while3A_319, %add3A_321 : i32
        scf.yield %select_n3A_339, %select_n3A_340 : i32, i32
      }
      scf.yield %while3A#0 : i32
    }
    %ge3A_128 = arith.constant 0 : i32
    %ge3A_129 = arith.cmpi sge, %cond3A_127, %ge3A_128 : i32
    %xor3A_130 = arith.constant 2147483647 : i32
    %xor3A_131 = arith.xori %cond3A_127, %xor3A_130 : i32
    %select_n3A_132 = arith.select %ge3A_129, %cond3A_127, %xor3A_131 : i32
    %bitcast_convert_type3A_133 = arith.bitcast %select_n3A_132 : i32 to f32
    %broadcast_in_dim3A_134 = vector.broadcast %bitcast_convert_type3A_133 : f32 to vector<16xf32>
    %broadcast_in_dim3A_135 = arith.constant 1.000000e+00 : f32
    %broadcast_in_dim3A_136 = vector.broadcast %broadcast_in_dim3A_135 : f32 to vector<16xf32>
    %broadcast_in_dim3A_137 = arith.constant 0.000000e+00 : f32
    %broadcast_in_dim3A_138 = vector.broadcast %broadcast_in_dim3A_137 : f32 to vector<16xf32>
    %parallel_loop3A_139 = arith.constant 0 : i32
    %parallel_loop3A_140 = arith.constant 2048 : i32
    %parallel_loop3A_141 = arith.constant 1 : i32
    scf.for %parallel_loop3A_312 = %parallel_loop3A_139 to %parallel_loop3A_140 step %parallel_loop3A_141  : i32 {
      %parallel_loop3A_313 = arith.constant 16 : i32
      %parallel_loop3A_314 = arith.muli %parallel_loop3A_312, %parallel_loop3A_313 : i32
      %parallel_loop3A_315 = arith.index_cast %parallel_loop3A_314 : i32 to index
      %parallel_loop3A_316 = tpu.vector_load %arg5[%parallel_loop3A_315] {strides = array<i32>} : memref<32768xf32, #tpu.memory_space<vmem>>, vector<16xf32>,
      %parallel_loop3A_317 = arith.cmpf oge, %parallel_loop3A_316, %broadcast_in_dim3A_134 : vector<16xf32>
      %parallel_loop3A_318 = arith.select %parallel_loop3A_317, %broadcast_in_dim3A_136, %broadcast_in_dim3A_138 : vector<16xi1>, vector<16xf32>
      %parallel_loop3A_319 = arith.index_cast %parallel_loop3A_314 : i32 to index
      %parallel_loop3A_320 = tpu.vector_load %arg5[%parallel_loop3A_319] {strides = array<i32>} : memref<32768xf32, #tpu.memory_space<vmem>>, vector<16xf32>,
      tpu.vector_store %arg5[%parallel_loop3A_319], %parallel_loop3A_318 {strides = array<i32>} : memref<32768xf32, #tpu.memory_space<vmem>>, vector<16xf32>,
    } {sc.loop_unroll_factor = 8 : i64, sc.parallel_access}
    %dma_wait3A_142 = arith.constant 0 : i32
    %dma_wait3A_143 = tpu.memref_slice %arg3[%add3A_79, %dma_wait3A_142] : memref<128x32768xf32, #tpu.memory_space<hbm>> -> memref<1x32768xf32, #tpu.memory_space<hbm>>
    %dma_wait3A_144 = tpu.memref_squeeze %dma_wait3A_143 : memref<1x32768xf32, #tpu.memory_space<hbm>> -> memref<32768xf32, #tpu.memory_space<hbm>>
    %dma_wait3A_145 = arith.constant 0 : i32
    %dma_wait3A_146 = tpu.memref_slice %arg3[%add3A_79, %dma_wait3A_145] : memref<128x32768xf32, #tpu.memory_space<hbm>> -> memref<1x32768xf32, #tpu.memory_space<hbm>>
    %dma_wait3A_147 = tpu.memref_squeeze %dma_wait3A_146 : memref<1x32768xf32, #tpu.memory_space<hbm>> -> memref<32768xf32, #tpu.memory_space<hbm>>
    tpu.wait_dma2 semaphore(%arg11 : memref<!tpu.dma_semaphore, #tpu.memory_space<semaphore_mem>>) src(%arg4 : memref<32768xf32, #tpu.memory_space<vmem>>) dst(%dma_wait3A_147 : memref<32768xf32, #tpu.memory_space<hbm>>)
    %add3A_148 = arith.constant 1 : i32
    %add3A_149 = arith.addi %mul3A_10, %add3A_148 : i32
    %add3A_150 = arith.constant 2 : i32
    %add3A_151 = arith.addi %add3A_149, %add3A_150 : i32
    %dma_start3A_152 = arith.constant 0 : i32
    %dma_start3A_153 = tpu.memref_slice %arg2[%add3A_151, %dma_start3A_152] : memref<128x32768xf32, #tpu.memory_space<hbm>> -> memref<1x32768xf32, #tpu.memory_space<hbm>>
    %dma_start3A_154 = tpu.memref_squeeze %dma_start3A_153 : memref<1x32768xf32, #tpu.memory_space<hbm>> -> memref<32768xf32, #tpu.memory_space<hbm>>
    %dma_start3A_155 = arith.constant 0 : i32
    %dma_start3A_156 = tpu.memref_slice %arg2[%add3A_151, %dma_start3A_155] : memref<128x32768xf32, #tpu.memory_space<hbm>> -> memref<1x32768xf32, #tpu.memory_space<hbm>>
    %dma_start3A_157 = tpu.memref_squeeze %dma_start3A_156 : memref<1x32768xf32, #tpu.memory_space<hbm>> -> memref<32768xf32, #tpu.memory_space<hbm>>
    tpu.enqueue_dma source(%dma_start3A_157 : memref<32768xf32, #tpu.memory_space<hbm>>) target(%arg4 : memref<32768xf32, #tpu.memory_space<vmem>>) target_semaphore(%arg8 : memref<!tpu.dma_semaphore, #tpu.memory_space<semaphore_mem>>)
    %add3A_158 = arith.constant 1 : i32
    %add3A_159 = arith.addi %mul3A_10, %add3A_158 : i32
    %dma_start3A_160 = arith.constant 0 : i32
    %dma_start3A_161 = tpu.memref_slice %arg3[%add3A_159, %dma_start3A_160] : memref<128x32768xf32, #tpu.memory_space<hbm>> -> memref<1x32768xf32, #tpu.memory_space<hbm>>
    %dma_start3A_162 = tpu.memref_squeeze %dma_start3A_161 : memref<1x32768xf32, #tpu.memory_space<hbm>> -> memref<32768xf32, #tpu.memory_space<hbm>>
    %dma_start3A_163 = arith.constant 0 : i32
    %dma_start3A_164 = tpu.memref_slice %arg3[%add3A_159, %dma_start3A_163] : memref<128x32768xf32, #tpu.memory_space<hbm>> -> memref<1x32768xf32, #tpu.memory_space<hbm>>
    %dma_start3A_165 = tpu.memref_squeeze %dma_start3A_164 : memref<1x32768xf32, #tpu.memory_space<hbm>> -> memref<32768xf32, #tpu.memory_space<hbm>>
    tpu.enqueue_dma source(%arg5 : memref<32768xf32, #tpu.memory_space<vmem>>) target(%dma_start3A_165 : memref<32768xf32, #tpu.memory_space<hbm>>) target_semaphore(%arg12 : memref<!tpu.dma_semaphore, #tpu.memory_space<semaphore_mem>>)
    %dma_wait3A_166 = arith.constant 0 : i32
    %dma_wait3A_167 = tpu.memref_slice %arg2[%add3A_27, %dma_wait3A_166] : memref<128x32768xf32, #tpu.memory_space<hbm>> -> memref<1x32768xf32, #tpu.memory_space<hbm>>
    %dma_wait3A_168 = tpu.memref_squeeze %dma_wait3A_167 : memref<1x32768xf32, #tpu.memory_space<hbm>> -> memref<32768xf32, #tpu.memory_space<hbm>>
    %dma_wait3A_169 = arith.constant 0 : i32
    %dma_wait3A_170 = tpu.memref_slice %arg2[%add3A_27, %dma_wait3A_169] : memref<128x32768xf32, #tpu.memory_space<hbm>> -> memref<1x32768xf32, #tpu.memory_space<hbm>>
    %dma_wait3A_171 = tpu.memref_squeeze %dma_wait3A_170 : memref<1x32768xf32, #tpu.memory_space<hbm>> -> memref<32768xf32, #tpu.memory_space<hbm>>
    tpu.wait_dma2 semaphore(%arg10 : memref<!tpu.dma_semaphore, #tpu.memory_space<semaphore_mem>>) src(%dma_wait3A_171 : memref<32768xf32, #tpu.memory_space<hbm>>) dst(%arg6 : memref<32768xf32, #tpu.memory_space<vmem>>)
    %add3A_172 = arith.constant 2 : i32
    %add3A_173 = arith.addi %mul3A_10, %add3A_172 : i32
    %parallel_loop3A_174 = arith.constant 0 : i32
    %parallel_loop3A_175 = arith.constant 2048 : i32
    %parallel_loop3A_176 = arith.constant 1 : i32
    %parallel_loop3A_177:2 = scf.for %parallel_loop3A_312 = %parallel_loop3A_174 to %parallel_loop3A_175 step %parallel_loop3A_176 iter_args(%parallel_loop3A_313 = %broadcast_in_dim3A_1, %parallel_loop3A_314 = %broadcast_in_dim3A_1) -> (vector<16xi32>, vector<16xi32>)  : i32 {
      %parallel_loop3A_315 = arith.constant 16 : i32
      %parallel_loop3A_316 = arith.muli %parallel_loop3A_312, %parallel_loop3A_315 : i32
      %parallel_loop3A_317 = arith.index_cast %parallel_loop3A_316 : i32 to index
      %parallel_loop3A_318 = tpu.vector_load %arg6[%parallel_loop3A_317] {strides = array<i32>} : memref<32768xf32, #tpu.memory_space<vmem>>, vector<16xf32>,
      %parallel_loop3A_319 = arith.cmpf oge, %parallel_loop3A_318, %broadcast_in_dim3A_5 : vector<16xf32>
      %parallel_loop3A_320 = arith.extui %parallel_loop3A_319 : vector<16xi1> to vector<16xi32>
      %parallel_loop3A_321 = arith.addi %parallel_loop3A_313, %parallel_loop3A_320 : vector<16xi32>
      %parallel_loop3A_322 = arith.cmpf oge, %parallel_loop3A_318, %broadcast_in_dim3A_3 : vector<16xf32>
      %parallel_loop3A_323 = arith.cmpf olt, %parallel_loop3A_318, %broadcast_in_dim3A_5 : vector<16xf32>
      %parallel_loop3A_324 = arith.andi %parallel_loop3A_322, %parallel_loop3A_323 : vector<16xi1>
      %parallel_loop3A_325 = arith.constant 4 : i32
      %parallel_loop3A_326 = vector.broadcast %parallel_loop3A_325 : i32 to vector<16xi32>
      %parallel_loop3A_327 = arith.shli %parallel_loop3A_314, %parallel_loop3A_326 : vector<16xi32>
      %parallel_loop3A_328 = arith.addi %iota3A, %parallel_loop3A_327 : vector<16xi32>
      %parallel_loop3A_329 = arith.minsi %parallel_loop3A_328, %add3A_8 : vector<16xi32>
      tpu.vector_store_idx %arg7[%parallel_loop3A_329], %parallel_loop3A_318 masked %parallel_loop3A_324 : memref<16448xf32, #tpu.memory_space<vmem>>[vector<16xi32>], vector<16xf32>, vector<16xi1>
      %parallel_loop3A_330 = arith.extui %parallel_loop3A_324 : vector<16xi1> to vector<16xi32>
      %parallel_loop3A_331 = arith.addi %parallel_loop3A_314, %parallel_loop3A_330 : vector<16xi32>
      scf.yield %parallel_loop3A_321, %parallel_loop3A_331 : vector<16xi32>, vector<16xi32>
    } {sc.loop_unroll_factor = 8 : i64, sc.parallel_access}
    %reduce_sum3A_178 = arith.constant true
    %reduce_sum3A_179 = vector.broadcast %reduce_sum3A_178 : i1 to vector<16xi1>
    %reduce_sum3A_180 = tpu.scan <sum>, %parallel_loop3A_177#0 masked %reduce_sum3A_179 : vector<16xi32>, vector<16xi1> -> vector<16xi32>
    %reduce_sum3A_181 = vector.extract %reduce_sum3A_180[15] : i32 from vector<16xi32>
    %reduce_sum3A_182 = arith.constant true
    %reduce_sum3A_183 = vector.broadcast %reduce_sum3A_182 : i1 to vector<16xi1>
    %reduce_sum3A_184 = tpu.scan <sum>, %parallel_loop3A_177#1 masked %reduce_sum3A_183 : vector<16xi32>, vector<16xi1> -> vector<16xi32>
    %reduce_sum3A_185 = vector.extract %reduce_sum3A_184[15] : i32 from vector<16xi32>
    %add3A_186 = arith.addi %reduce_sum3A_181, %reduce_sum3A_185 : i32
    %reduce_max3A_187 = arith.constant true
    %reduce_max3A_188 = vector.broadcast %reduce_max3A_187 : i1 to vector<16xi1>
    %reduce_max3A_189 = arith.constant -2147483648 : i32
    %reduce_max3A_190 = vector.broadcast %reduce_max3A_189 : i32 to vector<16xi32>
    %reduce_max3A_191 = arith.xori %parallel_loop3A_177#1, %reduce_max3A_190 : vector<16xi32>
    %reduce_max3A_192 = tpu.scan <max>, %reduce_max3A_191 masked %reduce_max3A_188 : vector<16xi32>, vector<16xi1> -> vector<16xi32>
    %reduce_max3A_193 = arith.xori %reduce_max3A_192, %reduce_max3A_190 : vector<16xi32>
    %reduce_max3A_194 = vector.extract %reduce_max3A_193[15] : i32 from vector<16xi32>
    %lt3A_195 = arith.constant 9830 : i32
    %lt3A_196 = arith.cmpi slt, %reduce_sum3A_181, %lt3A_195 : i32
    %ge3A_197 = arith.constant 9830 : i32
    %ge3A_198 = arith.cmpi sge, %add3A_186, %ge3A_197 : i32
    %and3A_199 = arith.andi %lt3A_196, %ge3A_198 : i1
    %lt3A_200 = arith.constant 1024 : i32
    %lt3A_201 = arith.cmpi slt, %reduce_max3A_194, %lt3A_200 : i32
    %and3A_202 = arith.andi %and3A_199, %lt3A_201 : i1
    %convert_element_type3A_203 = arith.extui %and3A_202 : i1 to i32
    %cond3A_204 = arith.constant 9830 : i32
    %cond3A_205 = arith.constant 0 : i32
    %cond3A_206 = arith.cmpi ne, %convert_element_type3A_203, %cond3A_205 : i32
    %cond3A_207 = scf.if %cond3A_206 -> (i32) {
      %while3A = arith.constant 1056629064 : i32
      %while3A_312 = arith.constant 1058055127 : i32
      %while3A_313:2 = scf.while (%while3A_314 = %while3A, %while3A_315 = %while3A_312) : (i32, i32) -> (i32, i32) {
        %sub3A = arith.subi %while3A_315, %while3A_314 : i32
        %ne3A = arith.constant 1 : i32
        %ne3A_316 = arith.cmpi ne, %sub3A, %ne3A : i32
        scf.condition(%ne3A_316) %while3A_314, %while3A_315 : i32, i32
      } do {
      ^bb0(%while3A_314: i32, %while3A_315: i32):
        %sub3A = arith.subi %while3A_315, %while3A_314 : i32
        %shift_right_logical3A = arith.constant 1 : i32
        %shift_right_logical3A_316 = arith.shrui %sub3A, %shift_right_logical3A : i32
        %add3A_317 = arith.addi %while3A_314, %shift_right_logical3A_316 : i32
        %ge3A_318 = arith.constant 0 : i32
        %ge3A_319 = arith.cmpi sge, %add3A_317, %ge3A_318 : i32
        %xor3A_320 = arith.constant 2147483647 : i32
        %xor3A_321 = arith.xori %add3A_317, %xor3A_320 : i32
        %select_n3A_322 = arith.select %ge3A_319, %add3A_317, %xor3A_321 : i32
        %bitcast_convert_type3A_323 = arith.bitcast %select_n3A_322 : i32 to f32
        %broadcast_in_dim3A_324 = vector.broadcast %bitcast_convert_type3A_323 : f32 to vector<16xf32>
        %parallel_loop3A_325 = arith.constant 0 : i32
        %parallel_loop3A_326 = arith.constant 1 : i32
        %parallel_loop3A_327 = scf.for %parallel_loop3A_336 = %parallel_loop3A_325 to %reduce_max3A_194 step %parallel_loop3A_326 iter_args(%parallel_loop3A_337 = %broadcast_in_dim3A_1) -> (vector<16xi32>)  : i32 {
          %parallel_loop3A_338 = arith.constant 16 : i32
          %parallel_loop3A_339 = arith.muli %parallel_loop3A_336, %parallel_loop3A_338 : i32
          %parallel_loop3A_340 = arith.index_cast %parallel_loop3A_339 : i32 to index
          %parallel_loop3A_341 = tpu.vector_load %arg7[%parallel_loop3A_340] {strides = array<i32>} : memref<16448xf32, #tpu.memory_space<vmem>>, vector<16xf32>,
          %parallel_loop3A_342 = vector.broadcast %parallel_loop3A_336 : i32 to vector<16xi32>
          %parallel_loop3A_343 = arith.cmpi slt, %parallel_loop3A_342, %parallel_loop3A_177#1 : vector<16xi32>
          %parallel_loop3A_344 = arith.cmpf oge, %parallel_loop3A_341, %broadcast_in_dim3A_324 : vector<16xf32>
          %parallel_loop3A_345 = arith.andi %parallel_loop3A_343, %parallel_loop3A_344 : vector<16xi1>
          %parallel_loop3A_346 = arith.extui %parallel_loop3A_345 : vector<16xi1> to vector<16xi32>
          %parallel_loop3A_347 = arith.addi %parallel_loop3A_337, %parallel_loop3A_346 : vector<16xi32>
          scf.yield %parallel_loop3A_347 : vector<16xi32>
        } {sc.loop_unroll_factor = 4 : i64, sc.parallel_access}
        %reduce_sum3A_328 = arith.constant true
        %reduce_sum3A_329 = vector.broadcast %reduce_sum3A_328 : i1 to vector<16xi1>
        %reduce_sum3A_330 = tpu.scan <sum>, %parallel_loop3A_327 masked %reduce_sum3A_329 : vector<16xi32>, vector<16xi1> -> vector<16xi32>
        %reduce_sum3A_331 = vector.extract %reduce_sum3A_330[15] : i32 from vector<16xi32>
        %add3A_332 = arith.addi %reduce_sum3A_181, %reduce_sum3A_331 : i32
        %ge3A_333 = arith.cmpi sge, %add3A_332, %cond3A_204 : i32
        %select_n3A_334 = arith.select %ge3A_333, %add3A_317, %while3A_314 : i32
        %select_n3A_335 = arith.select %ge3A_333, %while3A_315, %add3A_317 : i32
        scf.yield %select_n3A_334, %select_n3A_335 : i32, i32
      }
      scf.yield %while3A_313#0 : i32
    } else {
      %lt3A_312 = arith.cmpi slt, %add3A_186, %cond3A_204 : i32
      %jit3A = arith.constant -2147483648 : i32
      %jit3A_313 = arith.constant 1058055127 : i32
      %select_n3A_314 = arith.select %lt3A_312, %jit3A, %jit3A_313 : i32
      %jit3A_315 = arith.constant 1056629064 : i32
      %jit3A_316 = arith.constant 2147483647 : i32
      %select_n3A_317 = arith.select %lt3A_312, %jit3A_315, %jit3A_316 : i32
      %while3A:2 = scf.while (%while3A_318 = %select_n3A_314, %while3A_319 = %select_n3A_317) : (i32, i32) -> (i32, i32) {
        %sub3A = arith.subi %while3A_319, %while3A_318 : i32
        %ne3A = arith.constant 1 : i32
        %ne3A_320 = arith.cmpi ne, %sub3A, %ne3A : i32
        scf.condition(%ne3A_320) %while3A_318, %while3A_319 : i32, i32
      } do {
      ^bb0(%while3A_318: i32, %while3A_319: i32):
        %sub3A = arith.subi %while3A_319, %while3A_318 : i32
        %shift_right_logical3A = arith.constant 1 : i32
        %shift_right_logical3A_320 = arith.shrui %sub3A, %shift_right_logical3A : i32
        %add3A_321 = arith.addi %while3A_318, %shift_right_logical3A_320 : i32
        %ge3A_322 = arith.constant 0 : i32
        %ge3A_323 = arith.cmpi sge, %add3A_321, %ge3A_322 : i32
        %xor3A_324 = arith.constant 2147483647 : i32
        %xor3A_325 = arith.xori %add3A_321, %xor3A_324 : i32
        %select_n3A_326 = arith.select %ge3A_323, %add3A_321, %xor3A_325 : i32
        %bitcast_convert_type3A_327 = arith.bitcast %select_n3A_326 : i32 to f32
        %broadcast_in_dim3A_328 = vector.broadcast %bitcast_convert_type3A_327 : f32 to vector<16xf32>
        %scan3A = arith.constant 0 : i32
        %scan3A_329 = arith.constant 256 : i32
        %scan3A_330 = arith.addi %scan3A, %scan3A_329 : i32
        %scan3A_331 = arith.constant 1 : i32
        %scan3A_332 = scf.for %scan3A_341 = %scan3A to %scan3A_330 step %scan3A_331 iter_args(%scan3A_342 = %broadcast_in_dim3A_1) -> (vector<16xi32>)  : i32 {
          %mul3A_343 = arith.constant 128 : i32
          %mul3A_344 = arith.muli %scan3A_341, %mul3A_343 : i32
          %add3A_345 = arith.constant 0 : i32
          %add3A_346 = arith.addi %mul3A_344, %add3A_345 : i32
          %get3A = arith.index_cast %add3A_346 : i32 to index
          %get3A_347 = tpu.vector_load %arg6[%get3A] {strides = array<i32>} : memref<32768xf32, #tpu.memory_space<vmem>>, vector<16xf32>,
          %ge3A_348 = arith.cmpf oge, %get3A_347, %broadcast_in_dim3A_328 : vector<16xf32>
          %convert_element_type3A_349 = arith.extui %ge3A_348 : vector<16xi1> to vector<16xi32>
          %add3A_350 = arith.addi %scan3A_342, %convert_element_type3A_349 : vector<16xi32>
          %add3A_351 = arith.constant 16 : i32
          %add3A_352 = arith.addi %mul3A_344, %add3A_351 : i32
          %get3A_353 = arith.index_cast %add3A_352 : i32 to index
          %get3A_354 = tpu.vector_load %arg6[%get3A_353] {strides = array<i32>} : memref<32768xf32, #tpu.memory_space<vmem>>, vector<16xf32>,
          %ge3A_355 = arith.cmpf oge, %get3A_354, %broadcast_in_dim3A_328 : vector<16xf32>
          %convert_element_type3A_356 = arith.extui %ge3A_355 : vector<16xi1> to vector<16xi32>
          %add3A_357 = arith.addi %add3A_350, %convert_element_type3A_356 : vector<16xi32>
          %add3A_358 = arith.constant 32 : i32
          %add3A_359 = arith.addi %mul3A_344, %add3A_358 : i32
          %get3A_360 = arith.index_cast %add3A_359 : i32 to index
          %get3A_361 = tpu.vector_load %arg6[%get3A_360] {strides = array<i32>} : memref<32768xf32, #tpu.memory_space<vmem>>, vector<16xf32>,
          %ge3A_362 = arith.cmpf oge, %get3A_361, %broadcast_in_dim3A_328 : vector<16xf32>
          %convert_element_type3A_363 = arith.extui %ge3A_362 : vector<16xi1> to vector<16xi32>
          %add3A_364 = arith.addi %add3A_357, %convert_element_type3A_363 : vector<16xi32>
          %add3A_365 = arith.constant 48 : i32
          %add3A_366 = arith.addi %mul3A_344, %add3A_365 : i32
          %get3A_367 = arith.index_cast %add3A_366 : i32 to index
          %get3A_368 = tpu.vector_load %arg6[%get3A_367] {strides = array<i32>} : memref<32768xf32, #tpu.memory_space<vmem>>, vector<16xf32>,
          %ge3A_369 = arith.cmpf oge, %get3A_368, %broadcast_in_dim3A_328 : vector<16xf32>
          %convert_element_type3A_370 = arith.extui %ge3A_369 : vector<16xi1> to vector<16xi32>
          %add3A_371 = arith.addi %add3A_364, %convert_element_type3A_370 : vector<16xi32>
          %add3A_372 = arith.constant 64 : i32
          %add3A_373 = arith.addi %mul3A_344, %add3A_372 : i32
          %get3A_374 = arith.index_cast %add3A_373 : i32 to index
          %get3A_375 = tpu.vector_load %arg6[%get3A_374] {strides = array<i32>} : memref<32768xf32, #tpu.memory_space<vmem>>, vector<16xf32>,
          %ge3A_376 = arith.cmpf oge, %get3A_375, %broadcast_in_dim3A_328 : vector<16xf32>
          %convert_element_type3A_377 = arith.extui %ge3A_376 : vector<16xi1> to vector<16xi32>
          %add3A_378 = arith.addi %add3A_371, %convert_element_type3A_377 : vector<16xi32>
          %add3A_379 = arith.constant 80 : i32
          %add3A_380 = arith.addi %mul3A_344, %add3A_379 : i32
          %get3A_381 = arith.index_cast %add3A_380 : i32 to index
          %get3A_382 = tpu.vector_load %arg6[%get3A_381] {strides = array<i32>} : memref<32768xf32, #tpu.memory_space<vmem>>, vector<16xf32>,
          %ge3A_383 = arith.cmpf oge, %get3A_382, %broadcast_in_dim3A_328 : vector<16xf32>
          %convert_element_type3A_384 = arith.extui %ge3A_383 : vector<16xi1> to vector<16xi32>
          %add3A_385 = arith.addi %add3A_378, %convert_element_type3A_384 : vector<16xi32>
          %add3A_386 = arith.constant 96 : i32
          %add3A_387 = arith.addi %mul3A_344, %add3A_386 : i32
          %get3A_388 = arith.index_cast %add3A_387 : i32 to index
          %get3A_389 = tpu.vector_load %arg6[%get3A_388] {strides = array<i32>} : memref<32768xf32, #tpu.memory_space<vmem>>, vector<16xf32>,
          %ge3A_390 = arith.cmpf oge, %get3A_389, %broadcast_in_dim3A_328 : vector<16xf32>
          %convert_element_type3A_391 = arith.extui %ge3A_390 : vector<16xi1> to vector<16xi32>
          %add3A_392 = arith.addi %add3A_385, %convert_element_type3A_391 : vector<16xi32>
          %add3A_393 = arith.constant 112 : i32
          %add3A_394 = arith.addi %mul3A_344, %add3A_393 : i32
          %get3A_395 = arith.index_cast %add3A_394 : i32 to index
          %get3A_396 = tpu.vector_load %arg6[%get3A_395] {strides = array<i32>} : memref<32768xf32, #tpu.memory_space<vmem>>, vector<16xf32>,
          %ge3A_397 = arith.cmpf oge, %get3A_396, %broadcast_in_dim3A_328 : vector<16xf32>
          %convert_element_type3A_398 = arith.extui %ge3A_397 : vector<16xi1> to vector<16xi32>
          %add3A_399 = arith.addi %add3A_392, %convert_element_type3A_398 : vector<16xi32>
          scf.yield %add3A_399 : vector<16xi32>
        }
        %scan3A_333 = arith.constant 256 : i32
        %reduce_sum3A_334 = arith.constant true
        %reduce_sum3A_335 = vector.broadcast %reduce_sum3A_334 : i1 to vector<16xi1>
        %reduce_sum3A_336 = tpu.scan <sum>, %scan3A_332 masked %reduce_sum3A_335 : vector<16xi32>, vector<16xi1> -> vector<16xi32>
        %reduce_sum3A_337 = vector.extract %reduce_sum3A_336[15] : i32 from vector<16xi32>
        %ge3A_338 = arith.cmpi sge, %reduce_sum3A_337, %cond3A_204 : i32
        %select_n3A_339 = arith.select %ge3A_338, %add3A_321, %while3A_318 : i32
        %select_n3A_340 = arith.select %ge3A_338, %while3A_319, %add3A_321 : i32
        scf.yield %select_n3A_339, %select_n3A_340 : i32, i32
      }
      scf.yield %while3A#0 : i32
    }
    %ge3A_208 = arith.constant 0 : i32
    %ge3A_209 = arith.cmpi sge, %cond3A_207, %ge3A_208 : i32
    %xor3A_210 = arith.constant 2147483647 : i32
    %xor3A_211 = arith.xori %cond3A_207, %xor3A_210 : i32
    %select_n3A_212 = arith.select %ge3A_209, %cond3A_207, %xor3A_211 : i32
    %bitcast_convert_type3A_213 = arith.bitcast %select_n3A_212 : i32 to f32
    %broadcast_in_dim3A_214 = vector.broadcast %bitcast_convert_type3A_213 : f32 to vector<16xf32>
    %broadcast_in_dim3A_215 = arith.constant 1.000000e+00 : f32
    %broadcast_in_dim3A_216 = vector.broadcast %broadcast_in_dim3A_215 : f32 to vector<16xf32>
    %broadcast_in_dim3A_217 = arith.constant 0.000000e+00 : f32
    %broadcast_in_dim3A_218 = vector.broadcast %broadcast_in_dim3A_217 : f32 to vector<16xf32>
    %parallel_loop3A_219 = arith.constant 0 : i32
    %parallel_loop3A_220 = arith.constant 2048 : i32
    %parallel_loop3A_221 = arith.constant 1 : i32
    scf.for %parallel_loop3A_312 = %parallel_loop3A_219 to %parallel_loop3A_220 step %parallel_loop3A_221  : i32 {
      %parallel_loop3A_313 = arith.constant 16 : i32
      %parallel_loop3A_314 = arith.muli %parallel_loop3A_312, %parallel_loop3A_313 : i32
      %parallel_loop3A_315 = arith.index_cast %parallel_loop3A_314 : i32 to index
      %parallel_loop3A_316 = tpu.vector_load %arg6[%parallel_loop3A_315] {strides = array<i32>} : memref<32768xf32, #tpu.memory_space<vmem>>, vector<16xf32>,
      %parallel_loop3A_317 = arith.cmpf oge, %parallel_loop3A_316, %broadcast_in_dim3A_214 : vector<16xf32>
      %parallel_loop3A_318 = arith.select %parallel_loop3A_317, %broadcast_in_dim3A_216, %broadcast_in_dim3A_218 : vector<16xi1>, vector<16xf32>
      %parallel_loop3A_319 = arith.index_cast %parallel_loop3A_314 : i32 to index
      %parallel_loop3A_320 = tpu.vector_load %arg6[%parallel_loop3A_319] {strides = array<i32>} : memref<32768xf32, #tpu.memory_space<vmem>>, vector<16xf32>,
      tpu.vector_store %arg6[%parallel_loop3A_319], %parallel_loop3A_318 {strides = array<i32>} : memref<32768xf32, #tpu.memory_space<vmem>>, vector<16xf32>,
    } {sc.loop_unroll_factor = 8 : i64, sc.parallel_access}
    %add3A_222 = arith.constant 2 : i32
    %add3A_223 = arith.addi %mul3A_10, %add3A_222 : i32
    %dma_start3A_224 = arith.constant 0 : i32
    %dma_start3A_225 = tpu.memref_slice %arg3[%add3A_223, %dma_start3A_224] : memref<128x32768xf32, #tpu.memory_space<hbm>> -> memref<1x32768xf32, #tpu.memory_space<hbm>>
    %dma_start3A_226 = tpu.memref_squeeze %dma_start3A_225 : memref<1x32768xf32, #tpu.memory_space<hbm>> -> memref<32768xf32, #tpu.memory_space<hbm>>
    %dma_start3A_227 = arith.constant 0 : i32
    %dma_start3A_228 = tpu.memref_slice %arg3[%add3A_223, %dma_start3A_227] : memref<128x32768xf32, #tpu.memory_space<hbm>> -> memref<1x32768xf32, #tpu.memory_space<hbm>>
    %dma_start3A_229 = tpu.memref_squeeze %dma_start3A_228 : memref<1x32768xf32, #tpu.memory_space<hbm>> -> memref<32768xf32, #tpu.memory_space<hbm>>
    tpu.enqueue_dma source(%arg6 : memref<32768xf32, #tpu.memory_space<vmem>>) target(%dma_start3A_229 : memref<32768xf32, #tpu.memory_space<hbm>>) target_semaphore(%arg13 : memref<!tpu.dma_semaphore, #tpu.memory_space<semaphore_mem>>)
    %dma_wait3A_230 = arith.constant 0 : i32
    %dma_wait3A_231 = tpu.memref_slice %arg2[%add3A_151, %dma_wait3A_230] : memref<128x32768xf32, #tpu.memory_space<hbm>> -> memref<1x32768xf32, #tpu.memory_space<hbm>>
    %dma_wait3A_232 = tpu.memref_squeeze %dma_wait3A_231 : memref<1x32768xf32, #tpu.memory_space<hbm>> -> memref<32768xf32, #tpu.memory_space<hbm>>
    %dma_wait3A_233 = arith.constant 0 : i32
    %dma_wait3A_234 = tpu.memref_slice %arg2[%add3A_151, %dma_wait3A_233] : memref<128x32768xf32, #tpu.memory_space<hbm>> -> memref<1x32768xf32, #tpu.memory_space<hbm>>
    %dma_wait3A_235 = tpu.memref_squeeze %dma_wait3A_234 : memref<1x32768xf32, #tpu.memory_space<hbm>> -> memref<32768xf32, #tpu.memory_space<hbm>>
    tpu.wait_dma2 semaphore(%arg8 : memref<!tpu.dma_semaphore, #tpu.memory_space<semaphore_mem>>) src(%dma_wait3A_235 : memref<32768xf32, #tpu.memory_space<hbm>>) dst(%arg4 : memref<32768xf32, #tpu.memory_space<vmem>>)
    %add3A_236 = arith.constant 3 : i32
    %add3A_237 = arith.addi %mul3A_10, %add3A_236 : i32
    %parallel_loop3A_238 = arith.constant 0 : i32
    %parallel_loop3A_239 = arith.constant 2048 : i32
    %parallel_loop3A_240 = arith.constant 1 : i32
    %parallel_loop3A_241:2 = scf.for %parallel_loop3A_312 = %parallel_loop3A_238 to %parallel_loop3A_239 step %parallel_loop3A_240 iter_args(%parallel_loop3A_313 = %broadcast_in_dim3A_1, %parallel_loop3A_314 = %broadcast_in_dim3A_1) -> (vector<16xi32>, vector<16xi32>)  : i32 {
      %parallel_loop3A_315 = arith.constant 16 : i32
      %parallel_loop3A_316 = arith.muli %parallel_loop3A_312, %parallel_loop3A_315 : i32
      %parallel_loop3A_317 = arith.index_cast %parallel_loop3A_316 : i32 to index
      %parallel_loop3A_318 = tpu.vector_load %arg4[%parallel_loop3A_317] {strides = array<i32>} : memref<32768xf32, #tpu.memory_space<vmem>>, vector<16xf32>,
      %parallel_loop3A_319 = arith.cmpf oge, %parallel_loop3A_318, %broadcast_in_dim3A_5 : vector<16xf32>
      %parallel_loop3A_320 = arith.extui %parallel_loop3A_319 : vector<16xi1> to vector<16xi32>
      %parallel_loop3A_321 = arith.addi %parallel_loop3A_313, %parallel_loop3A_320 : vector<16xi32>
      %parallel_loop3A_322 = arith.cmpf oge, %parallel_loop3A_318, %broadcast_in_dim3A_3 : vector<16xf32>
      %parallel_loop3A_323 = arith.cmpf olt, %parallel_loop3A_318, %broadcast_in_dim3A_5 : vector<16xf32>
      %parallel_loop3A_324 = arith.andi %parallel_loop3A_322, %parallel_loop3A_323 : vector<16xi1>
      %parallel_loop3A_325 = arith.constant 4 : i32
      %parallel_loop3A_326 = vector.broadcast %parallel_loop3A_325 : i32 to vector<16xi32>
      %parallel_loop3A_327 = arith.shli %parallel_loop3A_314, %parallel_loop3A_326 : vector<16xi32>
      %parallel_loop3A_328 = arith.addi %iota3A, %parallel_loop3A_327 : vector<16xi32>
      %parallel_loop3A_329 = arith.minsi %parallel_loop3A_328, %add3A_8 : vector<16xi32>
      tpu.vector_store_idx %arg7[%parallel_loop3A_329], %parallel_loop3A_318 masked %parallel_loop3A_324 : memref<16448xf32, #tpu.memory_space<vmem>>[vector<16xi32>], vector<16xf32>, vector<16xi1>
      %parallel_loop3A_330 = arith.extui %parallel_loop3A_324 : vector<16xi1> to vector<16xi32>
      %parallel_loop3A_331 = arith.addi %parallel_loop3A_314, %parallel_loop3A_330 : vector<16xi32>
      scf.yield %parallel_loop3A_321, %parallel_loop3A_331 : vector<16xi32>, vector<16xi32>
    } {sc.loop_unroll_factor = 8 : i64, sc.parallel_access}
    %reduce_sum3A_242 = arith.constant true
    %reduce_sum3A_243 = vector.broadcast %reduce_sum3A_242 : i1 to vector<16xi1>
    %reduce_sum3A_244 = tpu.scan <sum>, %parallel_loop3A_241#0 masked %reduce_sum3A_243 : vector<16xi32>, vector<16xi1> -> vector<16xi32>
    %reduce_sum3A_245 = vector.extract %reduce_sum3A_244[15] : i32 from vector<16xi32>
    %reduce_sum3A_246 = arith.constant true
    %reduce_sum3A_247 = vector.broadcast %reduce_sum3A_246 : i1 to vector<16xi1>
    %reduce_sum3A_248 = tpu.scan <sum>, %parallel_loop3A_241#1 masked %reduce_sum3A_247 : vector<16xi32>, vector<16xi1> -> vector<16xi32>
    %reduce_sum3A_249 = vector.extract %reduce_sum3A_248[15] : i32 from vector<16xi32>
    %add3A_250 = arith.addi %reduce_sum3A_245, %reduce_sum3A_249 : i32
    %reduce_max3A_251 = arith.constant true
    %reduce_max3A_252 = vector.broadcast %reduce_max3A_251 : i1 to vector<16xi1>
    %reduce_max3A_253 = arith.constant -2147483648 : i32
    %reduce_max3A_254 = vector.broadcast %reduce_max3A_253 : i32 to vector<16xi32>
    %reduce_max3A_255 = arith.xori %parallel_loop3A_241#1, %reduce_max3A_254 : vector<16xi32>
    %reduce_max3A_256 = tpu.scan <max>, %reduce_max3A_255 masked %reduce_max3A_252 : vector<16xi32>, vector<16xi1> -> vector<16xi32>
    %reduce_max3A_257 = arith.xori %reduce_max3A_256, %reduce_max3A_254 : vector<16xi32>
    %reduce_max3A_258 = vector.extract %reduce_max3A_257[15] : i32 from vector<16xi32>
    %lt3A_259 = arith.constant 9830 : i32
    %lt3A_260 = arith.cmpi slt, %reduce_sum3A_245, %lt3A_259 : i32
    %ge3A_261 = arith.constant 9830 : i32
    %ge3A_262 = arith.cmpi sge, %add3A_250, %ge3A_261 : i32
    %and3A_263 = arith.andi %lt3A_260, %ge3A_262 : i1
    %lt3A_264 = arith.constant 1024 : i32
    %lt3A_265 = arith.cmpi slt, %reduce_max3A_258, %lt3A_264 : i32
    %and3A_266 = arith.andi %and3A_263, %lt3A_265 : i1
    %convert_element_type3A_267 = arith.extui %and3A_266 : i1 to i32
    %cond3A_268 = arith.constant 9830 : i32
    %cond3A_269 = arith.constant 0 : i32
    %cond3A_270 = arith.cmpi ne, %convert_element_type3A_267, %cond3A_269 : i32
    %cond3A_271 = scf.if %cond3A_270 -> (i32) {
      %while3A = arith.constant 1056629064 : i32
      %while3A_312 = arith.constant 1058055127 : i32
      %while3A_313:2 = scf.while (%while3A_314 = %while3A, %while3A_315 = %while3A_312) : (i32, i32) -> (i32, i32) {
        %sub3A = arith.subi %while3A_315, %while3A_314 : i32
        %ne3A = arith.constant 1 : i32
        %ne3A_316 = arith.cmpi ne, %sub3A, %ne3A : i32
        scf.condition(%ne3A_316) %while3A_314, %while3A_315 : i32, i32
      } do {
      ^bb0(%while3A_314: i32, %while3A_315: i32):
        %sub3A = arith.subi %while3A_315, %while3A_314 : i32
        %shift_right_logical3A = arith.constant 1 : i32
        %shift_right_logical3A_316 = arith.shrui %sub3A, %shift_right_logical3A : i32
        %add3A_317 = arith.addi %while3A_314, %shift_right_logical3A_316 : i32
        %ge3A_318 = arith.constant 0 : i32
        %ge3A_319 = arith.cmpi sge, %add3A_317, %ge3A_318 : i32
        %xor3A_320 = arith.constant 2147483647 : i32
        %xor3A_321 = arith.xori %add3A_317, %xor3A_320 : i32
        %select_n3A_322 = arith.select %ge3A_319, %add3A_317, %xor3A_321 : i32
        %bitcast_convert_type3A_323 = arith.bitcast %select_n3A_322 : i32 to f32
        %broadcast_in_dim3A_324 = vector.broadcast %bitcast_convert_type3A_323 : f32 to vector<16xf32>
        %parallel_loop3A_325 = arith.constant 0 : i32
        %parallel_loop3A_326 = arith.constant 1 : i32
        %parallel_loop3A_327 = scf.for %parallel_loop3A_336 = %parallel_loop3A_325 to %reduce_max3A_258 step %parallel_loop3A_326 iter_args(%parallel_loop3A_337 = %broadcast_in_dim3A_1) -> (vector<16xi32>)  : i32 {
          %parallel_loop3A_338 = arith.constant 16 : i32
          %parallel_loop3A_339 = arith.muli %parallel_loop3A_336, %parallel_loop3A_338 : i32
          %parallel_loop3A_340 = arith.index_cast %parallel_loop3A_339 : i32 to index
          %parallel_loop3A_341 = tpu.vector_load %arg7[%parallel_loop3A_340] {strides = array<i32>} : memref<16448xf32, #tpu.memory_space<vmem>>, vector<16xf32>,
          %parallel_loop3A_342 = vector.broadcast %parallel_loop3A_336 : i32 to vector<16xi32>
          %parallel_loop3A_343 = arith.cmpi slt, %parallel_loop3A_342, %parallel_loop3A_241#1 : vector<16xi32>
          %parallel_loop3A_344 = arith.cmpf oge, %parallel_loop3A_341, %broadcast_in_dim3A_324 : vector<16xf32>
          %parallel_loop3A_345 = arith.andi %parallel_loop3A_343, %parallel_loop3A_344 : vector<16xi1>
          %parallel_loop3A_346 = arith.extui %parallel_loop3A_345 : vector<16xi1> to vector<16xi32>
          %parallel_loop3A_347 = arith.addi %parallel_loop3A_337, %parallel_loop3A_346 : vector<16xi32>
          scf.yield %parallel_loop3A_347 : vector<16xi32>
        } {sc.loop_unroll_factor = 4 : i64, sc.parallel_access}
        %reduce_sum3A_328 = arith.constant true
        %reduce_sum3A_329 = vector.broadcast %reduce_sum3A_328 : i1 to vector<16xi1>
        %reduce_sum3A_330 = tpu.scan <sum>, %parallel_loop3A_327 masked %reduce_sum3A_329 : vector<16xi32>, vector<16xi1> -> vector<16xi32>
        %reduce_sum3A_331 = vector.extract %reduce_sum3A_330[15] : i32 from vector<16xi32>
        %add3A_332 = arith.addi %reduce_sum3A_245, %reduce_sum3A_331 : i32
        %ge3A_333 = arith.cmpi sge, %add3A_332, %cond3A_268 : i32
        %select_n3A_334 = arith.select %ge3A_333, %add3A_317, %while3A_314 : i32
        %select_n3A_335 = arith.select %ge3A_333, %while3A_315, %add3A_317 : i32
        scf.yield %select_n3A_334, %select_n3A_335 : i32, i32
      }
      scf.yield %while3A_313#0 : i32
    } else {
      %lt3A_312 = arith.cmpi slt, %add3A_250, %cond3A_268 : i32
      %jit3A = arith.constant -2147483648 : i32
      %jit3A_313 = arith.constant 1058055127 : i32
      %select_n3A_314 = arith.select %lt3A_312, %jit3A, %jit3A_313 : i32
      %jit3A_315 = arith.constant 1056629064 : i32
      %jit3A_316 = arith.constant 2147483647 : i32
      %select_n3A_317 = arith.select %lt3A_312, %jit3A_315, %jit3A_316 : i32
      %while3A:2 = scf.while (%while3A_318 = %select_n3A_314, %while3A_319 = %select_n3A_317) : (i32, i32) -> (i32, i32) {
        %sub3A = arith.subi %while3A_319, %while3A_318 : i32
        %ne3A = arith.constant 1 : i32
        %ne3A_320 = arith.cmpi ne, %sub3A, %ne3A : i32
        scf.condition(%ne3A_320) %while3A_318, %while3A_319 : i32, i32
      } do {
      ^bb0(%while3A_318: i32, %while3A_319: i32):
        %sub3A = arith.subi %while3A_319, %while3A_318 : i32
        %shift_right_logical3A = arith.constant 1 : i32
        %shift_right_logical3A_320 = arith.shrui %sub3A, %shift_right_logical3A : i32
        %add3A_321 = arith.addi %while3A_318, %shift_right_logical3A_320 : i32
        %ge3A_322 = arith.constant 0 : i32
        %ge3A_323 = arith.cmpi sge, %add3A_321, %ge3A_322 : i32
        %xor3A_324 = arith.constant 2147483647 : i32
        %xor3A_325 = arith.xori %add3A_321, %xor3A_324 : i32
        %select_n3A_326 = arith.select %ge3A_323, %add3A_321, %xor3A_325 : i32
        %bitcast_convert_type3A_327 = arith.bitcast %select_n3A_326 : i32 to f32
        %broadcast_in_dim3A_328 = vector.broadcast %bitcast_convert_type3A_327 : f32 to vector<16xf32>
        %scan3A = arith.constant 0 : i32
        %scan3A_329 = arith.constant 256 : i32
        %scan3A_330 = arith.addi %scan3A, %scan3A_329 : i32
        %scan3A_331 = arith.constant 1 : i32
        %scan3A_332 = scf.for %scan3A_341 = %scan3A to %scan3A_330 step %scan3A_331 iter_args(%scan3A_342 = %broadcast_in_dim3A_1) -> (vector<16xi32>)  : i32 {
          %mul3A_343 = arith.constant 128 : i32
          %mul3A_344 = arith.muli %scan3A_341, %mul3A_343 : i32
          %add3A_345 = arith.constant 0 : i32
          %add3A_346 = arith.addi %mul3A_344, %add3A_345 : i32
          %get3A = arith.index_cast %add3A_346 : i32 to index
          %get3A_347 = tpu.vector_load %arg4[%get3A] {strides = array<i32>} : memref<32768xf32, #tpu.memory_space<vmem>>, vector<16xf32>,
          %ge3A_348 = arith.cmpf oge, %get3A_347, %broadcast_in_dim3A_328 : vector<16xf32>
          %convert_element_type3A_349 = arith.extui %ge3A_348 : vector<16xi1> to vector<16xi32>
          %add3A_350 = arith.addi %scan3A_342, %convert_element_type3A_349 : vector<16xi32>
          %add3A_351 = arith.constant 16 : i32
          %add3A_352 = arith.addi %mul3A_344, %add3A_351 : i32
          %get3A_353 = arith.index_cast %add3A_352 : i32 to index
          %get3A_354 = tpu.vector_load %arg4[%get3A_353] {strides = array<i32>} : memref<32768xf32, #tpu.memory_space<vmem>>, vector<16xf32>,
          %ge3A_355 = arith.cmpf oge, %get3A_354, %broadcast_in_dim3A_328 : vector<16xf32>
          %convert_element_type3A_356 = arith.extui %ge3A_355 : vector<16xi1> to vector<16xi32>
          %add3A_357 = arith.addi %add3A_350, %convert_element_type3A_356 : vector<16xi32>
          %add3A_358 = arith.constant 32 : i32
          %add3A_359 = arith.addi %mul3A_344, %add3A_358 : i32
          %get3A_360 = arith.index_cast %add3A_359 : i32 to index
          %get3A_361 = tpu.vector_load %arg4[%get3A_360] {strides = array<i32>} : memref<32768xf32, #tpu.memory_space<vmem>>, vector<16xf32>,
          %ge3A_362 = arith.cmpf oge, %get3A_361, %broadcast_in_dim3A_328 : vector<16xf32>
          %convert_element_type3A_363 = arith.extui %ge3A_362 : vector<16xi1> to vector<16xi32>
          %add3A_364 = arith.addi %add3A_357, %convert_element_type3A_363 : vector<16xi32>
          %add3A_365 = arith.constant 48 : i32
          %add3A_366 = arith.addi %mul3A_344, %add3A_365 : i32
          %get3A_367 = arith.index_cast %add3A_366 : i32 to index
          %get3A_368 = tpu.vector_load %arg4[%get3A_367] {strides = array<i32>} : memref<32768xf32, #tpu.memory_space<vmem>>, vector<16xf32>,
          %ge3A_369 = arith.cmpf oge, %get3A_368, %broadcast_in_dim3A_328 : vector<16xf32>
          %convert_element_type3A_370 = arith.extui %ge3A_369 : vector<16xi1> to vector<16xi32>
          %add3A_371 = arith.addi %add3A_364, %convert_element_type3A_370 : vector<16xi32>
          %add3A_372 = arith.constant 64 : i32
          %add3A_373 = arith.addi %mul3A_344, %add3A_372 : i32
          %get3A_374 = arith.index_cast %add3A_373 : i32 to index
          %get3A_375 = tpu.vector_load %arg4[%get3A_374] {strides = array<i32>} : memref<32768xf32, #tpu.memory_space<vmem>>, vector<16xf32>,
          %ge3A_376 = arith.cmpf oge, %get3A_375, %broadcast_in_dim3A_328 : vector<16xf32>
          %convert_element_type3A_377 = arith.extui %ge3A_376 : vector<16xi1> to vector<16xi32>
          %add3A_378 = arith.addi %add3A_371, %convert_element_type3A_377 : vector<16xi32>
          %add3A_379 = arith.constant 80 : i32
          %add3A_380 = arith.addi %mul3A_344, %add3A_379 : i32
          %get3A_381 = arith.index_cast %add3A_380 : i32 to index
          %get3A_382 = tpu.vector_load %arg4[%get3A_381] {strides = array<i32>} : memref<32768xf32, #tpu.memory_space<vmem>>, vector<16xf32>,
          %ge3A_383 = arith.cmpf oge, %get3A_382, %broadcast_in_dim3A_328 : vector<16xf32>
          %convert_element_type3A_384 = arith.extui %ge3A_383 : vector<16xi1> to vector<16xi32>
          %add3A_385 = arith.addi %add3A_378, %convert_element_type3A_384 : vector<16xi32>
          %add3A_386 = arith.constant 96 : i32
          %add3A_387 = arith.addi %mul3A_344, %add3A_386 : i32
          %get3A_388 = arith.index_cast %add3A_387 : i32 to index
          %get3A_389 = tpu.vector_load %arg4[%get3A_388] {strides = array<i32>} : memref<32768xf32, #tpu.memory_space<vmem>>, vector<16xf32>,
          %ge3A_390 = arith.cmpf oge, %get3A_389, %broadcast_in_dim3A_328 : vector<16xf32>
          %convert_element_type3A_391 = arith.extui %ge3A_390 : vector<16xi1> to vector<16xi32>
          %add3A_392 = arith.addi %add3A_385, %convert_element_type3A_391 : vector<16xi32>
          %add3A_393 = arith.constant 112 : i32
          %add3A_394 = arith.addi %mul3A_344, %add3A_393 : i32
          %get3A_395 = arith.index_cast %add3A_394 : i32 to index
          %get3A_396 = tpu.vector_load %arg4[%get3A_395] {strides = array<i32>} : memref<32768xf32, #tpu.memory_space<vmem>>, vector<16xf32>,
          %ge3A_397 = arith.cmpf oge, %get3A_396, %broadcast_in_dim3A_328 : vector<16xf32>
          %convert_element_type3A_398 = arith.extui %ge3A_397 : vector<16xi1> to vector<16xi32>
          %add3A_399 = arith.addi %add3A_392, %convert_element_type3A_398 : vector<16xi32>
          scf.yield %add3A_399 : vector<16xi32>
        }
        %scan3A_333 = arith.constant 256 : i32
        %reduce_sum3A_334 = arith.constant true
        %reduce_sum3A_335 = vector.broadcast %reduce_sum3A_334 : i1 to vector<16xi1>
        %reduce_sum3A_336 = tpu.scan <sum>, %scan3A_332 masked %reduce_sum3A_335 : vector<16xi32>, vector<16xi1> -> vector<16xi32>
        %reduce_sum3A_337 = vector.extract %reduce_sum3A_336[15] : i32 from vector<16xi32>
        %ge3A_338 = arith.cmpi sge, %reduce_sum3A_337, %cond3A_268 : i32
        %select_n3A_339 = arith.select %ge3A_338, %add3A_321, %while3A_318 : i32
        %select_n3A_340 = arith.select %ge3A_338, %while3A_319, %add3A_321 : i32
        scf.yield %select_n3A_339, %select_n3A_340 : i32, i32
      }
      scf.yield %while3A#0 : i32
    }
    %ge3A_272 = arith.constant 0 : i32
    %ge3A_273 = arith.cmpi sge, %cond3A_271, %ge3A_272 : i32
    %xor3A_274 = arith.constant 2147483647 : i32
    %xor3A_275 = arith.xori %cond3A_271, %xor3A_274 : i32
    %select_n3A_276 = arith.select %ge3A_273, %cond3A_271, %xor3A_275 : i32
    %bitcast_convert_type3A_277 = arith.bitcast %select_n3A_276 : i32 to f32
    %broadcast_in_dim3A_278 = vector.broadcast %bitcast_convert_type3A_277 : f32 to vector<16xf32>
    %broadcast_in_dim3A_279 = arith.constant 1.000000e+00 : f32
    %broadcast_in_dim3A_280 = vector.broadcast %broadcast_in_dim3A_279 : f32 to vector<16xf32>
    %broadcast_in_dim3A_281 = arith.constant 0.000000e+00 : f32
    %broadcast_in_dim3A_282 = vector.broadcast %broadcast_in_dim3A_281 : f32 to vector<16xf32>
    %parallel_loop3A_283 = arith.constant 0 : i32
    %parallel_loop3A_284 = arith.constant 2048 : i32
    %parallel_loop3A_285 = arith.constant 1 : i32
    scf.for %parallel_loop3A_312 = %parallel_loop3A_283 to %parallel_loop3A_284 step %parallel_loop3A_285  : i32 {
      %parallel_loop3A_313 = arith.constant 16 : i32
      %parallel_loop3A_314 = arith.muli %parallel_loop3A_312, %parallel_loop3A_313 : i32
      %parallel_loop3A_315 = arith.index_cast %parallel_loop3A_314 : i32 to index
      %parallel_loop3A_316 = tpu.vector_load %arg4[%parallel_loop3A_315] {strides = array<i32>} : memref<32768xf32, #tpu.memory_space<vmem>>, vector<16xf32>,
      %parallel_loop3A_317 = arith.cmpf oge, %parallel_loop3A_316, %broadcast_in_dim3A_278 : vector<16xf32>
      %parallel_loop3A_318 = arith.select %parallel_loop3A_317, %broadcast_in_dim3A_280, %broadcast_in_dim3A_282 : vector<16xi1>, vector<16xf32>
      %parallel_loop3A_319 = arith.index_cast %parallel_loop3A_314 : i32 to index
      %parallel_loop3A_320 = tpu.vector_load %arg4[%parallel_loop3A_319] {strides = array<i32>} : memref<32768xf32, #tpu.memory_space<vmem>>, vector<16xf32>,
      tpu.vector_store %arg4[%parallel_loop3A_319], %parallel_loop3A_318 {strides = array<i32>} : memref<32768xf32, #tpu.memory_space<vmem>>, vector<16xf32>,
    } {sc.loop_unroll_factor = 8 : i64, sc.parallel_access}
    %add3A_286 = arith.constant 3 : i32
    %add3A_287 = arith.addi %mul3A_10, %add3A_286 : i32
    %dma_start3A_288 = arith.constant 0 : i32
    %dma_start3A_289 = tpu.memref_slice %arg3[%add3A_287, %dma_start3A_288] : memref<128x32768xf32, #tpu.memory_space<hbm>> -> memref<1x32768xf32, #tpu.memory_space<hbm>>
    %dma_start3A_290 = tpu.memref_squeeze %dma_start3A_289 : memref<1x32768xf32, #tpu.memory_space<hbm>> -> memref<32768xf32, #tpu.memory_space<hbm>>
    %dma_start3A_291 = arith.constant 0 : i32
    %dma_start3A_292 = tpu.memref_slice %arg3[%add3A_287, %dma_start3A_291] : memref<128x32768xf32, #tpu.memory_space<hbm>> -> memref<1x32768xf32, #tpu.memory_space<hbm>>
    %dma_start3A_293 = tpu.memref_squeeze %dma_start3A_292 : memref<1x32768xf32, #tpu.memory_space<hbm>> -> memref<32768xf32, #tpu.memory_space<hbm>>
    tpu.enqueue_dma source(%arg4 : memref<32768xf32, #tpu.memory_space<vmem>>) target(%dma_start3A_293 : memref<32768xf32, #tpu.memory_space<hbm>>) target_semaphore(%arg11 : memref<!tpu.dma_semaphore, #tpu.memory_space<semaphore_mem>>)
    %dma_wait3A_294 = arith.constant 0 : i32
    %dma_wait3A_295 = tpu.memref_slice %arg3[%add3A_287, %dma_wait3A_294] : memref<128x32768xf32, #tpu.memory_space<hbm>> -> memref<1x32768xf32, #tpu.memory_space<hbm>>
    %dma_wait3A_296 = tpu.memref_squeeze %dma_wait3A_295 : memref<1x32768xf32, #tpu.memory_space<hbm>> -> memref<32768xf32, #tpu.memory_space<hbm>>
    %dma_wait3A_297 = arith.constant 0 : i32
    %dma_wait3A_298 = tpu.memref_slice %arg3[%add3A_287, %dma_wait3A_297] : memref<128x32768xf32, #tpu.memory_space<hbm>> -> memref<1x32768xf32, #tpu.memory_space<hbm>>
    %dma_wait3A_299 = tpu.memref_squeeze %dma_wait3A_298 : memref<1x32768xf32, #tpu.memory_space<hbm>> -> memref<32768xf32, #tpu.memory_space<hbm>>
    tpu.wait_dma2 semaphore(%arg11 : memref<!tpu.dma_semaphore, #tpu.memory_space<semaphore_mem>>) src(%arg4 : memref<32768xf32, #tpu.memory_space<vmem>>) dst(%dma_wait3A_299 : memref<32768xf32, #tpu.memory_space<hbm>>)
    %dma_wait3A_300 = arith.constant 0 : i32
    %dma_wait3A_301 = tpu.memref_slice %arg3[%add3A_159, %dma_wait3A_300] : memref<128x32768xf32, #tpu.memory_space<hbm>> -> memref<1x32768xf32, #tpu.memory_space<hbm>>
    %dma_wait3A_302 = tpu.memref_squeeze %dma_wait3A_301 : memref<1x32768xf32, #tpu.memory_space<hbm>> -> memref<32768xf32, #tpu.memory_space<hbm>>
    %dma_wait3A_303 = arith.constant 0 : i32
    %dma_wait3A_304 = tpu.memref_slice %arg3[%add3A_159, %dma_wait3A_303] : memref<128x32768xf32, #tpu.memory_space<hbm>> -> memref<1x32768xf32, #tpu.memory_space<hbm>>
    %dma_wait3A_305 = tpu.memref_squeeze %dma_wait3A_304 : memref<1x32768xf32, #tpu.memory_space<hbm>> -> memref<32768xf32, #tpu.memory_space<hbm>>
    tpu.wait_dma2 semaphore(%arg12 : memref<!tpu.dma_semaphore, #tpu.memory_space<semaphore_mem>>) src(%arg5 : memref<32768xf32, #tpu.memory_space<vmem>>) dst(%dma_wait3A_305 : memref<32768xf32, #tpu.memory_space<hbm>>)
    %dma_wait3A_306 = arith.constant 0 : i32
    %dma_wait3A_307 = tpu.memref_slice %arg3[%add3A_223, %dma_wait3A_306] : memref<128x32768xf32, #tpu.memory_space<hbm>> -> memref<1x32768xf32, #tpu.memory_space<hbm>>
    %dma_wait3A_308 = tpu.memref_squeeze %dma_wait3A_307 : memref<1x32768xf32, #tpu.memory_space<hbm>> -> memref<32768xf32, #tpu.memory_space<hbm>>
    %dma_wait3A_309 = arith.constant 0 : i32
    %dma_wait3A_310 = tpu.memref_slice %arg3[%add3A_223, %dma_wait3A_309] : memref<128x32768xf32, #tpu.memory_space<hbm>> -> memref<1x32768xf32, #tpu.memory_space<hbm>>
    %dma_wait3A_311 = tpu.memref_squeeze %dma_wait3A_310 : memref<1x32768xf32, #tpu.memory_space<hbm>> -> memref<32768xf32, #tpu.memory_space<hbm>>
    tpu.wait_dma2 semaphore(%arg13 : memref<!tpu.dma_semaphore, #tpu.memory_space<semaphore_mem>>) src(%arg6 : memref<32768xf32, #tpu.memory_space<vmem>>) dst(%dma_wait3A_311 : memref<32768xf32, #tpu.memory_space<hbm>>)
    return
  }
}

</mosaic_0001>

<sc_bundles>
// kernel: kernel.3.cloned.1.call-start
scs
__scs_entry_jumppad:
0x0: {  	(pc) =	sbr.rel $0x88, $3  }
0x1: {  	(tag) =	ssettag $0x0;
	lr =	simm.s32 $0x1  }
0x2: {  	[smem:$0x3FA0] =	sst lr;
	_ =	strace $0xD0000000  }
0x3: {  	_ = 	snop  }
0x4: {  	_ = 	snop  }
0x5: {  	_ = 	snop  }
0x6: {  	_ = 	snop  }
0x7: {  	_ = 	snop  }
__scs_overlays_trampoline_lowered:
0x8: {  	[smem:$0x3FAF] =	sst s0  }
0x9: {  	[smem:$0x3FB0] =	sst s1  }
0xa: {  	[smem:$0x3FB1] =	sst s2  }
0xb: {  	[smem:$0x3FB2] =	sst s3  }
0xc: {  	[smem:$0x3FB3] =	sst s4  }
0xd: {  	[smem:$0x3FB4] =	sst s5  }
0xe: {  	[smem:$0x3FB5] =	sst s6  }
0xf: {  	[smem:$0x3FB6] =	sst s7  }
0x10: {  	[smem:$0x3FB7] =	sst s8  }
0x11: {  	[smem:$0x3FB8] =	sst s9;
	s0 =	simm.s32 @!p0 $0x0  }
0x12: {  	s1 =	sld [smem:$0x3F9E];
	s0 =	simm.s32 @p0 $0x1  }
0x13: {  	[smem:$0x3FB9] =	sst s0;
	s0 =	simm.s32 @!p1 $0x0  }
0x14: {  	s2 =	sld [smem:$0x3F9D];
	s0 =	simm.s32 @p1 $0x1  }
0x15: {  	[smem:$0x3FBA] =	sst s0;
	s0 =	simm.s32 @!p2 $0x0  }
0x16: {  	s3 =	sld [smem:$0x3FDB];
	s0 =	simm.s32 @p2 $0x1  }
0x17: {  	s4 =	simm.s32 $0x1BF5;
	[smem:$0x3FBC] =	sst s0  }
0x18: {  	s0 =	sld [smem:$0x3F9F];
	_ =	swait.ge [sflag:s4], $0x0  }
0x19: {  	s7 =	sld [smem:$0x3FA0]  }
0x1a: {  	s8 =	sadd.s32 $0xFFFFE003, lr  }
0x1b: {  	s9 =	sadd.s32 $0xFFFFFEF7, lr;
	s5 =	simm.s32 $0xFFFFFFFF;
	p2 =	slt.u32 s8, $0xFFFFF086  }
0x1c: {  	p1 =	slt.u32 s9, $0xF7A;
	s5 =	simm.s32 @!p2 $0x0  }
0x1d: {  	s5 =	simm.s32 @p1 $0x1;
	p0 =	seq.s32 s7, s2  }
0x1e: {  	s7 =	smul.u32 @!p0 $0xF7A, s2;
	p2 =	seq.s32 @!p0 s5, $0x0  }
0x1f: {  	s9 =	smul.u32 $0xF7A, s1;
	s8 =	simm.s32 @!p0 $0x1BF5;
	p2 =	por !p2, p0  }
0x20: {  	[sflag:s8] =	ssyncset.s32 @!p0 $0xFFFFF086;
	s6 =	sadd.s32 @!p0 s3, s7;
	s7 =	simm.s32 @!p0 $0x108  }
0x21: {  	s3 =	sadd.s32 s3, s9;
	s6 =	sadd.s32 @!p0 $0x88, s6;
	s7 =	simm.s32 @p2 $0x1082  }
0x22: {  	[simem:s7], [sflag:s8] =	dma.local @!p0 [hbm:s6], $0xF7A  }
0x23: {  	s9 =	sor.u32 $0xD0000000, s2;
	s6 =	simm.s32 $0x108;
	_ =	swait.ge @!p0 [sflag:s8], $0x0  }
0x24: {  	s3 =	sadd.s32 $0x88, s3;
	s6 =	simm.s32 @!p1 $0x1082;
	[sflag:s4] =	ssyncset.s32 $0xFFFFF086  }
0x25: {  	[simem:s6], [sflag:s4] =	dma.local [hbm:s3], $0xF7A  }
0x26: {  	[smem:$0x3FA0] =	sst s1;
	(tag) =	ssettag s2;
	_ =	strace s9  }
0x27: {  	s1 =	sld [smem:$0x3FB0]  }
0x28: {  	s2 =	sld [smem:$0x3FB1]  }
0x29: {  	s4 =	sld [smem:$0x3FB3]  }
0x2a: {  	p0 =	seq.s32 s5, $0x0;
	s5 =	sld [smem:$0x3FB4]  }
0x2b: {  	s6 =	sld [smem:$0x3FB5]  }
0x2c: {  	s7 =	sld [smem:$0x3FB6]  }
0x2d: {  	s3 =	simm.s32 $0x108;
	s8 =	sld [smem:$0x3FB7]  }
0x2e: {  	s3 =	simm.s32 @!p0 $0x1082;
	s9 =	sld [smem:$0x3FB8]  }
0x2f: {  	lr =	sadd.s32 s0, s3;
	s0 =	sld [smem:$0x3FAF]  }
0x30: {  	s3 =	sld [smem:$0x3FB2]  }
0x31: {  	[smem:$0x3FBB] =	sst s10  }
0x32: {  	s10 =	sld [smem:$0x3FB9];
	_ =	sdelay $0x3  }
0x33: {  	p0 =	seq.s32 s10, $0x1;
	s10 =	sld [smem:$0x3FBB];
	_ =	sdelay $0x3  }
0x34: {  	[smem:$0x3FBB] =	sst s10  }
0x35: {  	s10 =	sld [smem:$0x3FBA];
	_ =	sdelay $0x3  }
0x36: {  	p1 =	seq.s32 s10, $0x1;
	s10 =	sld [smem:$0x3FBB];
	_ =	sdelay $0x3  }
0x37: {  	[smem:$0x3FBB] =	sst s10  }
0x38: {  	s10 =	sld [smem:$0x3FBC]  }
0x39: {  	_ = 	snop;
	(pc) =	sbr.ind lr, $3  }
0x3a: {  	_ = 	snop  }
0x3b: {  	_ = 	snop  }
0x3c: {  	p2 =	seq.s32 s10, $0x1;
	s10 =	sld [smem:$0x3FBB]  }
0x3d: {  	_ =	shalt  }
0x3e: {  	_ =	shalt  }
0x3f: {  	_ =	shalt  }
0x40: {  	_ =	shalt  }
0x41: {  	_ =	shalt  }
0x42: {  	_ =	shalt  }
0x43: {  	_ =	shalt  }
0x44: {  	_ =	shalt  }
0x45: {  	_ =	shalt  }
0x46: {  	_ =	shalt  }
0x47: {  	_ =	shalt  }
0x48: {  	_ =	shalt  }
0x49: {  	_ =	shalt  }
0x4a: {  	_ =	shalt  }
0x4b: {  	_ =	shalt  }
0x4c: {  	_ =	shalt  }
0x4d: {  	_ =	shalt  }
0x4e: {  	_ =	shalt  }
0x4f: {  	_ =	shalt  }
0x50: {  	_ =	shalt  }
0x51: {  	_ =	shalt  }
0x52: {  	_ =	shalt  }
0x53: {  	_ =	shalt  }
0x54: {  	_ =	shalt  }
0x55: {  	_ =	shalt  }
0x56: {  	_ =	shalt  }
0x57: {  	_ =	shalt  }
0x58: {  	_ =	shalt  }
0x59: {  	_ =	shalt  }
0x5a: {  	_ =	shalt  }
0x5b: {  	_ =	shalt  }
0x5c: {  	_ =	shalt  }
0x5d: {  	_ =	shalt  }
0x5e: {  	_ =	shalt  }
0x5f: {  	_ =	shalt  }
0x60: {  	_ =	shalt  }
0x61: {  	_ =	shalt  }
0x62: {  	_ =	shalt  }
0x63: {  	_ =	shalt  }
0x64: {  	_ =	shalt  }
0x65: {  	_ =	shalt  }
0x66: {  	_ =	shalt  }
0x67: {  	_ =	shalt  }
0x68: {  	_ =	shalt  }
0x69: {  	_ =	shalt  }
0x6a: {  	_ =	shalt  }
0x6b: {  	_ =	shalt  }
0x6c: {  	_ =	shalt  }
0x6d: {  	_ =	shalt  }
0x6e: {  	_ =	shalt  }
0x6f: {  	_ =	shalt  }
0x70: {  	_ =	shalt  }
0x71: {  	_ =	shalt  }
0x72: {  	_ =	shalt  }
0x73: {  	_ =	shalt  }
0x74: {  	_ =	shalt  }
0x75: {  	_ =	shalt  }
0x76: {  	_ =	shalt  }
0x77: {  	_ =	shalt  }
0x78: {  	_ =	shalt  }
0x79: {  	_ =	shalt  }
0x7a: {  	_ =	shalt  }
0x7b: {  	_ =	shalt  }
0x7c: {  	_ =	shalt  }
0x7d: {  	_ =	shalt  }
0x7e: {  	_ =	shalt  }
0x7f: {  	_ =	shalt  }
0x80: {  	_ =	shalt  }
0x81: {  	_ =	shalt  }
0x82: {  	_ =	shalt  }
0x83: {  	_ =	shalt  }
0x84: {  	_ =	shalt  }
0x85: {  	_ =	shalt  }
0x86: {  	_ =	shalt  }
0x87: {  	_ =	shalt  }
.Lfunc_end0:
.L_simem_size_0:
called_computation_lowered:
.L_overlay_start_0:
0x88: {  	s2 =	sld [smem:$0x3FD9]  }
0x89: {  	s3 =	sld [smem:$0x3FFE];
	_ =	sdelay $0x1  }
0x8a: {  	s1 =	srdreg.scid  }
0x8b: {  	s0 =	sand.u32 $0x1, s1  }
0x8c: {  	s18 =	sshll.u32 s0, $0xA;
	s2 =	sadd.s32 s3, s2  }
0x8d: {  	s2 =	sadd.s32 s2, s18  }
0x8e: {  	[smem:$0x3FC7] =	sst s2  }
0x8f: {  	_ = 	snop  }
0x90: {  	s2 =	sld [smem:$0x3FC9]  }
0x91: {  	s19 =	sld [smem:$0x3FD0];
	(tm) =	ssettm $0x1  }
0x92: {  	s4 =	sld [smem:$0x3FFB];
	_ =	sdelay $0x3  }
0x93: {  	_ =	strace s4  }
0x94: {  	s4 =	sld [smem:$0x3FFC];
	_ =	sdelay $0x3  }
0x95: {  	_ =	strace s4  }
0x96: {  	s4 =	sld [smem:$0x3FFD];
	_ =	sdelay $0x3  }
0x97: {  	_ =	strace s4  }
0x98: {  	_ =	strace $0x8FFFFFFF  }
0x99: {  	s20 =	sld [smem:$0x3FDB];
	_ =	sdelay $0x1  }
0x9a: {  	s5 =	simm.s32 $_scs_section_size  }
0x9b: {  	s6 =	simm.s32 $_size__tile_overlayer_lowered;
	s7 =	simm.s32 $_tile_overlayer_lowered  }
0x9c: {  	s23 =	simm.s32 $0x1BFF;
	s22 =	sshll.u32 s7, $0x1;
	s4 =	sadd.s32 s5, s20  }
0x9d: {  	s8 =	simm.s32 $0x0;
	s21 =	sshll.u32 s6, $0x1;
	s6 =	sadd.s32 s22, s4  }
0x9e: {  	[timem:s8], [sflag:s23] =	dma.local [hbm:s6], s21  }
0x9f: {  	_ =	swait.ge [sflag:s23], s21  }
0xa0: {  	s5 =	ssub.s32 $0x0, s21;
	[sflag:s23] =	ssyncset.done $0x0  }
0xa1: {  	[sflag:s23] =	ssyncadd.s32 s5;
	_ =	sdelay $0x1  }
0xa2: {  	s24 =	simm.s32 $0x1B8B  }
0xa3: {  	_ =	swait.ge [sflag:s24], $0x1  }
0xa4: {  	[sflag:s24] =	ssyncset.done $0x0  }
0xa5: {  	s25 =	simm.s32 $0x1B8E;
	[sflag:s24] =	ssyncadd.s32 $0xFFFFFFFF  }
0xa6: {  	s26 =	simm.s32 $execute0_lowered;
	[smem:$0x3FD2] =	sst s25  }
0xa7: {  	s5 =	sshll.u32 s26, $0x1;
	_ =	strace $0x80000046;
	[dreg:$0x1] =	wrdreg $0xFFFFFFFF  }
0xa8: {  	s28 =	simm.s32 $_size_execute0_lowered;
	s4 =	sadd.s32 s4, s5;
	[dreg:$0x0] =	wrdreg $0x0  }
0xa9: {  	s5 =	sshll.u32 s28, $0x1;
	[dreg:$0x2] =	wrdreg s4  }
0xaa: {  	[dreg:$0x3] =	wrdreg s5  }
0xab: {  	[dreg:$0x4] =	wrdreg $0xC0  }
0xac: {  	_ =	task [dreg:s8], $0x5FFFF  }
0xad: {  	[dreg:$0x1] =	wrdreg $0xFFFFFFFF  }
0xae: {  	[dreg:$0x0] =	wrdreg $0x60  }
0xaf: {  	[dreg:$0x2] =	wrdreg s2  }
0xb0: {  	[dreg:$0x3] =	wrdreg s19  }
0xb1: {  	[dreg:$0x4] =	wrdreg $0x9  }
0xb2: {  	_ =	task.clear_ibuf [dreg:s8], $0x5FFFF;
	_ =	strace $0x90000046  }
0xb3: {  	s29 =	simm.s32 $0x9;
	_ =	strace $0x80000048  }
0xb4: {  	_ =	swait.ge [sflag:s29], $0x1  }
0xb5: {  	[sflag:s29] =	ssyncadd.s32 $0xFFFFFFFF  }
0xb6: {  	_ =	strace $0x90000048  }
0xb7: {  	_ =	sfence  }
0xb8: {  	s30 =	sld [smem:$0x0];
	_ =	sdelay $0x2  }
0xb9: {  	s31 =	sshll.u32 s1, $0xD;
	s1 =	sshrl.u32 s1, $0x2  }
0xba: {  	s3 =	sand.u32 $0x4000, s31;
	s1 =	sadd.s32 s1, s30  }
0xbb: {  	s0 =	sor.u32 s3, s0;
	s1 =	sshll.u32 s1, $0x11  }
0xbc: {  	s0 =	sor.u32 s1, s0  }
0xbd: {  	s0 =	sadd.s32 $0x8F2B, s0  }
0xbe: {  	[sflag:s0] =	ssyncadd.remote.s32 $0x1  }
0xbf: {  	_ =	sfence.sel $0xFFFF  }
0xc0: {  	[dreg:$0x0] =	wrdreg $0xFFFFFFFF;
	(pc) =	sbr.abs _section_cstart, $3  }
0xc1: {  	[dreg:$0x1] =	wrdreg $0xFFFFFFFF  }
0xc2: {  	_ =	task.clear_ibuf [dreg:s8], $0x2FFFF;
	_ =	strace $0x9FFFFFFF  }
0xc3: {  	(tm) =	ssettm $0x7FFFFFFF  }
tec
execute0_lowered:
.L_overlay_start_1:
0x0: {  	(tag) =	ssettag $0x1  }
0x1: {  	s0 =	rddreg [dreg:$0x0]  }
0x2: {  	s1 =	rddreg [dreg:$0x1]  }
0x3: {  	s3 =	srdreg.scid;
	s2 =	simm.s32 $0x0;
	s6 =	stileid.u32  }
0x4: {  	s12 =	simm.s32 $0x80;
	s13 =	simm.s32 $0x400;
	s16 =	simm.s32 $0x1  }
0x5: {  	s17 =	simm.s32 $0x18000;
	s18 =	simm.s32 $0x2;
	s19 =	simm.s32 $0x4  }
0x6: {  	s20 =	simm.s32 $0x3;
	s21 =	simm.s32 $0x5;
	s22 =	simm.s32 $0x6  }
0x7: {  	s23 =	simm.s32 $0x0;
	s3 =	sand.u32 $0x1, s3;
	[smem:$0x7FF] =	sst s2  }
0x8: {  	s6 =	sshll.u32 s6, $0xF;
	s4 =	ssub.s32 $0x2, s3;
	s3 =	sshll.u32 s3, $0x6  }
0x9: {  	_ =	strace $0x80000047;
	s5 =	sshrl.u32 s4, $0x1;
	s6 =	sor.u32 s3, s6  }
0xa: {  	s11 =	ssub.s32 s4, s5;
	s3 =	sadd.s32 s0, s6;
	s8 =	sor.u32 $0x10, s6  }
0xb: {  	s9 =	sor.u32 $0x20, s6;
	s10 =	sor.u32 $0x30, s6;
	s6 =	sadd.s32 s1, s6  }
0xc: {  	[dreg:$0x3] =	wrdreg s3;
	s31 =	sadd.s32 s0, s8;
	s5 =	sadd.s32 s0, s9  }
0xd: {  	v0 =	vlaneseq.u32;
	s7 =	sadd.s32 s0, s10;
	s8 =	sadd.s32 s1, s8;
	s9 =	sadd.s32 s1, s9  }
0xe: {  	v1 =	vimm.s32 $0x0;
	v3 =	vimm.f32 $0.0e+00;
	v2 =	vor.u32 $0x4000, v0;
	s10 =	sadd.s32 s1, s10;
	s11 =	smax.u32 s11, $0x1;
	[dreg:$0x4] =	wrdreg s31  }
.LBB2_1:
0xf: {  	s0 =	rddreg [dreg:$0x3]  }
0x10: {  	[tilespmem:s2], [sflag:$0x1] =	stream.strided.gather [hbm4b:s0+s12], $0x8000, s13, s12, $0x38;
	[tilespmem:$0x1C080] =	vst v63  }
0x11: {  	s29 =	rddreg [dreg:$0x4];
	s1 =	simm.s32 $0x8000  }
0x12: {  	[tilespmem:s1], [sflag:$0x2] =	stream.strided.gather [hbm4b:s29+s12], $0x8000, s13, s12, $0x38;
	[tilespmem:$0x1C080] =	vst v63  }
0x13: {  	s30 =	simm.s32 $0x10000  }
0x14: {  	[tilespmem:s30], [sflag:$0x3] =	stream.strided.gather [hbm4b:s5+s12], $0x8000, s13, s12, $0x38;
	[tilespmem:$0x1C080] =	vst v63  }
0x15: {  	_ =	swait.ge [sflag:s16], $0x8000  }
0x16: {  	[sflag:s16] =	ssyncset.done $0x0  }
0x17: {  	s31 =	simm.s32 $0x40;
	[sflag:s16] =	ssyncadd.s32 $0xFFFF8000  }
0x18: {  	v11 =	vld [tilespmem:s31+$0x30]  }
0x19: {  	v10 =	vld [tilespmem:s31+$0x20]  }
0x1a: {  	v9 =	vld [tilespmem:s31+$0x10]  }
0x1b: {  	v8 =	vld [tilespmem:s31+$0x0]  }
0x1c: {  	v7 =	vld [tilespmem:s31+$0xFFFFFFF0]  }
0x1d: {  	v5 =	vld [tilespmem:s31+$0xFFFFFFE0]  }
0x1e: {  	v4 =	vshll.u32 v1, $0x4;
	v6 =	vld [tilespmem:s31+$0xFFFFFFD0]  }
0x1f: {  	v4 =	vor.u32 v0, v4;
	v16 =	vld [tilespmem:s31+$0xFFFFFFC0]  }
0x20: {  	vm0 =	vlt.s32 v4, v2  }
0x21: {  	v18 =	vsel vm0, v4, v2;
	vm0 =	vge.f32 v10, $5.649999980e-01;
	vm1 =	vge.f32 v11, $5.649999980e-01  }
0x22: {  	vm2 =	vge.f32 v7, $5.649999980e-01;
	vm3 =	vge.f32 v8, $5.649999980e-01;
	vm4 =	vge.f32 v9, $5.649999980e-01  }
0x23: {  	vm5 =	vge.f32 v5, $5.649999980e-01;
	vm6 =	vge.f32 v11, $4.900000100e-01;
	vm7 =	vlt.f32 v11, $5.649999980e-01  }
0x24: {  	vm8 =	vge.f32 v16, $5.649999980e-01;
	vm9 =	vge.f32 v6, $5.649999980e-01;
	vm10 =	vge.f32 v8, $4.900000100e-01  }
0x25: {  	v4 =	vsel vm0, $0x1, v1;
	vm0 =	vge.f32 v10, $4.900000100e-01;
	v12 =	vsel vm1, $0x1, v1  }
0x26: {  	vm1 =	vge.f32 v9, $4.900000100e-01;
	v17 =	vsel vm2, $0x1, v1;
	vm2 =	vlt.f32 v9, $5.649999980e-01  }
0x27: {  	v19 =	vsel vm3, $0x1, v1;
	vm3 =	vlt.f32 v10, $5.649999980e-01;
	v20 =	vsel vm4, $0x1, v1  }
0x28: {  	vm4 =	vge.f32 v7, $4.900000100e-01;
	v14 =	vsel vm9, $0x1, v1;
	v15 =	vsel vm5, $0x1, v1  }
0x29: {  	vm5 =	vlt.f32 v8, $5.649999980e-01;
	vm13 =	vmand vm6, vm7;
	vm7 =	vge.f32 v5, $4.900000100e-01  }
0x2a: {  	v13 =	vsel vm8, $0x1, v1;
	vm8 =	vlt.f32 v7, $5.649999980e-01;
	vm9 =	vmand vm1, vm2  }
0x2b: {  	vm1 =	vge.f32 v16, $4.900000100e-01;
	vm12 =	vmand vm0, vm3;
	vm0 =	vlt.f32 v16, $5.649999980e-01  }
0x2c: {  	vm4 =	vmand vm4, vm8;
	vm2 =	vge.f32 v6, $4.900000100e-01;
	vm8 =	vmand vm10, vm5  }
0x2d: {  	vm3 =	vlt.f32 v6, $5.649999980e-01;
	v22 =	vadd.s32 v13, v1;
	v23 =	vsel vm13, $0x1, v1  }
0x2e: {  	vm0 =	vmand vm1, vm0;
	vm1 =	vlt.f32 v5, $5.649999980e-01;
	vm2 =	vmand vm2, vm3  }
0x2f: {  	v22 =	vadd.s32 v14, v22;
	vm3 =	vmand vm7, vm1;
	v21 =	vsel vm0, $0x1, v1  }
0x30: {  	v58 =	vsel vm2, $0x1, v1;
	v22 =	vadd.s32 v15, v22;
	v13 =	vadd.s32 v21, v1  }
0x31: {  	v59 =	vsel vm3, $0x1, v1;
	v17 =	vadd.s32 v17, v22;
	v14 =	vadd.s32 v58, v13  }
0x32: {  	v60 =	vsel vm4, $0x1, v1;
	v17 =	vadd.s32 v19, v17;
	v15 =	vadd.s32 v59, v14  }
0x33: {  	v61 =	vsel vm8, $0x1, v1;
	v17 =	vadd.s32 v20, v17;
	v21 =	vadd.s32 v60, v15  }
0x34: {  	v62 =	vsel vm9, $0x1, v1;
	v4 =	vadd.s32 v4, v17;
	v19 =	vadd.s32 v61, v21  }
0x35: {  	v63 =	vsel vm12, $0x1, v1;
	v12 =	vadd.s32 v12, v4;
	v20 =	vadd.s32 v62, v19  }
0x36: {  	[tilespmem:v18+s17+$0x0] =	vst.idx.msk vm0, v16;
	v16 =	vshll.u32 v21, $0x4;
	v18 =	vshll.u32 v19, $0x4;
	v22 =	vadd.s32 v63, v20  }
0x37: {  	s24 =	simm.s32 $0x0;
	s25 =	simm.s32 $0xC0;
	v19 =	vshll.u32 v20, $0x4;
	v17 =	vshll.u32 v22, $0x4;
	v4 =	vadd.s32 v23, v22  }
.LBB2_2:
0x38: {  	v20 =	vimm.s32 $0x0  }
0x39: {  	v20 =	vsel vm4, $0xFFFFFFFF, v20  }
0x3a: {  	[tilespmem:$0x1FF50] =	vst v20;
	v20 =	vimm.s32 $0x0  }
0x3b: {  	v20 =	vsel vm3, $0xFFFFFFFF, v20  }
0x3c: {  	v17 =	vor.u32 v0, v17;
	v16 =	vor.u32 v0, v16;
	[tilespmem:$0x1FF60] =	vst v20;
	v20 =	vimm.s32 $0x0  }
0x3d: {  	vm6 =	vmmov vm8;
	vm5 =	vlt.s32 v16, v2;
	v20 =	vsel vm2, $0xFFFFFFFF, v20  }
0x3e: {  	v16 =	vsel vm5, v16, v2;
	vm2 =	vlt.s32 v17, v2;
	[tilespmem:$0x1FF80] =	vst v20;
	v20 =	vld [tilespmem:s25+$0x30]  }
0x3f: {  	v25 =	vld [tilespmem:s25+$0xFFFFFFF0];
	v17 =	vsel vm2, v17, v2  }
0x40: {  	v24 =	vld [tilespmem:s25+$0x0]  }
0x41: {  	v23 =	vld [tilespmem:s25+$0x10];
	v18 =	vor.u32 v0, v18  }
0x42: {  	v15 =	vshll.u32 v15, $0x4;
	v26 =	vld [tilespmem:s25+$0xFFFFFFE0];
	v29 =	vimm.s32 $0x0;
	vm0 =	vlt.s32 v18, v2  }
0x43: {  	v57 =	vimm.s32 $0x0;
	v18 =	vsel vm0, v18, v2;
	[tilespmem:v16+s17+$0x0] =	vst.idx.msk vm6, v8;
	vm0 =	vge.f32 v20, $5.649999980e-01  }
0x44: {  	v58 =	vimm.s32 $0x0;
	[tilespmem:v17+s17+$0x0] =	vst.idx.msk vm13, v11;
	v29 =	vsel vm0, $0xFFFFFFFF, v29;
	vm0 =	vge.f32 v25, $5.649999980e-01  }
0x45: {  	v28 =	vld [tilespmem:s25+$0xFFFFFFC0];
	v59 =	vimm.s32 $0x0;
	[tilespmem:$0x1FF70] =	vst v29;
	v29 =	vsel vm0, $0xFFFFFFFF, v57;
	vm0 =	vge.f32 v24, $5.649999980e-01  }
0x46: {  	v60 =	vimm.s32 $0x0;
	v16 =	vld [tilespmem:$0x1FF50];
	[tilespmem:$0x1FF90] =	vst v29;
	v29 =	vsel vm0, $0xFFFFFFFF, v58;
	vm0 =	vge.f32 v23, $5.649999980e-01  }
0x47: {  	v61 =	vimm.s32 $0x0;
	[tilespmem:$0x1FFA0] =	vst v29;
	v29 =	vsel vm0, $0xFFFFFFFF, v59;
	vm0 =	vge.f32 v26, $5.649999980e-01  }
0x48: {  	v62 =	vimm.s32 $0x0;
	[tilespmem:$0x1FFB0] =	vst v29;
	v29 =	vsel vm0, $0xFFFFFFFF, v60;
	vm0 =	vge.f32 v20, $4.900000100e-01  }
0x49: {  	v15 =	vor.u32 v0, v15;
	[tilespmem:$0x1FFC0] =	vst v29;
	v29 =	vsel vm0, $0xFFFFFFFF, v61;
	vm0 =	vlt.f32 v20, $5.649999980e-01  }
0x4a: {  	v17 =	vimm.s32 $0x0;
	[tilespmem:$0x1FFD0] =	vst v29;
	v29 =	vsel vm0, $0xFFFFFFFF, v62;
	vm0 =	vge.f32 v28, $5.649999980e-01  }
0x4b: {  	vm4 =	vlt.s32 v15, v2;
	v17 =	vsel vm0, $0xFFFFFFFF, v17;
	vm0 =	vnez.u8 v16  }
0x4c: {  	v15 =	vsel vm4, v15, v2;
	_ =	sdelay $0x4  }
0x4d: {  	[tilespmem:v15+s17+$0x0] =	vst.idx.msk vm0, v7;
	v15 =	vld [tilespmem:$0x1FF60];
	_ =	sdelay $0x2  }
0x4e: {  	v14 =	vshll.u32 v14, $0x4  }
0x4f: {  	v14 =	vor.u32 v0, v14  }
0x50: {  	vm3 =	vlt.s32 v14, v2;
	vm0 =	vnez.u8 v15  }
0x51: {  	v14 =	vsel vm3, v14, v2;
	_ =	sdelay $0x3  }
0x52: {  	v22 =	vld [tilespmem:s25+$0x20]  }
0x53: {  	[tilespmem:v14+s17+$0x0] =	vst.idx.msk vm0, v5;
	v14 =	vld [tilespmem:$0x1FF70];
	_ =	sdelay $0x3  }
0x54: {  	vm14 =	vge.f32 v22, $5.649999980e-01  }
0x55: {  	v16 =	vsel vm14, $0x1, v1;
	vm14 =	vnez.u8 v14;
	v14 =	vld [tilespmem:$0x1FF80];
	_ =	sdelay $0x2  }
0x56: {  	v13 =	vshll.u32 v13, $0x4  }
0x57: {  	v13 =	vor.u32 v0, v13  }
0x58: {  	vm8 =	vlt.s32 v13, v2;
	[tilespmem:$0x1FFF0] =	vst v17;
	v17 =	vsel vm14, $0x1, v1;
	vm14 =	vnez.u8 v14  }
0x59: {  	v13 =	vsel vm8, v13, v2;
	_ =	sdelay $0x3  }
0x5a: {  	v27 =	vld [tilespmem:s25+$0xFFFFFFD0]  }
0x5b: {  	[tilespmem:v13+s17+$0x0] =	vst.idx.msk vm14, v6;
	v13 =	vld [tilespmem:$0x1FF90];
	_ =	sdelay $0x4  }
0x5c: {  	vm14 =	vnez.u8 v13;
	v13 =	vld [tilespmem:$0x1FFA0];
	_ =	sdelay $0x2  }
0x5d: {  	v19 =	vor.u32 v0, v19  }
0x5e: {  	vm1 =	vlt.s32 v19, v2  }
0x5f: {  	v19 =	vsel vm1, v19, v2;
	[tilespmem:v18+s17+$0x0] =	vst.idx.msk vm9, v9;
	v18 =	vsel vm14, $0x1, v1;
	vm14 =	vnez.u8 v13;
	v13 =	vld [tilespmem:$0x1FFB0];
	_ =	sdelay $0x4  }
0x60: {  	[tilespmem:v19+s17+$0x0] =	vst.idx.msk vm12, v10;
	v19 =	vsel vm14, $0x1, v1;
	vm14 =	vnez.u8 v13;
	v13 =	vld [tilespmem:$0x1FFC0];
	_ =	sdelay $0x3  }
0x61: {  	vm13 =	vge.f32 v27, $5.649999980e-01  }
0x62: {  	v14 =	vsel vm13, $0x1, v1;
	vm13 =	vnez.u8 v13;
	v13 =	vld [tilespmem:$0x1FFD0];
	_ =	sdelay $0x3  }
0x63: {  	v21 =	vshll.u32 v4, $0x4;
	[tilespmem:$0x1FFE0] =	vst v29  }
0x64: {  	v21 =	vor.u32 v0, v21;
	v15 =	vsel vm13, $0x1, v1;
	vm13 =	vnez.u8 v13;
	v13 =	vld [tilespmem:$0x1FFE0]  }
0x65: {  	vm7 =	vlt.s32 v21, v2  }
0x66: {  	v21 =	vsel vm7, v21, v2;
	vm15 =	vge.f32 v22, $4.900000100e-01  }
0x67: {  	vm11 =	vlt.f32 v23, $5.649999980e-01;
	vm8 =	vge.f32 v24, $4.900000100e-01;
	vm7 =	vlt.f32 v24, $5.649999980e-01  }
0x68: {  	vm5 =	vlt.f32 v26, $5.649999980e-01;
	vm4 =	vlt.f32 v25, $5.649999980e-01;
	vm1 =	vge.f32 v28, $4.900000100e-01  }
0x69: {  	vm3 =	vge.f32 v27, $4.900000100e-01;
	v11 =	vmovc v20;
	v20 =	vsel vm14, $0x1, v1;
	vm14 =	vnez.u8 v13;
	v13 =	vld [tilespmem:$0x1FFF0]  }
0x6a: {  	vm2 =	vlt.f32 v27, $5.649999980e-01;
	vm8 =	vmand vm8, vm7;
	vm12 =	vge.f32 v23, $4.900000100e-01  }
0x6b: {  	v10 =	vmovc v22;
	vm9 =	vge.f32 v25, $4.900000100e-01;
	vm6 =	vge.f32 v26, $4.900000100e-01;
	vm2 =	vmand vm3, vm2  }
0x6c: {  	vm10 =	vlt.f32 v10, $5.649999980e-01;
	vm11 =	vmand vm12, vm11;
	vm4 =	vmand vm9, vm4  }
0x6d: {  	vm3 =	vmand vm6, vm5;
	vm12 =	vmand vm15, vm10;
	vm0 =	vlt.f32 v28, $5.649999980e-01  }
0x6e: {  	vm0 =	vmand vm1, vm0;
	vm13 =	vmand vm13, vm14;
	vm14 =	vnez.u8 v13  }
0x6f: {  	vm9 =	vmmov vm11;
	v63 =	vsel vm0, $0x1, v1;
	v13 =	vsel vm14, $0x1, v1  }
0x70: {  	v12 =	vadd.s32 v13, v12;
	v13 =	vadd.s32 v63, v4;
	v4 =	vsel vm2, $0x1, v1  }
0x71: {  	v12 =	vadd.s32 v14, v12;
	v14 =	vadd.s32 v4, v13;
	v4 =	vsel vm3, $0x1, v1  }
0x72: {  	s24 =	sadd.s32 $0x8, s24;
	v12 =	vadd.s32 v15, v12;
	v15 =	vadd.s32 v4, v14;
	v4 =	vsel vm4, $0x1, v1  }
0x73: {  	p0 =	slt.u32 s24, $0x7F8;
	v12 =	vadd.s32 v18, v12;
	v18 =	vadd.s32 v4, v15;
	v4 =	vsel vm8, $0x1, v1  }
.Ltmp0:
0x74: {  	v12 =	vadd.s32 v19, v12;
	v19 =	vadd.s32 v4, v18;
	v4 =	vsel vm11, $0x1, v1;
	(pc) =	sbr.rel @p0 .LBB2_2-.Ltmp0, $4  }
0x75: {  	v12 =	vadd.s32 v20, v12;
	v20 =	vadd.s32 v4, v19;
	v4 =	vsel vm12, $0x1, v1  }
0x76: {  	v9 =	vmovc v23;
	v12 =	vadd.s32 v16, v12;
	v4 =	vadd.s32 v4, v20;
	v16 =	vsel vm13, $0x1, v1  }
0x77: {  	v8 =	vmovc v24;
	v7 =	vmovc v25;
	v12 =	vadd.s32 v17, v12;
	v17 =	vshll.u32 v4, $0x4;
	v4 =	vadd.s32 v16, v4  }
0x78: {  	s25 =	sadd.s32 $0x80, s25;
	v5 =	vmovc v26;
	[tilespmem:v21+s17+$0x0] =	vst.idx.msk vm0, v28;
	v6 =	vmovc v27;
	v16 =	vshll.u32 v18, $0x4;
	v18 =	vshll.u32 v19, $0x4;
	v19 =	vshll.u32 v20, $0x4  }
0x79: {  	(xrf0) =	vadd.scan.msk.s32 $0xffff, v12  }
0x7a: {  	(xrf0) =	vadd.scan.msk.s32 $0xffff, v4  }
0x7b: {  	v56 =	vxor.u32 $0x80000000, v4  }
0x7c: {  	(xrf0) =	vmax.scan.msk.u32 $0xffff, v56;
	_ =	sdelay $0x2  }
0x7d: {  	v57, _, _ =	vpop (xrf0)  }
0x7e: {  	v20, _, _ =	vpop (xrf0);
	(v2sf) =	vpush v57, $0xF  }
0x7f: {  	(v2sf) =	vpush v20, $0xF  }
0x80: {  	v58, _, _ =	vpop (xrf0)  }
0x81: {  	(v2sf) =	vpush v58, $0xF;
	_ =	sdelay $0x9  }
0x82: {  	v59 =	vshll.u32 v13, $0x4;
	v60 =	vshll.u32 v14, $0x4;
	v61 =	vor.u32 v0, v17  }
0x83: {  	v15 =	vshll.u32 v15, $0x4;
	v62 =	vor.u32 v0, v19;
	vm0 =	vlt.s32 v61, v2  }
0x84: {  	v18 =	vor.u32 v0, v18;
	vm1 =	vlt.s32 v62, v2;
	v14 =	vsel vm0, v61, v2;
	s25 =	spop (v2sf)  }
0x85: {  	v16 =	vor.u32 v0, v16;
	vm7 =	vlt.s32 v18, v2;
	v17 =	vsel vm1, v62, v2;
	s0 =	spop (v2sf)  }
0x86: {  	v15 =	vor.u32 v0, v15;
	vm10 =	vlt.s32 v16, v2;
	v18 =	vsel vm7, v18, v2;
	p0 =	sgt.s32 s25, $0x2665;
	s1 =	sadd.s32 s25, s0  }
0x87: {  	v13 =	vor.u32 v0, v60;
	vm11 =	vlt.s32 v15, v2;
	v16 =	vsel vm10, v16, v2;
	s0 =	spop (v2sf);
	p1 =	slt.s32 @!p0 s1, $0x2666  }
0x88: {  	v12 =	vor.u32 v0, v59;
	vm14 =	vlt.s32 v13, v2;
	v15 =	vsel vm11, v15, v2;
	s26 =	sxor.u32 $0x80000000, s0;
	p0 =	por p0, p1  }
0x89: {  	vm15 =	vlt.s32 v12, v2;
	v13 =	vsel vm14, v13, v2;
	[tilespmem:v14+s17+$0x0] =	vst.idx.msk vm13, v11;
	p1 =	sgt.s32 @!p0 s26, $0x3FF  }
0x8a: {  	v63 =	vsel vm15, v12, v2;
	[tilespmem:v17+s17+$0x0] =	vst.idx.msk vm12, v10;
	p0 =	por p0, p1  }
.Ltmp1:
0x8b: {  	[tilespmem:v18+s17+$0x0] =	vst.idx.msk vm9, v9;
	(pc) =	sbr.rel @p0 .LBB2_13-.Ltmp1, $4  }
0x8c: {  	[tilespmem:v16+s17+$0x0] =	vst.idx.msk vm8, v8  }
0x8d: {  	[tilespmem:v15+s17+$0x0] =	vst.idx.msk vm4, v7  }
0x8e: {  	[tilespmem:v13+s17+$0x0] =	vst.idx.msk vm3, v5  }
0x8f: {  	[tilespmem:v63+s17+$0x0] =	vst.idx.msk vm2, v6  }
0x90: {  	s1 =	sshra.s32 s26, $0x1F  }
0x91: {  	s1 =	sshrl.u32 s1, $0x1E  }
0x92: {  	s1 =	sadd.s32 s1, s26  }
0x93: {  	s28 =	sand.u32 $0xFFFFFFFC, s1  }
.Ltmp2:
0x94: {  	s1 =	ssub.s32 s26, s28;
	(pc) =	sbr.rel .LBB2_5-.Ltmp2, $4  }
0x95: {  	s0 =	sshll.u32 s0, $0x6;
	s14 =	sshll.u32 s1, $0x6  }
0x96: {  	s24 =	simm.s32 $0x3EFAE148;
	p0 =	slt.s32 s28, $0x1;
	s0 =	ssub.s32 s0, s14  }
0x97: {  	s30 =	ssub.s32 $0x0, s1;
	s1 =	simm.s32 $0x15C28F;
	s0 =	sshra.s32 s0, $0x2  }
0x98: {  	p1 =	sge.s32 s28, s26;
	s29 =	sadd.s32 $0x18000, s0;
	s0 =	simm.s32 $0x3F10A3D7  }
.LBB2_9:
0x99: {  	(xrf0) =	vadd.scan.msk.s32 $0xffff, v6;
	_ =	sdelay $0x5  }
0x9a: {  	v5, _, _ =	vpop (xrf0)  }
0x9b: {  	(v2sf) =	vpush v5, $0xF;
	_ =	sdelay $0xe  }
0x9c: {  	s1 =	spop (v2sf)  }
0x9d: {  	s1 =	sadd.s32 s25, s1  }
0x9e: {  	p2 =	sgt.s32 s1, $0x2665  }
0x9f: {  	s24 =	smov.u32 @p2 s31;
	s31 =	smov.u32 @p2 s0  }
0xa0: {  	s1 =	ssub.s32 s31, s24  }
0xa1: {  	p2 =	seq.s32 s1, $0x1  }
.Ltmp3:
0xa2: {  	_ = 	snop;
	(pc) =	sbr.rel @p2 .LBB2_17-.Ltmp3, $2  }
0xa3: {  	_ =	sdelay $0x2  }
0xa4: {  	s0 =	smov.u32 s31  }
.LBB2_5:
0xa5: {  	s1 =	sshrl.u32 s1, $0x1  }
0xa6: {  	s31 =	sadd.s32 s24, s1  }
0xa7: {  	s1 =	sxor.u32 $0x7FFFFFFF, s31  }
.Ltmp4:
0xa8: {  	p2 =	slt.s32 s31, $0x0;
	s14 =	smov.u32 s31;
	(pc) =	sbr.rel @p0 .LBB2_6-.Ltmp4, $3  }
0xa9: {  	s14 =	smov.u32 @p2 s1  }
0xaa: {  	v5 =	vmov s14  }
0xab: {  	v5 =	vbroadcast v5, $0x0;
	_ =	sdelay $0x1  }
0xac: {  	s14 =	simm.s32 $0x18020  }
0xad: {  	v7 =	vld [tilespmem:s14+$0xFFFFFFE0];
	_ =	sdelay $0x2  }
0xae: {  	v8 =	vld [tilespmem:s14+$0x10]  }
0xaf: {  	p2 =	sgt.s32 s28, $0x4;
	v9 =	vld [tilespmem:s14+$0xFFFFFFF0]  }
.Ltmp5:
0xb0: {  	s1 =	simm.s32 $0x0;
	s15 =	simm.s32 $0x2;
	vm4 =	vge.f32 v7, v5;
	v7 =	vld [tilespmem:s14+$0x0];
	(pc) =	sbr.rel @!p2 .LBB2_12-.Ltmp5, $4  }
0xb1: {  	v6 =	vimm.s32 $0x0;
	s3 =	simm.s32 $0x3;
	s4 =	simm.s32 $0x1;
	v10 =	vmov s1;
	v11 =	vmov s15  }
0xb2: {  	v12 =	vmov s3;
	v63 =	vmov s4;
	vm2 =	vlt.s32 v10, v4  }
0xb3: {  	vm0 =	vlt.s32 v12, v4;
	vm3 =	vlt.s32 v63, v4;
	vm1 =	vlt.s32 v11, v4  }
0xb4: {  	s1 =	simm.s32 $0x4;
	vm5 =	vge.f32 v9, v5;
	s14 =	simm.s32 $0x18060;
	vm4 =	vmand vm2, vm4;
	vm2 =	vge.f32 v8, v5  }
.LBB2_11:
0xb5: {  	v8 =	vld [tilespmem:s14+$0x10];
	v9 =	vsel vm4, $0x1, v1;
	vm3 =	vmand vm3, vm5;
	vm4 =	vge.f32 v7, v5;
	s3 =	smov.u32 s1  }
0xb6: {  	s1 =	sadd.s32 $0x4, s1;
	v10 =	vld [tilespmem:s14+$0xFFFFFFE0];
	v6 =	vadd.s32 v9, v6;
	v7 =	vsel vm3, $0x1, v1;
	vm1 =	vmand vm1, vm4  }
0xb7: {  	vm0 =	vmand vm0, vm2;
	p2 =	slt.s32 s1, s28;
	v9 =	vld [tilespmem:s14+$0xFFFFFFF0];
	v6 =	vadd.s32 v7, v6;
	v11 =	vsel vm1, $0x1, v1  }
.Ltmp6:
0xb8: {  	v12 =	vmov s3;
	s15 =	sadd.s32 $0x2, s3;
	s4 =	sadd.s32 $0x3, s3;
	v7 =	vld [tilespmem:s14+$0x0];
	v6 =	vadd.s32 v11, v6;
	v11 =	vsel vm0, $0x1, v1;
	(pc) =	sbr.rel @p2 .LBB2_11-.Ltmp6, $4  }
0xb9: {  	s3 =	sadd.s32 $0x1, s3;
	v13 =	vmov s15;
	v14 =	vmov s4;
	v6 =	vadd.s32 v11, v6  }
0xba: {  	vm2 =	vlt.s32 v12, v4;
	vm0 =	vlt.s32 v14, v4;
	v11 =	vmov s3  }
0xbb: {  	vm1 =	vlt.s32 v13, v4;
	vm3 =	vlt.s32 v11, v4;
	vm4 =	vge.f32 v10, v5  }
0xbc: {  	s14 =	sadd.s32 $0x40, s14;
	vm4 =	vmand vm2, vm4;
	vm5 =	vge.f32 v9, v5;
	vm2 =	vge.f32 v8, v5  }
.LBB2_12:
.Ltmp7:
0xbd: {  	v8 =	vsel vm4, $0x1, v1;
	vm3 =	vmand vm3, vm5;
	vm15 =	vge.f32 v7, v5;
	(pc) =	sbr.rel .LBB2_7-.Ltmp7, $4  }
0xbe: {  	v6 =	vadd.s32 v8, v6;
	v7 =	vsel vm3, $0x1, v1;
	vm1 =	vmand vm1, vm15  }
0xbf: {  	vm0 =	vmand vm0, vm2;
	v6 =	vadd.s32 v7, v6;
	v7 =	vsel vm1, $0x1, v1  }
0xc0: {  	v6 =	vadd.s32 v7, v6;
	v7 =	vsel vm0, $0x1, v1  }
0xc1: {  	v6 =	vadd.s32 v7, v6  }
.LBB2_6:
0xc2: {  	v6 =	vimm.s32 $0x0  }
.LBB2_7:
.Ltmp8:
0xc3: {  	(pc) =	sbr.rel @p1 .LBB2_9-.Ltmp8, $2  }
0xc4: {  	_ =	sdelay $0x2  }
0xc5: {  	s1 =	smov.u32 s29;
	s14 =	smov.u32 s30  }
.LBB2_8:
0xc6: {  	v7 =	vld [tilespmem:s1+$0x0];
	_ =	sdelay $0x1  }
0xc7: {  	s3 =	sadd.s32 s14, s26;
	s14 =	sadd.s32 $0x1, s14  }
0xc8: {  	p2 =	seq.s32 s14, $0x0  }
.Ltmp9:
0xc9: {  	v8 =	vmov s3;
	(pc) =	sbr.rel @!p2 .LBB2_8-.Ltmp9, $4  }
0xca: {  	vm0 =	vlt.s32 v8, v4;
	vm1 =	vge.f32 v7, v5  }
0xcb: {  	vm0 =	vmand vm0, vm1  }
0xcc: {  	v7 =	vsel vm0, $0x1, v1  }
0xcd: {  	s1 =	sadd.s32 $0x10, s1;
	v6 =	vadd.s32 v7, v6  }
.Ltmp10:
0xce: {  	_ = 	snop;
	(pc) =	sbr.rel .LBB2_9-.Ltmp10, $1  }
0xcf: {  	_ =	sdelay $0x3  }
.LBB2_13:
0xd0: {  	p0 =	slt.s32 s1, $0x2666;
	s24 =	simm.s32 $0x80000000;
	s25 =	simm.s32 $0x3EFAE148  }
0xd1: {  	s1 =	simm.s32 $0xBEFAE148;
	s24 =	simm.s32 @!p0 $0x3F10A3D7  }
0xd2: {  	s25 =	simm.s32 @!p0 $0x7FFFFFFF;
	s1 =	simm.s32 @!p0 $0x40EF5C28  }
.LBB2_14:
0xd3: {  	s0 =	sshrl.u32 s1, $0x1  }
0xd4: {  	s3 =	simm.s32 $0x0;
	s0 =	sadd.s32 s24, s0  }
0xd5: {  	v5 =	vld [tilespmem:s3+$0x0];
	s1 =	sxor.u32 $0x7FFFFFFF, s0;
	p0 =	slt.s32 s0, $0x0;
	s4 =	smov.u32 s0  }
0xd6: {  	v7 =	vld [tilespmem:s3+$0x10];
	s4 =	smov.u32 @p0 s1  }
0xd7: {  	v9 =	vld [tilespmem:s3+$0x20];
	v4 =	vmov s4  }
0xd8: {  	v8 =	vld [tilespmem:s3+$0x30];
	v4 =	vbroadcast v4, $0x0  }
0xd9: {  	v6 =	vld [tilespmem:s3+$0x40]  }
0xda: {  	vm0 =	vge.f32 v5, v4;
	v5 =	vld [tilespmem:s3+$0x50]  }
0xdb: {  	v10 =	vimm.s32 $0x0;
	v11 =	vsel vm0, $0x1, v1;
	vm0 =	vge.f32 v7, v4;
	v7 =	vld [tilespmem:s3+$0x60]  }
0xdc: {  	s26 =	simm.s32 $0x80;
	s1 =	simm.s32 $0x400;
	v10 =	vadd.s32 v11, v10;
	v11 =	vsel vm0, $0x1, v1;
	vm0 =	vge.f32 v9, v4;
	v9 =	vld [tilespmem:s3+$0x70]  }
.LBB2_15:
0xdd: {  	p0 =	sne.s32 s1, $0x1FE00;
	v12 =	vld [tilespmem:s26+$0x0];
	v10 =	vadd.s32 v11, v10;
	v11 =	vsel vm0, $0x1, v1;
	vm0 =	vge.f32 v8, v4  }
0xde: {  	v13 =	vld [tilespmem:s26+$0x10];
	v8 =	vadd.s32 v11, v10;
	v10 =	vsel vm0, $0x1, v1;
	vm0 =	vge.f32 v6, v4  }
0xdf: {  	v14 =	vld [tilespmem:s26+$0x20];
	v6 =	vadd.s32 v10, v8;
	v10 =	vsel vm0, $0x1, v1;
	vm0 =	vge.f32 v5, v4  }
.Ltmp11:
0xe0: {  	v8 =	vld [tilespmem:s26+$0x30];
	v5 =	vadd.s32 v10, v6;
	v10 =	vsel vm0, $0x1, v1;
	vm0 =	vge.f32 v7, v4;
	(pc) =	sbr.rel @p0 .LBB2_15-.Ltmp11, $4  }
0xe1: {  	v6 =	vld [tilespmem:s26+$0x40];
	v7 =	vadd.s32 v10, v5;
	v10 =	vsel vm0, $0x1, v1;
	vm0 =	vge.f32 v9, v4  }
0xe2: {  	vm1 =	vge.f32 v12, v4;
	v5 =	vld [tilespmem:s26+$0x50];
	v9 =	vadd.s32 v10, v7;
	v10 =	vsel vm0, $0x1, v1  }
0xe3: {  	v11 =	vsel vm1, $0x1, v1;
	vm0 =	vge.f32 v13, v4;
	v7 =	vld [tilespmem:s26+$0x60];
	v9 =	vadd.s32 v10, v9  }
0xe4: {  	v10 =	vadd.s32 v11, v9;
	v11 =	vsel vm0, $0x1, v1;
	vm0 =	vge.f32 v14, v4;
	v9 =	vld [tilespmem:s26+$0x70];
	s26 =	sshra.s32 s1, $0x2;
	s1 =	sadd.s32 $0x200, s1  }
0xe5: {  	v12 =	vld [tilespmem:s26+$0x0];
	v10 =	vadd.s32 v11, v10;
	v47 =	vsel vm0, $0x1, v1;
	vm4 =	vge.f32 v8, v4  }
0xe6: {  	v48 =	vld [tilespmem:s26+$0x10];
	v10 =	vadd.s32 v47, v10;
	v49 =	vsel vm4, $0x1, v1;
	vm5 =	vge.f32 v6, v4  }
0xe7: {  	v50 =	vld [tilespmem:s26+$0x20];
	v10 =	vadd.s32 v49, v10;
	v51 =	vsel vm5, $0x1, v1;
	vm6 =	vge.f32 v5, v4  }
0xe8: {  	v5 =	vld [tilespmem:s26+$0x30];
	v10 =	vadd.s32 v51, v10;
	v52 =	vsel vm6, $0x1, v1;
	vm7 =	vge.f32 v7, v4  }
0xe9: {  	v53 =	vld [tilespmem:s26+$0x40];
	v10 =	vadd.s32 v52, v10;
	v54 =	vsel vm7, $0x1, v1;
	vm8 =	vge.f32 v9, v4  }
0xea: {  	v55 =	vld [tilespmem:s26+$0x50];
	vm1 =	vge.f32 v12, v4;
	v10 =	vadd.s32 v54, v10;
	v56 =	vsel vm8, $0x1, v1  }
0xeb: {  	v57 =	vld [tilespmem:s26+$0x60];
	vm9 =	vge.f32 v48, v4;
	v12 =	vsel vm1, $0x1, v1;
	v10 =	vadd.s32 v56, v10  }
0xec: {  	v59 =	vld [tilespmem:s26+$0x70];
	vm10 =	vge.f32 v50, v4;
	v58 =	vsel vm9, $0x1, v1;
	v10 =	vadd.s32 v12, v10  }
0xed: {  	v60 =	vsel vm10, $0x1, v1;
	vm11 =	vge.f32 v5, v4;
	v10 =	vadd.s32 v58, v10  }
0xee: {  	vm12 =	vge.f32 v53, v4;
	v61 =	vsel vm11, $0x1, v1;
	v5 =	vadd.s32 v60, v10  }
0xef: {  	vm13 =	vge.f32 v55, v4;
	v7 =	vsel vm12, $0x1, v1;
	v5 =	vadd.s32 v61, v5  }
0xf0: {  	vm14 =	vge.f32 v57, v4;
	v62 =	vsel vm13, $0x1, v1;
	v5 =	vadd.s32 v7, v5  }
0xf1: {  	vm15 =	vge.f32 v59, v4;
	v63 =	vsel vm14, $0x1, v1;
	v5 =	vadd.s32 v62, v5  }
0xf2: {  	v4 =	vadd.s32 v63, v5;
	v5 =	vsel vm15, $0x1, v1  }
0xf3: {  	v4 =	vadd.s32 v5, v4  }
0xf4: {  	(xrf0) =	vadd.scan.msk.s32 $0xffff, v4;
	_ =	sdelay $0x5  }
0xf5: {  	v4, _, _ =	vpop (xrf0)  }
0xf6: {  	(v2sf) =	vpush v4, $0xF;
	_ =	sdelay $0xe  }
0xf7: {  	s1 =	spop (v2sf)  }
0xf8: {  	p0 =	sgt.s32 s1, $0x2665  }
0xf9: {  	s24 =	smov.u32 @p0 s0;
	s0 =	smov.u32 @p0 s25  }
0xfa: {  	s1 =	ssub.s32 s0, s24  }
0xfb: {  	p0 =	sne.s32 s1, $0x1  }
.Ltmp12:
0xfc: {  	_ = 	snop;
	(pc) =	sbr.rel @p0 .LBB2_14-.Ltmp12, $2  }
0xfd: {  	_ =	sdelay $0x2  }
0xfe: {  	s25 =	smov.u32 s0  }
.LBB2_17:
0xff: {  	s0 =	simm.s32 $0x40  }
0x100: {  	s1 =	sxor.u32 $0x7FFFFFFF, s24;
	p0 =	slt.s32 s24, $0x0;
	v6 =	vld [tilespmem:s0+$0x30]  }
0x101: {  	s24 =	smov.u32 @p0 s1;
	v9 =	vld [tilespmem:s0+$0xFFFFFFD0]  }
0x102: {  	v11 =	vld [tilespmem:s0+$0xFFFFFFE0];
	v4 =	vmov s24  }
0x103: {  	v8 =	vld [tilespmem:s0+$0xFFFFFFF0];
	v4 =	vbroadcast v4, $0x0  }
0x104: {  	v7 =	vld [tilespmem:s0+$0x0]  }
0x105: {  	v5 =	vld [tilespmem:s0+$0x10];
	vm0 =	vge.f32 v6, v4  }
0x106: {  	vm1 =	vge.f32 v9, v4;
	v6 =	vld [tilespmem:s0+$0x20];
	v12 =	vsel vm0, $0x3F800000, v3  }
0x107: {  	s14 =	simm.s32 $0xC0;
	s1 =	simm.s32 $0x0;
	v9 =	vld [tilespmem:s0+$0xFFFFFFC0];
	v10 =	vsel vm1, $0x3F800000, v3;
	vm0 =	vge.f32 v11, v4;
	[tilespmem:s0+$0x30] =	vst v12  }
.LBB2_18:
0x108: {  	v11 =	vld [tilespmem:s14+$0x30];
	s1 =	sadd.s32 $0x8, s1;
	[tilespmem:s0+$0xFFFFFFD0] =	vst v10;
	v10 =	vsel vm0, $0x3F800000, v3;
	vm0 =	vge.f32 v8, v4  }
0x109: {  	v12 =	vld [tilespmem:s14+$0xFFFFFFD0];
	p0 =	slt.u32 s1, $0x7F8;
	[tilespmem:s0+$0xFFFFFFE0] =	vst v10;
	v8 =	vsel vm0, $0x3F800000, v3;
	vm0 =	vge.f32 v7, v4  }
0x10a: {  	v13 =	vld [tilespmem:s14+$0xFFFFFFE0];
	[tilespmem:s0+$0xFFFFFFF0] =	vst v8;
	v7 =	vsel vm0, $0x3F800000, v3;
	vm0 =	vge.f32 v5, v4  }
.Ltmp13:
0x10b: {  	v8 =	vld [tilespmem:s14+$0xFFFFFFF0];
	[tilespmem:s0+$0x0] =	vst v7;
	v5 =	vsel vm0, $0x3F800000, v3;
	vm0 =	vge.f32 v6, v4;
	(pc) =	sbr.rel @p0 .LBB2_18-.Ltmp13, $4  }
0x10c: {  	v7 =	vld [tilespmem:s14+$0x0];
	vm1 =	vge.f32 v9, v4;
	[tilespmem:s0+$0x10] =	vst v5;
	v6 =	vsel vm0, $0x3F800000, v3  }
0x10d: {  	v5 =	vld [tilespmem:s14+$0x10];
	vm0 =	vge.f32 v11, v4;
	v9 =	vsel vm1, $0x3F800000, v3;
	[tilespmem:s0+$0x20] =	vst v6  }
0x10e: {  	vm1 =	vge.f32 v12, v4;
	v6 =	vld [tilespmem:s14+$0x20];
	v11 =	vsel vm0, $0x3F800000, v3;
	[tilespmem:s0+$0xFFFFFFC0] =	vst v9;
	s0 =	smov.u32 s14  }
0x10f: {  	s14 =	sadd.s32 $0x80, s14;
	v9 =	vld [tilespmem:s0+$0xFFFFFFC0];
	v10 =	vsel vm1, $0x3F800000, v3;
	vm0 =	vge.f32 v13, v4;
	[tilespmem:s0+$0x30] =	vst v11  }
0x110: {  	[tilespmem:s0+$0xFFFFFFD0] =	vst v10;
	v10 =	vsel vm0, $0x3F800000, v3;
	vm0 =	vge.f32 v8, v4  }
0x111: {  	[tilespmem:s0+$0xFFFFFFE0] =	vst v10;
	v8 =	vsel vm0, $0x3F800000, v3;
	vm0 =	vge.f32 v7, v4  }
0x112: {  	[tilespmem:s0+$0xFFFFFFF0] =	vst v8;
	v7 =	vsel vm0, $0x3F800000, v3;
	vm0 =	vge.f32 v5, v4  }
0x113: {  	[tilespmem:s0+$0x0] =	vst v7;
	v5 =	vsel vm0, $0x3F800000, v3;
	vm0 =	vge.f32 v6, v4  }
0x114: {  	vm1 =	vge.f32 v9, v4;
	[tilespmem:s0+$0x10] =	vst v5;
	v4 =	vsel vm0, $0x3F800000, v3  }
0x115: {  	v5 =	vsel vm1, $0x3F800000, v3;
	[tilespmem:s0+$0x20] =	vst v4  }
0x116: {  	[tilespmem:s0+$0xFFFFFFC0] =	vst v5  }
0x117: {  	[hbm4b:s6+s12] =	stream.strided.scatter [tilespmem:s2], [sflag:$0x4], $0x8000, s13, s12, $0x38;
	[tilespmem:$0x1C080] =	vst v63  }
0x118: {  	_ =	swait.ge [sflag:s18], $0x8000  }
0x119: {  	[sflag:s18] =	ssyncset.done $0x0  }
0x11a: {  	s31 =	simm.s32 $0x8040;
	[sflag:s18] =	ssyncadd.s32 $0xFFFF8000  }
0x11b: {  	v11 =	vld [tilespmem:s31+$0x30]  }
0x11c: {  	v10 =	vld [tilespmem:s31+$0x20]  }
0x11d: {  	v9 =	vld [tilespmem:s31+$0x10]  }
0x11e: {  	v8 =	vld [tilespmem:s31+$0x0]  }
0x11f: {  	v4 =	vimm.s32 $0x0;
	v5 =	vld [tilespmem:s31+$0xFFFFFFF0]  }
0x120: {  	v12 =	vshll.u32 v4, $0x4;
	v6 =	vld [tilespmem:s31+$0xFFFFFFE0]  }
0x121: {  	v12 =	vor.u32 v0, v12;
	v16 =	vld [tilespmem:s31+$0xFFFFFFC0]  }
0x122: {  	vm0 =	vlt.s32 v12, v2;
	v7 =	vld [tilespmem:s31+$0xFFFFFFD0]  }
0x123: {  	v18 =	vsel vm0, v12, v2  }
0x124: {  	vm0 =	vge.f32 v10, $5.649999980e-01;
	vm1 =	vge.f32 v11, $5.649999980e-01;
	vm2 =	vge.f32 v5, $5.649999980e-01  }
0x125: {  	vm3 =	vge.f32 v8, $5.649999980e-01;
	vm4 =	vge.f32 v9, $5.649999980e-01;
	vm5 =	vge.f32 v6, $5.649999980e-01  }
0x126: {  	vm6 =	vge.f32 v11, $4.900000100e-01;
	vm7 =	vlt.f32 v11, $5.649999980e-01;
	vm8 =	vge.f32 v16, $5.649999980e-01  }
0x127: {  	vm9 =	vge.f32 v7, $5.649999980e-01;
	vm10 =	vge.f32 v8, $4.900000100e-01;
	v12 =	vsel vm0, $0x1, v1  }
0x128: {  	vm0 =	vge.f32 v10, $4.900000100e-01;
	v17 =	vsel vm1, $0x1, v1;
	vm1 =	vge.f32 v9, $4.900000100e-01  }
0x129: {  	v19 =	vsel vm2, $0x1, v1;
	vm2 =	vlt.f32 v9, $5.649999980e-01;
	v20 =	vsel vm3, $0x1, v1  }
0x12a: {  	vm3 =	vlt.f32 v10, $5.649999980e-01;
	v21 =	vsel vm4, $0x1, v1;
	vm4 =	vge.f32 v5, $4.900000100e-01  }
0x12b: {  	v14 =	vsel vm9, $0x1, v1;
	v15 =	vsel vm5, $0x1, v1;
	vm5 =	vlt.f32 v8, $5.649999980e-01  }
0x12c: {  	vm13 =	vmand vm6, vm7;
	vm7 =	vge.f32 v6, $4.900000100e-01;
	v13 =	vsel vm8, $0x1, v1  }
0x12d: {  	vm8 =	vlt.f32 v5, $5.649999980e-01;
	vm9 =	vmand vm1, vm2;
	vm1 =	vge.f32 v16, $4.900000100e-01  }
0x12e: {  	vm12 =	vmand vm0, vm3;
	vm0 =	vlt.f32 v16, $5.649999980e-01;
	vm4 =	vmand vm4, vm8  }
0x12f: {  	vm2 =	vge.f32 v7, $4.900000100e-01;
	vm8 =	vmand vm10, vm5;
	vm3 =	vlt.f32 v7, $5.649999980e-01  }
0x130: {  	v23 =	vadd.s32 v13, v4;
	vm0 =	vmand vm1, vm0;
	vm1 =	vlt.f32 v6, $5.649999980e-01  }
0x131: {  	vm2 =	vmand vm2, vm3;
	v61 =	vadd.s32 v14, v23;
	v22 =	vsel vm0, $0x1, v1  }
0x132: {  	vm3 =	vmand vm7, vm1;
	v13 =	vadd.s32 v22, v4;
	v4 =	vsel vm2, $0x1, v1  }
0x133: {  	v22 =	vadd.s32 v15, v61;
	v14 =	vadd.s32 v4, v13;
	v4 =	vsel vm3, $0x1, v1  }
0x134: {  	v19 =	vadd.s32 v19, v22;
	v15 =	vadd.s32 v4, v14;
	v4 =	vsel vm4, $0x1, v1  }
0x135: {  	v19 =	vadd.s32 v20, v19;
	v62 =	vadd.s32 v4, v15;
	v4 =	vsel vm8, $0x1, v1  }
0x136: {  	v19 =	vadd.s32 v21, v19;
	v20 =	vadd.s32 v4, v62  }
0x137: {  	v4 =	vsel vm9, $0x1, v1;
	v12 =	vadd.s32 v12, v19;
	v19 =	vsel vm13, $0x1, v1  }
0x138: {  	[tilespmem:v18+s17+$0x0] =	vst.idx.msk vm0, v16;
	v16 =	vshll.u32 v62, $0x4;
	v63 =	vadd.s32 v4, v20;
	v4 =	vsel vm12, $0x1, v1  }
0x139: {  	v12 =	vadd.s32 v17, v12;
	v18 =	vshll.u32 v20, $0x4;
	v4 =	vadd.s32 v4, v63  }
0x13a: {  	s24 =	simm.s32 $0x0;
	s25 =	simm.s32 $0x80C0;
	v17 =	vshll.u32 v4, $0x4;
	v4 =	vadd.s32 v19, v4;
	v19 =	vshll.u32 v63, $0x4  }
.LBB2_20:
0x13b: {  	v20 =	vimm.s32 $0x0  }
0x13c: {  	v20 =	vsel vm4, $0xFFFFFFFF, v20  }
0x13d: {  	[tilespmem:$0x1FEA0] =	vst v20;
	v20 =	vimm.s32 $0x0  }
0x13e: {  	v20 =	vsel vm3, $0xFFFFFFFF, v20  }
0x13f: {  	v17 =	vor.u32 v0, v17;
	v16 =	vor.u32 v0, v16;
	[tilespmem:$0x1FEB0] =	vst v20;
	v20 =	vimm.s32 $0x0  }
0x140: {  	vm6 =	vmmov vm8;
	vm5 =	vlt.s32 v16, v2;
	v20 =	vsel vm2, $0xFFFFFFFF, v20  }
0x141: {  	v16 =	vsel vm5, v16, v2;
	vm2 =	vlt.s32 v17, v2;
	[tilespmem:$0x1FED0] =	vst v20;
	v20 =	vld [tilespmem:s25+$0x30]  }
0x142: {  	v25 =	vld [tilespmem:s25+$0xFFFFFFF0];
	v17 =	vsel vm2, v17, v2  }
0x143: {  	v24 =	vld [tilespmem:s25+$0x0]  }
0x144: {  	v23 =	vld [tilespmem:s25+$0x10];
	v18 =	vor.u32 v0, v18  }
0x145: {  	v15 =	vshll.u32 v15, $0x4;
	v26 =	vld [tilespmem:s25+$0xFFFFFFE0];
	v29 =	vimm.s32 $0x0;
	vm0 =	vlt.s32 v18, v2  }
0x146: {  	v57 =	vimm.s32 $0x0;
	v18 =	vsel vm0, v18, v2;
	[tilespmem:v16+s17+$0x0] =	vst.idx.msk vm6, v8;
	vm0 =	vge.f32 v20, $5.649999980e-01  }
0x147: {  	v58 =	vimm.s32 $0x0;
	[tilespmem:v17+s17+$0x0] =	vst.idx.msk vm13, v11;
	v29 =	vsel vm0, $0xFFFFFFFF, v29;
	vm0 =	vge.f32 v25, $5.649999980e-01  }
0x148: {  	v28 =	vld [tilespmem:s25+$0xFFFFFFC0];
	v59 =	vimm.s32 $0x0;
	[tilespmem:$0x1FEC0] =	vst v29;
	v29 =	vsel vm0, $0xFFFFFFFF, v57;
	vm0 =	vge.f32 v24, $5.649999980e-01  }
0x149: {  	v60 =	vimm.s32 $0x0;
	v16 =	vld [tilespmem:$0x1FEA0];
	[tilespmem:$0x1FEE0] =	vst v29;
	v29 =	vsel vm0, $0xFFFFFFFF, v58;
	vm0 =	vge.f32 v23, $5.649999980e-01  }
0x14a: {  	v61 =	vimm.s32 $0x0;
	[tilespmem:$0x1FEF0] =	vst v29;
	v29 =	vsel vm0, $0xFFFFFFFF, v59;
	vm0 =	vge.f32 v26, $5.649999980e-01  }
0x14b: {  	v62 =	vimm.s32 $0x0;
	[tilespmem:$0x1FF00] =	vst v29;
	v29 =	vsel vm0, $0xFFFFFFFF, v60;
	vm0 =	vge.f32 v20, $4.900000100e-01  }
0x14c: {  	v15 =	vor.u32 v0, v15;
	[tilespmem:$0x1FF10] =	vst v29;
	v29 =	vsel vm0, $0xFFFFFFFF, v61;
	vm0 =	vlt.f32 v20, $5.649999980e-01  }
0x14d: {  	v17 =	vimm.s32 $0x0;
	[tilespmem:$0x1FF20] =	vst v29;
	v29 =	vsel vm0, $0xFFFFFFFF, v62;
	vm0 =	vge.f32 v28, $5.649999980e-01  }
0x14e: {  	vm4 =	vlt.s32 v15, v2;
	v17 =	vsel vm0, $0xFFFFFFFF, v17;
	vm0 =	vnez.u8 v16  }
0x14f: {  	v15 =	vsel vm4, v15, v2;
	_ =	sdelay $0x4  }
0x150: {  	[tilespmem:v15+s17+$0x0] =	vst.idx.msk vm0, v5;
	v15 =	vld [tilespmem:$0x1FEB0];
	_ =	sdelay $0x2  }
0x151: {  	v14 =	vshll.u32 v14, $0x4  }
0x152: {  	v14 =	vor.u32 v0, v14  }
0x153: {  	vm3 =	vlt.s32 v14, v2;
	vm0 =	vnez.u8 v15  }
0x154: {  	v14 =	vsel vm3, v14, v2;
	_ =	sdelay $0x3  }
0x155: {  	v22 =	vld [tilespmem:s25+$0x20]  }
0x156: {  	[tilespmem:v14+s17+$0x0] =	vst.idx.msk vm0, v6;
	v14 =	vld [tilespmem:$0x1FEC0];
	_ =	sdelay $0x3  }
0x157: {  	vm14 =	vge.f32 v22, $5.649999980e-01  }
0x158: {  	v16 =	vsel vm14, $0x1, v1;
	vm14 =	vnez.u8 v14;
	v14 =	vld [tilespmem:$0x1FED0];
	_ =	sdelay $0x2  }
0x159: {  	v13 =	vshll.u32 v13, $0x4  }
0x15a: {  	v13 =	vor.u32 v0, v13  }
0x15b: {  	vm8 =	vlt.s32 v13, v2;
	[tilespmem:$0x1FF40] =	vst v17;
	v17 =	vsel vm14, $0x1, v1;
	vm14 =	vnez.u8 v14  }
0x15c: {  	v13 =	vsel vm8, v13, v2;
	_ =	sdelay $0x3  }
0x15d: {  	v27 =	vld [tilespmem:s25+$0xFFFFFFD0]  }
0x15e: {  	[tilespmem:v13+s17+$0x0] =	vst.idx.msk vm14, v7;
	v13 =	vld [tilespmem:$0x1FEE0];
	_ =	sdelay $0x4  }
0x15f: {  	vm14 =	vnez.u8 v13;
	v13 =	vld [tilespmem:$0x1FEF0];
	_ =	sdelay $0x2  }
0x160: {  	v19 =	vor.u32 v0, v19  }
0x161: {  	vm1 =	vlt.s32 v19, v2  }
0x162: {  	v19 =	vsel vm1, v19, v2;
	[tilespmem:v18+s17+$0x0] =	vst.idx.msk vm9, v9;
	v18 =	vsel vm14, $0x1, v1;
	vm14 =	vnez.u8 v13;
	v13 =	vld [tilespmem:$0x1FF00];
	_ =	sdelay $0x4  }
0x163: {  	[tilespmem:v19+s17+$0x0] =	vst.idx.msk vm12, v10;
	v19 =	vsel vm14, $0x1, v1;
	vm14 =	vnez.u8 v13;
	v13 =	vld [tilespmem:$0x1FF10];
	_ =	sdelay $0x3  }
0x164: {  	vm13 =	vge.f32 v27, $5.649999980e-01  }
0x165: {  	v14 =	vsel vm13, $0x1, v1;
	vm13 =	vnez.u8 v13;
	v13 =	vld [tilespmem:$0x1FF20];
	_ =	sdelay $0x3  }
0x166: {  	v21 =	vshll.u32 v4, $0x4;
	[tilespmem:$0x1FF30] =	vst v29  }
0x167: {  	v21 =	vor.u32 v0, v21;
	v15 =	vsel vm13, $0x1, v1;
	vm13 =	vnez.u8 v13;
	v13 =	vld [tilespmem:$0x1FF30]  }
0x168: {  	vm7 =	vlt.s32 v21, v2  }
0x169: {  	v21 =	vsel vm7, v21, v2;
	vm15 =	vge.f32 v22, $4.900000100e-01  }
0x16a: {  	vm11 =	vlt.f32 v23, $5.649999980e-01;
	vm8 =	vge.f32 v24, $4.900000100e-01;
	vm7 =	vlt.f32 v24, $5.649999980e-01  }
0x16b: {  	vm5 =	vlt.f32 v26, $5.649999980e-01;
	vm4 =	vlt.f32 v25, $5.649999980e-01;
	vm1 =	vge.f32 v28, $4.900000100e-01  }
0x16c: {  	vm3 =	vge.f32 v27, $4.900000100e-01;
	v11 =	vmovc v20;
	v20 =	vsel vm14, $0x1, v1;
	vm14 =	vnez.u8 v13;
	v13 =	vld [tilespmem:$0x1FF40]  }
0x16d: {  	vm2 =	vlt.f32 v27, $5.649999980e-01;
	vm8 =	vmand vm8, vm7;
	vm12 =	vge.f32 v23, $4.900000100e-01  }
0x16e: {  	v10 =	vmovc v22;
	vm9 =	vge.f32 v25, $4.900000100e-01;
	vm6 =	vge.f32 v26, $4.900000100e-01;
	vm2 =	vmand vm3, vm2  }
0x16f: {  	vm10 =	vlt.f32 v10, $5.649999980e-01;
	vm11 =	vmand vm12, vm11;
	vm4 =	vmand vm9, vm4  }
0x170: {  	vm3 =	vmand vm6, vm5;
	vm12 =	vmand vm15, vm10;
	vm0 =	vlt.f32 v28, $5.649999980e-01  }
0x171: {  	vm0 =	vmand vm1, vm0;
	vm13 =	vmand vm13, vm14;
	vm14 =	vnez.u8 v13  }
0x172: {  	vm9 =	vmmov vm11;
	v63 =	vsel vm0, $0x1, v1;
	v13 =	vsel vm14, $0x1, v1  }
0x173: {  	v12 =	vadd.s32 v13, v12;
	v13 =	vadd.s32 v63, v4;
	v4 =	vsel vm2, $0x1, v1  }
0x174: {  	v12 =	vadd.s32 v14, v12;
	v14 =	vadd.s32 v4, v13;
	v4 =	vsel vm3, $0x1, v1  }
0x175: {  	s24 =	sadd.s32 $0x8, s24;
	v12 =	vadd.s32 v15, v12;
	v15 =	vadd.s32 v4, v14;
	v4 =	vsel vm4, $0x1, v1  }
0x176: {  	p0 =	slt.u32 s24, $0x7F8;
	v12 =	vadd.s32 v18, v12;
	v18 =	vadd.s32 v4, v15;
	v4 =	vsel vm8, $0x1, v1  }
.Ltmp14:
0x177: {  	v12 =	vadd.s32 v19, v12;
	v19 =	vadd.s32 v4, v18;
	v4 =	vsel vm11, $0x1, v1;
	(pc) =	sbr.rel @p0 .LBB2_20-.Ltmp14, $4  }
0x178: {  	v12 =	vadd.s32 v20, v12;
	v20 =	vadd.s32 v4, v19;
	v4 =	vsel vm12, $0x1, v1  }
0x179: {  	v9 =	vmovc v23;
	v12 =	vadd.s32 v16, v12;
	v4 =	vadd.s32 v4, v20;
	v16 =	vsel vm13, $0x1, v1  }
0x17a: {  	v8 =	vmovc v24;
	v5 =	vmovc v25;
	v12 =	vadd.s32 v17, v12;
	v17 =	vshll.u32 v4, $0x4;
	v4 =	vadd.s32 v16, v4  }
0x17b: {  	s25 =	sadd.s32 $0x80, s25;
	v6 =	vmovc v26;
	[tilespmem:v21+s17+$0x0] =	vst.idx.msk vm0, v28;
	v7 =	vmovc v27;
	v16 =	vshll.u32 v18, $0x4;
	v18 =	vshll.u32 v19, $0x4;
	v19 =	vshll.u32 v20, $0x4  }
0x17c: {  	(xrf0) =	vadd.scan.msk.s32 $0xffff, v12  }
0x17d: {  	(xrf0) =	vadd.scan.msk.s32 $0xffff, v4  }
0x17e: {  	v56 =	vxor.u32 $0x80000000, v4  }
0x17f: {  	(xrf0) =	vmax.scan.msk.u32 $0xffff, v56;
	_ =	sdelay $0x2  }
0x180: {  	v57, _, _ =	vpop (xrf0)  }
0x181: {  	v20, _, _ =	vpop (xrf0);
	(v2sf) =	vpush v57, $0xF  }
0x182: {  	(v2sf) =	vpush v20, $0xF  }
0x183: {  	v58, _, _ =	vpop (xrf0)  }
0x184: {  	(v2sf) =	vpush v58, $0xF;
	_ =	sdelay $0x9  }
0x185: {  	v59 =	vshll.u32 v13, $0x4;
	v60 =	vshll.u32 v14, $0x4;
	v61 =	vor.u32 v0, v17  }
0x186: {  	v15 =	vshll.u32 v15, $0x4;
	v62 =	vor.u32 v0, v19;
	vm0 =	vlt.s32 v61, v2  }
0x187: {  	v18 =	vor.u32 v0, v18;
	vm1 =	vlt.s32 v62, v2;
	v14 =	vsel vm0, v61, v2;
	s25 =	spop (v2sf)  }
0x188: {  	v16 =	vor.u32 v0, v16;
	vm7 =	vlt.s32 v18, v2;
	v17 =	vsel vm1, v62, v2;
	s0 =	spop (v2sf)  }
0x189: {  	v15 =	vor.u32 v0, v15;
	vm10 =	vlt.s32 v16, v2;
	v18 =	vsel vm7, v18, v2;
	p0 =	sgt.s32 s25, $0x2665;
	s1 =	sadd.s32 s25, s0  }
0x18a: {  	v13 =	vor.u32 v0, v60;
	vm11 =	vlt.s32 v15, v2;
	v16 =	vsel vm10, v16, v2;
	s0 =	spop (v2sf);
	p1 =	slt.s32 @!p0 s1, $0x2666  }
0x18b: {  	v12 =	vor.u32 v0, v59;
	vm14 =	vlt.s32 v13, v2;
	v15 =	vsel vm11, v15, v2;
	s26 =	sxor.u32 $0x80000000, s0;
	p0 =	por p0, p1  }
0x18c: {  	vm15 =	vlt.s32 v12, v2;
	v13 =	vsel vm14, v13, v2;
	[tilespmem:v14+s17+$0x0] =	vst.idx.msk vm13, v11;
	p1 =	sgt.s32 @!p0 s26, $0x3FF  }
0x18d: {  	v63 =	vsel vm15, v12, v2;
	[tilespmem:v17+s17+$0x0] =	vst.idx.msk vm12, v10;
	p0 =	por p0, p1  }
.Ltmp15:
0x18e: {  	[tilespmem:v18+s17+$0x0] =	vst.idx.msk vm9, v9;
	(pc) =	sbr.rel @p0 .LBB2_31-.Ltmp15, $4  }
0x18f: {  	[tilespmem:v16+s17+$0x0] =	vst.idx.msk vm8, v8  }
0x190: {  	[tilespmem:v15+s17+$0x0] =	vst.idx.msk vm4, v5  }
0x191: {  	[tilespmem:v13+s17+$0x0] =	vst.idx.msk vm3, v6  }
0x192: {  	[tilespmem:v63+s17+$0x0] =	vst.idx.msk vm2, v7  }
0x193: {  	s1 =	sshra.s32 s26, $0x1F  }
0x194: {  	s1 =	sshrl.u32 s1, $0x1E  }
0x195: {  	s1 =	sadd.s32 s1, s26  }
0x196: {  	s28 =	sand.u32 $0xFFFFFFFC, s1  }
.Ltmp16:
0x197: {  	s1 =	ssub.s32 s26, s28;
	(pc) =	sbr.rel .LBB2_23-.Ltmp16, $4  }
0x198: {  	s0 =	sshll.u32 s0, $0x6;
	s3 =	sshll.u32 s1, $0x6  }
0x199: {  	s24 =	simm.s32 $0x3EFAE148;
	s31 =	simm.s32 $0x3F10A3D7;
	s0 =	ssub.s32 s0, s3  }
0x19a: {  	p0 =	slt.s32 s28, $0x1;
	p1 =	sge.s32 s28, s26;
	s0 =	sshra.s32 s0, $0x2  }
0x19b: {  	s30 =	ssub.s32 $0x0, s1;
	s1 =	simm.s32 $0x15C28F;
	s29 =	sadd.s32 $0x18000, s0  }
.LBB2_27:
0x19c: {  	(xrf0) =	vadd.scan.msk.s32 $0xffff, v6;
	_ =	sdelay $0x5  }
0x19d: {  	v5, _, _ =	vpop (xrf0)  }
0x19e: {  	(v2sf) =	vpush v5, $0xF;
	_ =	sdelay $0xe  }
0x19f: {  	s1 =	spop (v2sf)  }
0x1a0: {  	s1 =	sadd.s32 s25, s1  }
0x1a1: {  	p2 =	sgt.s32 s1, $0x2665  }
0x1a2: {  	s24 =	smov.u32 @p2 s0;
	s0 =	smov.u32 @p2 s31  }
0x1a3: {  	s1 =	ssub.s32 s0, s24  }
0x1a4: {  	p2 =	seq.s32 s1, $0x1  }
.Ltmp17:
0x1a5: {  	_ = 	snop;
	(pc) =	sbr.rel @p2 .LBB2_35-.Ltmp17, $2  }
0x1a6: {  	_ =	sdelay $0x2  }
0x1a7: {  	s31 =	smov.u32 s0  }
.LBB2_23:
0x1a8: {  	s0 =	sshrl.u32 s1, $0x1  }
0x1a9: {  	s0 =	sadd.s32 s24, s0  }
0x1aa: {  	s1 =	sxor.u32 $0x7FFFFFFF, s0  }
.Ltmp18:
0x1ab: {  	p2 =	slt.s32 s0, $0x0;
	s3 =	smov.u32 s0;
	(pc) =	sbr.rel @p0 .LBB2_24-.Ltmp18, $3  }
0x1ac: {  	s3 =	smov.u32 @p2 s1  }
0x1ad: {  	v5 =	vmov s3  }
0x1ae: {  	v5 =	vbroadcast v5, $0x0;
	_ =	sdelay $0x1  }
0x1af: {  	s14 =	simm.s32 $0x18020  }
0x1b0: {  	v7 =	vld [tilespmem:s14+$0xFFFFFFE0];
	_ =	sdelay $0x2  }
0x1b1: {  	v8 =	vld [tilespmem:s14+$0x10]  }
0x1b2: {  	p2 =	sgt.s32 s28, $0x4;
	v9 =	vld [tilespmem:s14+$0xFFFFFFF0]  }
.Ltmp19:
0x1b3: {  	s1 =	simm.s32 $0x0;
	s3 =	simm.s32 $0x2;
	vm4 =	vge.f32 v7, v5;
	v7 =	vld [tilespmem:s14+$0x0];
	(pc) =	sbr.rel @!p2 .LBB2_30-.Ltmp19, $4  }
0x1b4: {  	v6 =	vimm.s32 $0x0;
	s4 =	simm.s32 $0x3;
	s15 =	simm.s32 $0x1;
	v10 =	vmov s1;
	v11 =	vmov s3  }
0x1b5: {  	v12 =	vmov s4;
	v63 =	vmov s15;
	vm2 =	vlt.s32 v10, v4  }
0x1b6: {  	vm0 =	vlt.s32 v12, v4;
	vm3 =	vlt.s32 v63, v4;
	vm1 =	vlt.s32 v11, v4  }
0x1b7: {  	s1 =	simm.s32 $0x4;
	vm5 =	vge.f32 v9, v5;
	s14 =	simm.s32 $0x18060;
	vm4 =	vmand vm2, vm4;
	vm2 =	vge.f32 v8, v5  }
.LBB2_29:
0x1b8: {  	v8 =	vld [tilespmem:s14+$0x10];
	v9 =	vsel vm4, $0x1, v1;
	vm3 =	vmand vm3, vm5;
	vm4 =	vge.f32 v7, v5;
	s3 =	smov.u32 s1  }
0x1b9: {  	s1 =	sadd.s32 $0x4, s1;
	v10 =	vld [tilespmem:s14+$0xFFFFFFE0];
	v6 =	vadd.s32 v9, v6;
	v7 =	vsel vm3, $0x1, v1;
	vm1 =	vmand vm1, vm4  }
0x1ba: {  	vm0 =	vmand vm0, vm2;
	p2 =	slt.s32 s1, s28;
	v9 =	vld [tilespmem:s14+$0xFFFFFFF0];
	v6 =	vadd.s32 v7, v6;
	v11 =	vsel vm1, $0x1, v1  }
.Ltmp20:
0x1bb: {  	v12 =	vmov s3;
	s4 =	sadd.s32 $0x2, s3;
	s15 =	sadd.s32 $0x3, s3;
	v7 =	vld [tilespmem:s14+$0x0];
	v6 =	vadd.s32 v11, v6;
	v11 =	vsel vm0, $0x1, v1;
	(pc) =	sbr.rel @p2 .LBB2_29-.Ltmp20, $4  }
0x1bc: {  	s3 =	sadd.s32 $0x1, s3;
	v13 =	vmov s4;
	v14 =	vmov s15;
	v6 =	vadd.s32 v11, v6  }
0x1bd: {  	vm2 =	vlt.s32 v12, v4;
	vm0 =	vlt.s32 v14, v4;
	v11 =	vmov s3  }
0x1be: {  	vm1 =	vlt.s32 v13, v4;
	vm3 =	vlt.s32 v11, v4;
	vm4 =	vge.f32 v10, v5  }
0x1bf: {  	s14 =	sadd.s32 $0x40, s14;
	vm4 =	vmand vm2, vm4;
	vm5 =	vge.f32 v9, v5;
	vm2 =	vge.f32 v8, v5  }
.LBB2_30:
.Ltmp21:
0x1c0: {  	v8 =	vsel vm4, $0x1, v1;
	vm3 =	vmand vm3, vm5;
	vm15 =	vge.f32 v7, v5;
	(pc) =	sbr.rel .LBB2_25-.Ltmp21, $4  }
0x1c1: {  	v6 =	vadd.s32 v8, v6;
	v7 =	vsel vm3, $0x1, v1;
	vm1 =	vmand vm1, vm15  }
0x1c2: {  	vm0 =	vmand vm0, vm2;
	v6 =	vadd.s32 v7, v6;
	v7 =	vsel vm1, $0x1, v1  }
0x1c3: {  	v6 =	vadd.s32 v7, v6;
	v7 =	vsel vm0, $0x1, v1  }
0x1c4: {  	v6 =	vadd.s32 v7, v6  }
.LBB2_24:
0x1c5: {  	v6 =	vimm.s32 $0x0  }
.LBB2_25:
.Ltmp22:
0x1c6: {  	(pc) =	sbr.rel @p1 .LBB2_27-.Ltmp22, $2  }
0x1c7: {  	_ =	sdelay $0x2  }
0x1c8: {  	s1 =	smov.u32 s29;
	s14 =	smov.u32 s30  }
.LBB2_26:
0x1c9: {  	v7 =	vld [tilespmem:s1+$0x0];
	_ =	sdelay $0x1  }
0x1ca: {  	s3 =	sadd.s32 s14, s26;
	s14 =	sadd.s32 $0x1, s14  }
0x1cb: {  	p2 =	seq.s32 s14, $0x0  }
.Ltmp23:
0x1cc: {  	v8 =	vmov s3;
	(pc) =	sbr.rel @!p2 .LBB2_26-.Ltmp23, $4  }
0x1cd: {  	vm0 =	vlt.s32 v8, v4;
	vm1 =	vge.f32 v7, v5  }
0x1ce: {  	vm0 =	vmand vm0, vm1  }
0x1cf: {  	v7 =	vsel vm0, $0x1, v1  }
0x1d0: {  	s1 =	sadd.s32 $0x10, s1;
	v6 =	vadd.s32 v7, v6  }
.Ltmp24:
0x1d1: {  	_ = 	snop;
	(pc) =	sbr.rel .LBB2_27-.Ltmp24, $1  }
0x1d2: {  	_ =	sdelay $0x3  }
.LBB2_31:
0x1d3: {  	p0 =	slt.s32 s1, $0x2666;
	s24 =	simm.s32 $0x80000000;
	s25 =	simm.s32 $0x3EFAE148  }
0x1d4: {  	s1 =	simm.s32 $0xBEFAE148;
	s24 =	simm.s32 @!p0 $0x3F10A3D7  }
0x1d5: {  	s25 =	simm.s32 @!p0 $0x7FFFFFFF;
	s1 =	simm.s32 @!p0 $0x40EF5C28  }
.LBB2_32:
0x1d6: {  	s0 =	sshrl.u32 s1, $0x1  }
0x1d7: {  	s3 =	simm.s32 $0x0;
	s0 =	sadd.s32 s24, s0  }
0x1d8: {  	v5 =	vld [tilespmem:s3+$0x8000];
	s1 =	sxor.u32 $0x7FFFFFFF, s0;
	p0 =	slt.s32 s0, $0x0;
	s4 =	smov.u32 s0  }
0x1d9: {  	v7 =	vld [tilespmem:s3+$0x8010];
	s4 =	smov.u32 @p0 s1  }
0x1da: {  	v9 =	vld [tilespmem:s3+$0x8020];
	v4 =	vmov s4  }
0x1db: {  	v8 =	vld [tilespmem:s3+$0x8030];
	v4 =	vbroadcast v4, $0x0  }
0x1dc: {  	v6 =	vld [tilespmem:s3+$0x8040]  }
0x1dd: {  	vm0 =	vge.f32 v5, v4;
	v5 =	vld [tilespmem:s3+$0x8050]  }
0x1de: {  	v10 =	vimm.s32 $0x0;
	v11 =	vsel vm0, $0x1, v1;
	vm0 =	vge.f32 v7, v4;
	v7 =	vld [tilespmem:s3+$0x8060]  }
0x1df: {  	s26 =	simm.s32 $0x80;
	s1 =	simm.s32 $0x400;
	v10 =	vadd.s32 v11, v10;
	v11 =	vsel vm0, $0x1, v1;
	vm0 =	vge.f32 v9, v4;
	v9 =	vld [tilespmem:s3+$0x8070]  }
.LBB2_33:
0x1e0: {  	p0 =	sne.s32 s1, $0x1FE00;
	v12 =	vld [tilespmem:s26+$0x8000];
	v10 =	vadd.s32 v11, v10;
	v11 =	vsel vm0, $0x1, v1;
	vm0 =	vge.f32 v8, v4  }
0x1e1: {  	v13 =	vld [tilespmem:s26+$0x8010];
	v8 =	vadd.s32 v11, v10;
	v10 =	vsel vm0, $0x1, v1;
	vm0 =	vge.f32 v6, v4  }
0x1e2: {  	v14 =	vld [tilespmem:s26+$0x8020];
	v6 =	vadd.s32 v10, v8;
	v10 =	vsel vm0, $0x1, v1;
	vm0 =	vge.f32 v5, v4  }
.Ltmp25:
0x1e3: {  	v8 =	vld [tilespmem:s26+$0x8030];
	v5 =	vadd.s32 v10, v6;
	v10 =	vsel vm0, $0x1, v1;
	vm0 =	vge.f32 v7, v4;
	(pc) =	sbr.rel @p0 .LBB2_33-.Ltmp25, $4  }
0x1e4: {  	v6 =	vld [tilespmem:s26+$0x8040];
	v7 =	vadd.s32 v10, v5;
	v10 =	vsel vm0, $0x1, v1;
	vm0 =	vge.f32 v9, v4  }
0x1e5: {  	vm1 =	vge.f32 v12, v4;
	v5 =	vld [tilespmem:s26+$0x8050];
	v9 =	vadd.s32 v10, v7;
	v10 =	vsel vm0, $0x1, v1  }
0x1e6: {  	v11 =	vsel vm1, $0x1, v1;
	vm0 =	vge.f32 v13, v4;
	v7 =	vld [tilespmem:s26+$0x8060];
	v9 =	vadd.s32 v10, v9  }
0x1e7: {  	v10 =	vadd.s32 v11, v9;
	v11 =	vsel vm0, $0x1, v1;
	vm0 =	vge.f32 v14, v4;
	v9 =	vld [tilespmem:s26+$0x8070];
	s26 =	sshra.s32 s1, $0x2;
	s1 =	sadd.s32 $0x200, s1  }
0x1e8: {  	v12 =	vld [tilespmem:s26+$0x8000];
	v10 =	vadd.s32 v11, v10;
	v47 =	vsel vm0, $0x1, v1;
	vm4 =	vge.f32 v8, v4  }
0x1e9: {  	v48 =	vld [tilespmem:s26+$0x8010];
	v10 =	vadd.s32 v47, v10;
	v49 =	vsel vm4, $0x1, v1;
	vm5 =	vge.f32 v6, v4  }
0x1ea: {  	v50 =	vld [tilespmem:s26+$0x8020];
	v10 =	vadd.s32 v49, v10;
	v51 =	vsel vm5, $0x1, v1;
	vm6 =	vge.f32 v5, v4  }
0x1eb: {  	v5 =	vld [tilespmem:s26+$0x8030];
	v10 =	vadd.s32 v51, v10;
	v52 =	vsel vm6, $0x1, v1;
	vm7 =	vge.f32 v7, v4  }
0x1ec: {  	v53 =	vld [tilespmem:s26+$0x8040];
	v10 =	vadd.s32 v52, v10;
	v54 =	vsel vm7, $0x1, v1;
	vm8 =	vge.f32 v9, v4  }
0x1ed: {  	v55 =	vld [tilespmem:s26+$0x8050];
	vm1 =	vge.f32 v12, v4;
	v10 =	vadd.s32 v54, v10;
	v56 =	vsel vm8, $0x1, v1  }
0x1ee: {  	v57 =	vld [tilespmem:s26+$0x8060];
	vm9 =	vge.f32 v48, v4;
	v12 =	vsel vm1, $0x1, v1;
	v10 =	vadd.s32 v56, v10  }
0x1ef: {  	v59 =	vld [tilespmem:s26+$0x8070];
	vm10 =	vge.f32 v50, v4;
	v58 =	vsel vm9, $0x1, v1;
	v10 =	vadd.s32 v12, v10  }
0x1f0: {  	v60 =	vsel vm10, $0x1, v1;
	vm11 =	vge.f32 v5, v4;
	v10 =	vadd.s32 v58, v10  }
0x1f1: {  	vm12 =	vge.f32 v53, v4;
	v61 =	vsel vm11, $0x1, v1;
	v5 =	vadd.s32 v60, v10  }
0x1f2: {  	vm13 =	vge.f32 v55, v4;
	v7 =	vsel vm12, $0x1, v1;
	v5 =	vadd.s32 v61, v5  }
0x1f3: {  	vm14 =	vge.f32 v57, v4;
	v62 =	vsel vm13, $0x1, v1;
	v5 =	vadd.s32 v7, v5  }
0x1f4: {  	vm15 =	vge.f32 v59, v4;
	v63 =	vsel vm14, $0x1, v1;
	v5 =	vadd.s32 v62, v5  }
0x1f5: {  	v4 =	vadd.s32 v63, v5;
	v5 =	vsel vm15, $0x1, v1  }
0x1f6: {  	v4 =	vadd.s32 v5, v4  }
0x1f7: {  	(xrf0) =	vadd.scan.msk.s32 $0xffff, v4;
	_ =	sdelay $0x5  }
0x1f8: {  	v4, _, _ =	vpop (xrf0)  }
0x1f9: {  	(v2sf) =	vpush v4, $0xF;
	_ =	sdelay $0xe  }
0x1fa: {  	s1 =	spop (v2sf)  }
0x1fb: {  	p0 =	sgt.s32 s1, $0x2665  }
0x1fc: {  	s24 =	smov.u32 @p0 s0;
	s0 =	smov.u32 @p0 s25  }
0x1fd: {  	s1 =	ssub.s32 s0, s24  }
0x1fe: {  	p0 =	sne.s32 s1, $0x1  }
.Ltmp26:
0x1ff: {  	_ = 	snop;
	(pc) =	sbr.rel @p0 .LBB2_32-.Ltmp26, $2  }
0x200: {  	_ =	sdelay $0x2  }
0x201: {  	s25 =	smov.u32 s0  }
.LBB2_35:
0x202: {  	s0 =	simm.s32 $0x8040  }
0x203: {  	s1 =	sxor.u32 $0x7FFFFFFF, s24;
	p0 =	slt.s32 s24, $0x0;
	v6 =	vld [tilespmem:s0+$0x30]  }
0x204: {  	s24 =	smov.u32 @p0 s1;
	v9 =	vld [tilespmem:s0+$0xFFFFFFD0]  }
0x205: {  	v11 =	vld [tilespmem:s0+$0xFFFFFFE0];
	v4 =	vmov s24  }
0x206: {  	v8 =	vld [tilespmem:s0+$0xFFFFFFF0];
	v4 =	vbroadcast v4, $0x0  }
0x207: {  	v7 =	vld [tilespmem:s0+$0x0]  }
0x208: {  	v5 =	vld [tilespmem:s0+$0x10];
	vm0 =	vge.f32 v6, v4  }
0x209: {  	vm1 =	vge.f32 v9, v4;
	v6 =	vld [tilespmem:s0+$0x20];
	v12 =	vsel vm0, $0x3F800000, v3  }
0x20a: {  	s14 =	simm.s32 $0x80C0;
	s1 =	simm.s32 $0x0;
	v9 =	vld [tilespmem:s0+$0xFFFFFFC0];
	v10 =	vsel vm1, $0x3F800000, v3;
	vm0 =	vge.f32 v11, v4;
	[tilespmem:s0+$0x30] =	vst v12  }
.LBB2_36:
0x20b: {  	v11 =	vld [tilespmem:s14+$0x30];
	s1 =	sadd.s32 $0x8, s1;
	[tilespmem:s0+$0xFFFFFFD0] =	vst v10;
	v10 =	vsel vm0, $0x3F800000, v3;
	vm0 =	vge.f32 v8, v4  }
0x20c: {  	v12 =	vld [tilespmem:s14+$0xFFFFFFD0];
	p0 =	slt.u32 s1, $0x7F8;
	[tilespmem:s0+$0xFFFFFFE0] =	vst v10;
	v8 =	vsel vm0, $0x3F800000, v3;
	vm0 =	vge.f32 v7, v4  }
0x20d: {  	v13 =	vld [tilespmem:s14+$0xFFFFFFE0];
	[tilespmem:s0+$0xFFFFFFF0] =	vst v8;
	v7 =	vsel vm0, $0x3F800000, v3;
	vm0 =	vge.f32 v5, v4  }
.Ltmp27:
0x20e: {  	v8 =	vld [tilespmem:s14+$0xFFFFFFF0];
	[tilespmem:s0+$0x0] =	vst v7;
	v5 =	vsel vm0, $0x3F800000, v3;
	vm0 =	vge.f32 v6, v4;
	(pc) =	sbr.rel @p0 .LBB2_36-.Ltmp27, $4  }
0x20f: {  	v7 =	vld [tilespmem:s14+$0x0];
	vm1 =	vge.f32 v9, v4;
	[tilespmem:s0+$0x10] =	vst v5;
	v6 =	vsel vm0, $0x3F800000, v3  }
0x210: {  	v5 =	vld [tilespmem:s14+$0x10];
	vm0 =	vge.f32 v11, v4;
	v9 =	vsel vm1, $0x3F800000, v3;
	[tilespmem:s0+$0x20] =	vst v6  }
0x211: {  	vm1 =	vge.f32 v12, v4;
	v6 =	vld [tilespmem:s14+$0x20];
	v11 =	vsel vm0, $0x3F800000, v3;
	[tilespmem:s0+$0xFFFFFFC0] =	vst v9;
	s0 =	smov.u32 s14  }
0x212: {  	s14 =	sadd.s32 $0x80, s14;
	v9 =	vld [tilespmem:s0+$0xFFFFFFC0];
	v10 =	vsel vm1, $0x3F800000, v3;
	vm0 =	vge.f32 v13, v4;
	[tilespmem:s0+$0x30] =	vst v11  }
0x213: {  	[tilespmem:s0+$0xFFFFFFD0] =	vst v10;
	v10 =	vsel vm0, $0x3F800000, v3;
	vm0 =	vge.f32 v8, v4  }
0x214: {  	[tilespmem:s0+$0xFFFFFFE0] =	vst v10;
	v8 =	vsel vm0, $0x3F800000, v3;
	vm0 =	vge.f32 v7, v4  }
0x215: {  	[tilespmem:s0+$0xFFFFFFF0] =	vst v8;
	v7 =	vsel vm0, $0x3F800000, v3;
	vm0 =	vge.f32 v5, v4  }
0x216: {  	[tilespmem:s0+$0x0] =	vst v7;
	v5 =	vsel vm0, $0x3F800000, v3;
	vm0 =	vge.f32 v6, v4  }
0x217: {  	vm1 =	vge.f32 v9, v4;
	[tilespmem:s0+$0x10] =	vst v5;
	v4 =	vsel vm0, $0x3F800000, v3  }
0x218: {  	v5 =	vsel vm1, $0x3F800000, v3;
	[tilespmem:s0+$0x20] =	vst v4  }
0x219: {  	[tilespmem:s0+$0xFFFFFFC0] =	vst v5  }
0x21a: {  	_ =	swait.ge [sflag:s19], $0x8000  }
0x21b: {  	[sflag:s19] =	ssyncset.done $0x0  }
0x21c: {  	[sflag:s19] =	ssyncadd.s32 $0xFFFF8000  }
0x21d: {  	[tilespmem:s2], [sflag:$0x1] =	stream.strided.gather [hbm4b:s7+s12], $0x8000, s13, s12, $0x38;
	[tilespmem:$0x1C080] =	vst v63  }
0x21e: {  	s30 =	simm.s32 $0x8000  }
0x21f: {  	[hbm4b:s8+s12] =	stream.strided.scatter [tilespmem:s30], [sflag:$0x5], $0x8000, s13, s12, $0x38;
	[tilespmem:$0x1C080] =	vst v63  }
0x220: {  	_ =	swait.ge [sflag:s20], $0x8000  }
0x221: {  	[sflag:s20] =	ssyncset.done $0x0  }
0x222: {  	s31 =	simm.s32 $0x10040;
	[sflag:s20] =	ssyncadd.s32 $0xFFFF8000  }
0x223: {  	v11 =	vld [tilespmem:s31+$0x30]  }
0x224: {  	v10 =	vld [tilespmem:s31+$0x20]  }
0x225: {  	v9 =	vld [tilespmem:s31+$0x10]  }
0x226: {  	v8 =	vld [tilespmem:s31+$0x0]  }
0x227: {  	v4 =	vimm.s32 $0x0;
	v5 =	vld [tilespmem:s31+$0xFFFFFFF0]  }
0x228: {  	v12 =	vshll.u32 v4, $0x4;
	v6 =	vld [tilespmem:s31+$0xFFFFFFE0]  }
0x229: {  	v12 =	vor.u32 v0, v12;
	v16 =	vld [tilespmem:s31+$0xFFFFFFC0]  }
0x22a: {  	vm0 =	vlt.s32 v12, v2;
	v7 =	vld [tilespmem:s31+$0xFFFFFFD0]  }
0x22b: {  	v18 =	vsel vm0, v12, v2  }
0x22c: {  	vm0 =	vge.f32 v10, $5.649999980e-01;
	vm1 =	vge.f32 v11, $5.649999980e-01;
	vm2 =	vge.f32 v5, $5.649999980e-01  }
0x22d: {  	vm3 =	vge.f32 v8, $5.649999980e-01;
	vm4 =	vge.f32 v9, $5.649999980e-01;
	vm5 =	vge.f32 v6, $5.649999980e-01  }
0x22e: {  	vm6 =	vge.f32 v11, $4.900000100e-01;
	vm7 =	vlt.f32 v11, $5.649999980e-01;
	vm8 =	vge.f32 v16, $5.649999980e-01  }
0x22f: {  	vm9 =	vge.f32 v7, $5.649999980e-01;
	vm10 =	vge.f32 v8, $4.900000100e-01;
	v12 =	vsel vm0, $0x1, v1  }
0x230: {  	vm0 =	vge.f32 v10, $4.900000100e-01;
	v17 =	vsel vm1, $0x1, v1;
	vm1 =	vge.f32 v9, $4.900000100e-01  }
0x231: {  	v19 =	vsel vm2, $0x1, v1;
	vm2 =	vlt.f32 v9, $5.649999980e-01;
	v20 =	vsel vm3, $0x1, v1  }
0x232: {  	vm3 =	vlt.f32 v10, $5.649999980e-01;
	v21 =	vsel vm4, $0x1, v1;
	vm4 =	vge.f32 v5, $4.900000100e-01  }
0x233: {  	v14 =	vsel vm9, $0x1, v1;
	v15 =	vsel vm5, $0x1, v1;
	vm5 =	vlt.f32 v8, $5.649999980e-01  }
0x234: {  	vm13 =	vmand vm6, vm7;
	vm7 =	vge.f32 v6, $4.900000100e-01;
	v13 =	vsel vm8, $0x1, v1  }
0x235: {  	vm8 =	vlt.f32 v5, $5.649999980e-01;
	vm9 =	vmand vm1, vm2;
	vm1 =	vge.f32 v16, $4.900000100e-01  }
0x236: {  	vm12 =	vmand vm0, vm3;
	vm0 =	vlt.f32 v16, $5.649999980e-01;
	vm4 =	vmand vm4, vm8  }
0x237: {  	vm2 =	vge.f32 v7, $4.900000100e-01;
	vm8 =	vmand vm10, vm5;
	vm3 =	vlt.f32 v7, $5.649999980e-01  }
0x238: {  	v23 =	vadd.s32 v13, v4;
	vm0 =	vmand vm1, vm0;
	vm1 =	vlt.f32 v6, $5.649999980e-01  }
0x239: {  	vm2 =	vmand vm2, vm3;
	v61 =	vadd.s32 v14, v23;
	v22 =	vsel vm0, $0x1, v1  }
0x23a: {  	vm3 =	vmand vm7, vm1;
	v13 =	vadd.s32 v22, v4;
	v4 =	vsel vm2, $0x1, v1  }
0x23b: {  	v22 =	vadd.s32 v15, v61;
	v14 =	vadd.s32 v4, v13;
	v4 =	vsel vm3, $0x1, v1  }
0x23c: {  	v19 =	vadd.s32 v19, v22;
	v15 =	vadd.s32 v4, v14;
	v4 =	vsel vm4, $0x1, v1  }
0x23d: {  	v19 =	vadd.s32 v20, v19;
	v62 =	vadd.s32 v4, v15;
	v4 =	vsel vm8, $0x1, v1  }
0x23e: {  	v19 =	vadd.s32 v21, v19;
	v20 =	vadd.s32 v4, v62  }
0x23f: {  	v4 =	vsel vm9, $0x1, v1;
	v12 =	vadd.s32 v12, v19;
	v19 =	vsel vm13, $0x1, v1  }
0x240: {  	[tilespmem:v18+s17+$0x0] =	vst.idx.msk vm0, v16;
	v16 =	vshll.u32 v62, $0x4;
	v63 =	vadd.s32 v4, v20;
	v4 =	vsel vm12, $0x1, v1  }
0x241: {  	v12 =	vadd.s32 v17, v12;
	v18 =	vshll.u32 v20, $0x4;
	v4 =	vadd.s32 v4, v63  }
0x242: {  	s24 =	simm.s32 $0x0;
	s25 =	simm.s32 $0x100C0;
	v17 =	vshll.u32 v4, $0x4;
	v4 =	vadd.s32 v19, v4;
	v19 =	vshll.u32 v63, $0x4  }
.LBB2_38:
0x243: {  	v20 =	vimm.s32 $0x0  }
0x244: {  	v20 =	vsel vm4, $0xFFFFFFFF, v20  }
0x245: {  	[tilespmem:$0x1FDF0] =	vst v20;
	v20 =	vimm.s32 $0x0  }
0x246: {  	v20 =	vsel vm3, $0xFFFFFFFF, v20  }
0x247: {  	v17 =	vor.u32 v0, v17;
	v16 =	vor.u32 v0, v16;
	[tilespmem:$0x1FE00] =	vst v20;
	v20 =	vimm.s32 $0x0  }
0x248: {  	vm6 =	vmmov vm8;
	vm5 =	vlt.s32 v16, v2;
	v20 =	vsel vm2, $0xFFFFFFFF, v20  }
0x249: {  	v16 =	vsel vm5, v16, v2;
	vm2 =	vlt.s32 v17, v2;
	[tilespmem:$0x1FE20] =	vst v20;
	v20 =	vld [tilespmem:s25+$0x30]  }
0x24a: {  	v25 =	vld [tilespmem:s25+$0xFFFFFFF0];
	v17 =	vsel vm2, v17, v2  }
0x24b: {  	v24 =	vld [tilespmem:s25+$0x0]  }
0x24c: {  	v23 =	vld [tilespmem:s25+$0x10];
	v18 =	vor.u32 v0, v18  }
0x24d: {  	v15 =	vshll.u32 v15, $0x4;
	v26 =	vld [tilespmem:s25+$0xFFFFFFE0];
	v29 =	vimm.s32 $0x0;
	vm0 =	vlt.s32 v18, v2  }
0x24e: {  	v57 =	vimm.s32 $0x0;
	v18 =	vsel vm0, v18, v2;
	[tilespmem:v16+s17+$0x0] =	vst.idx.msk vm6, v8;
	vm0 =	vge.f32 v20, $5.649999980e-01  }
0x24f: {  	v58 =	vimm.s32 $0x0;
	[tilespmem:v17+s17+$0x0] =	vst.idx.msk vm13, v11;
	v29 =	vsel vm0, $0xFFFFFFFF, v29;
	vm0 =	vge.f32 v25, $5.649999980e-01  }
0x250: {  	v28 =	vld [tilespmem:s25+$0xFFFFFFC0];
	v59 =	vimm.s32 $0x0;
	[tilespmem:$0x1FE10] =	vst v29;
	v29 =	vsel vm0, $0xFFFFFFFF, v57;
	vm0 =	vge.f32 v24, $5.649999980e-01  }
0x251: {  	v60 =	vimm.s32 $0x0;
	v16 =	vld [tilespmem:$0x1FDF0];
	[tilespmem:$0x1FE30] =	vst v29;
	v29 =	vsel vm0, $0xFFFFFFFF, v58;
	vm0 =	vge.f32 v23, $5.649999980e-01  }
0x252: {  	v61 =	vimm.s32 $0x0;
	[tilespmem:$0x1FE40] =	vst v29;
	v29 =	vsel vm0, $0xFFFFFFFF, v59;
	vm0 =	vge.f32 v26, $5.649999980e-01  }
0x253: {  	v62 =	vimm.s32 $0x0;
	[tilespmem:$0x1FE50] =	vst v29;
	v29 =	vsel vm0, $0xFFFFFFFF, v60;
	vm0 =	vge.f32 v20, $4.900000100e-01  }
0x254: {  	v15 =	vor.u32 v0, v15;
	[tilespmem:$0x1FE60] =	vst v29;
	v29 =	vsel vm0, $0xFFFFFFFF, v61;
	vm0 =	vlt.f32 v20, $5.649999980e-01  }
0x255: {  	v17 =	vimm.s32 $0x0;
	[tilespmem:$0x1FE70] =	vst v29;
	v29 =	vsel vm0, $0xFFFFFFFF, v62;
	vm0 =	vge.f32 v28, $5.649999980e-01  }
0x256: {  	vm4 =	vlt.s32 v15, v2;
	v17 =	vsel vm0, $0xFFFFFFFF, v17;
	vm0 =	vnez.u8 v16  }
0x257: {  	v15 =	vsel vm4, v15, v2;
	_ =	sdelay $0x4  }
0x258: {  	[tilespmem:v15+s17+$0x0] =	vst.idx.msk vm0, v5;
	v15 =	vld [tilespmem:$0x1FE00];
	_ =	sdelay $0x2  }
0x259: {  	v14 =	vshll.u32 v14, $0x4  }
0x25a: {  	v14 =	vor.u32 v0, v14  }
0x25b: {  	vm3 =	vlt.s32 v14, v2;
	vm0 =	vnez.u8 v15  }
0x25c: {  	v14 =	vsel vm3, v14, v2;
	_ =	sdelay $0x3  }
0x25d: {  	v22 =	vld [tilespmem:s25+$0x20]  }
0x25e: {  	[tilespmem:v14+s17+$0x0] =	vst.idx.msk vm0, v6;
	v14 =	vld [tilespmem:$0x1FE10];
	_ =	sdelay $0x3  }
0x25f: {  	vm14 =	vge.f32 v22, $5.649999980e-01  }
0x260: {  	v16 =	vsel vm14, $0x1, v1;
	vm14 =	vnez.u8 v14;
	v14 =	vld [tilespmem:$0x1FE20];
	_ =	sdelay $0x2  }
0x261: {  	v13 =	vshll.u32 v13, $0x4  }
0x262: {  	v13 =	vor.u32 v0, v13  }
0x263: {  	vm8 =	vlt.s32 v13, v2;
	[tilespmem:$0x1FE90] =	vst v17;
	v17 =	vsel vm14, $0x1, v1;
	vm14 =	vnez.u8 v14  }
0x264: {  	v13 =	vsel vm8, v13, v2;
	_ =	sdelay $0x3  }
0x265: {  	v27 =	vld [tilespmem:s25+$0xFFFFFFD0]  }
0x266: {  	[tilespmem:v13+s17+$0x0] =	vst.idx.msk vm14, v7;
	v13 =	vld [tilespmem:$0x1FE30];
	_ =	sdelay $0x4  }
0x267: {  	vm14 =	vnez.u8 v13;
	v13 =	vld [tilespmem:$0x1FE40];
	_ =	sdelay $0x2  }
0x268: {  	v19 =	vor.u32 v0, v19  }
0x269: {  	vm1 =	vlt.s32 v19, v2  }
0x26a: {  	v19 =	vsel vm1, v19, v2;
	[tilespmem:v18+s17+$0x0] =	vst.idx.msk vm9, v9;
	v18 =	vsel vm14, $0x1, v1;
	vm14 =	vnez.u8 v13;
	v13 =	vld [tilespmem:$0x1FE50];
	_ =	sdelay $0x4  }
0x26b: {  	[tilespmem:v19+s17+$0x0] =	vst.idx.msk vm12, v10;
	v19 =	vsel vm14, $0x1, v1;
	vm14 =	vnez.u8 v13;
	v13 =	vld [tilespmem:$0x1FE60];
	_ =	sdelay $0x3  }
0x26c: {  	vm13 =	vge.f32 v27, $5.649999980e-01  }
0x26d: {  	v14 =	vsel vm13, $0x1, v1;
	vm13 =	vnez.u8 v13;
	v13 =	vld [tilespmem:$0x1FE70];
	_ =	sdelay $0x3  }
0x26e: {  	v21 =	vshll.u32 v4, $0x4;
	[tilespmem:$0x1FE80] =	vst v29  }
0x26f: {  	v21 =	vor.u32 v0, v21;
	v15 =	vsel vm13, $0x1, v1;
	vm13 =	vnez.u8 v13;
	v13 =	vld [tilespmem:$0x1FE80]  }
0x270: {  	vm7 =	vlt.s32 v21, v2  }
0x271: {  	v21 =	vsel vm7, v21, v2;
	vm15 =	vge.f32 v22, $4.900000100e-01  }
0x272: {  	vm11 =	vlt.f32 v23, $5.649999980e-01;
	vm8 =	vge.f32 v24, $4.900000100e-01;
	vm7 =	vlt.f32 v24, $5.649999980e-01  }
0x273: {  	vm5 =	vlt.f32 v26, $5.649999980e-01;
	vm4 =	vlt.f32 v25, $5.649999980e-01;
	vm1 =	vge.f32 v28, $4.900000100e-01  }
0x274: {  	vm3 =	vge.f32 v27, $4.900000100e-01;
	v11 =	vmovc v20;
	v20 =	vsel vm14, $0x1, v1;
	vm14 =	vnez.u8 v13;
	v13 =	vld [tilespmem:$0x1FE90]  }
0x275: {  	vm2 =	vlt.f32 v27, $5.649999980e-01;
	vm8 =	vmand vm8, vm7;
	vm12 =	vge.f32 v23, $4.900000100e-01  }
0x276: {  	v10 =	vmovc v22;
	vm9 =	vge.f32 v25, $4.900000100e-01;
	vm6 =	vge.f32 v26, $4.900000100e-01;
	vm2 =	vmand vm3, vm2  }
0x277: {  	vm10 =	vlt.f32 v10, $5.649999980e-01;
	vm11 =	vmand vm12, vm11;
	vm4 =	vmand vm9, vm4  }
0x278: {  	vm3 =	vmand vm6, vm5;
	vm12 =	vmand vm15, vm10;
	vm0 =	vlt.f32 v28, $5.649999980e-01  }
0x279: {  	vm0 =	vmand vm1, vm0;
	vm13 =	vmand vm13, vm14;
	vm14 =	vnez.u8 v13  }
0x27a: {  	vm9 =	vmmov vm11;
	v63 =	vsel vm0, $0x1, v1;
	v13 =	vsel vm14, $0x1, v1  }
0x27b: {  	v12 =	vadd.s32 v13, v12;
	v13 =	vadd.s32 v63, v4;
	v4 =	vsel vm2, $0x1, v1  }
0x27c: {  	v12 =	vadd.s32 v14, v12;
	v14 =	vadd.s32 v4, v13;
	v4 =	vsel vm3, $0x1, v1  }
0x27d: {  	s24 =	sadd.s32 $0x8, s24;
	v12 =	vadd.s32 v15, v12;
	v15 =	vadd.s32 v4, v14;
	v4 =	vsel vm4, $0x1, v1  }
0x27e: {  	p0 =	slt.u32 s24, $0x7F8;
	v12 =	vadd.s32 v18, v12;
	v18 =	vadd.s32 v4, v15;
	v4 =	vsel vm8, $0x1, v1  }
.Ltmp28:
0x27f: {  	v12 =	vadd.s32 v19, v12;
	v19 =	vadd.s32 v4, v18;
	v4 =	vsel vm11, $0x1, v1;
	(pc) =	sbr.rel @p0 .LBB2_38-.Ltmp28, $4  }
0x280: {  	v12 =	vadd.s32 v20, v12;
	v20 =	vadd.s32 v4, v19;
	v4 =	vsel vm12, $0x1, v1  }
0x281: {  	v9 =	vmovc v23;
	v12 =	vadd.s32 v16, v12;
	v4 =	vadd.s32 v4, v20;
	v16 =	vsel vm13, $0x1, v1  }
0x282: {  	v8 =	vmovc v24;
	v5 =	vmovc v25;
	v12 =	vadd.s32 v17, v12;
	v17 =	vshll.u32 v4, $0x4;
	v4 =	vadd.s32 v16, v4  }
0x283: {  	s25 =	sadd.s32 $0x80, s25;
	v6 =	vmovc v26;
	[tilespmem:v21+s17+$0x0] =	vst.idx.msk vm0, v28;
	v7 =	vmovc v27;
	v16 =	vshll.u32 v18, $0x4;
	v18 =	vshll.u32 v19, $0x4;
	v19 =	vshll.u32 v20, $0x4  }
0x284: {  	(xrf0) =	vadd.scan.msk.s32 $0xffff, v12  }
0x285: {  	(xrf0) =	vadd.scan.msk.s32 $0xffff, v4  }
0x286: {  	v56 =	vxor.u32 $0x80000000, v4  }
0x287: {  	(xrf0) =	vmax.scan.msk.u32 $0xffff, v56;
	_ =	sdelay $0x2  }
0x288: {  	v57, _, _ =	vpop (xrf0)  }
0x289: {  	v20, _, _ =	vpop (xrf0);
	(v2sf) =	vpush v57, $0xF  }
0x28a: {  	(v2sf) =	vpush v20, $0xF  }
0x28b: {  	v58, _, _ =	vpop (xrf0)  }
0x28c: {  	(v2sf) =	vpush v58, $0xF;
	_ =	sdelay $0x9  }
0x28d: {  	v59 =	vshll.u32 v13, $0x4;
	v60 =	vshll.u32 v14, $0x4;
	v61 =	vor.u32 v0, v17  }
0x28e: {  	v15 =	vshll.u32 v15, $0x4;
	v62 =	vor.u32 v0, v19;
	vm0 =	vlt.s32 v61, v2  }
0x28f: {  	v18 =	vor.u32 v0, v18;
	vm1 =	vlt.s32 v62, v2;
	v14 =	vsel vm0, v61, v2;
	s25 =	spop (v2sf)  }
0x290: {  	v16 =	vor.u32 v0, v16;
	vm7 =	vlt.s32 v18, v2;
	v17 =	vsel vm1, v62, v2;
	s0 =	spop (v2sf)  }
0x291: {  	v15 =	vor.u32 v0, v15;
	vm10 =	vlt.s32 v16, v2;
	v18 =	vsel vm7, v18, v2;
	p0 =	sgt.s32 s25, $0x2665;
	s1 =	sadd.s32 s25, s0  }
0x292: {  	v13 =	vor.u32 v0, v60;
	vm11 =	vlt.s32 v15, v2;
	v16 =	vsel vm10, v16, v2;
	s0 =	spop (v2sf);
	p1 =	slt.s32 @!p0 s1, $0x2666  }
0x293: {  	v12 =	vor.u32 v0, v59;
	vm14 =	vlt.s32 v13, v2;
	v15 =	vsel vm11, v15, v2;
	s26 =	sxor.u32 $0x80000000, s0;
	p0 =	por p0, p1  }
0x294: {  	vm15 =	vlt.s32 v12, v2;
	v13 =	vsel vm14, v13, v2;
	[tilespmem:v14+s17+$0x0] =	vst.idx.msk vm13, v11;
	p1 =	sgt.s32 @!p0 s26, $0x3FF  }
0x295: {  	v63 =	vsel vm15, v12, v2;
	[tilespmem:v17+s17+$0x0] =	vst.idx.msk vm12, v10;
	p0 =	por p0, p1  }
.Ltmp29:
0x296: {  	[tilespmem:v18+s17+$0x0] =	vst.idx.msk vm9, v9;
	(pc) =	sbr.rel @p0 .LBB2_49-.Ltmp29, $4  }
0x297: {  	[tilespmem:v16+s17+$0x0] =	vst.idx.msk vm8, v8  }
0x298: {  	[tilespmem:v15+s17+$0x0] =	vst.idx.msk vm4, v5  }
0x299: {  	[tilespmem:v13+s17+$0x0] =	vst.idx.msk vm3, v6  }
0x29a: {  	[tilespmem:v63+s17+$0x0] =	vst.idx.msk vm2, v7  }
0x29b: {  	s1 =	sshra.s32 s26, $0x1F  }
0x29c: {  	s1 =	sshrl.u32 s1, $0x1E  }
0x29d: {  	s1 =	sadd.s32 s1, s26  }
0x29e: {  	s28 =	sand.u32 $0xFFFFFFFC, s1  }
.Ltmp30:
0x29f: {  	s1 =	ssub.s32 s26, s28;
	(pc) =	sbr.rel .LBB2_41-.Ltmp30, $4  }
0x2a0: {  	s0 =	sshll.u32 s0, $0x6;
	s3 =	sshll.u32 s1, $0x6  }
0x2a1: {  	s24 =	simm.s32 $0x3EFAE148;
	s31 =	simm.s32 $0x3F10A3D7;
	s0 =	ssub.s32 s0, s3  }
0x2a2: {  	p0 =	slt.s32 s28, $0x1;
	p1 =	sge.s32 s28, s26;
	s0 =	sshra.s32 s0, $0x2  }
0x2a3: {  	s30 =	ssub.s32 $0x0, s1;
	s1 =	simm.s32 $0x15C28F;
	s29 =	sadd.s32 $0x18000, s0  }
.LBB2_45:
0x2a4: {  	(xrf0) =	vadd.scan.msk.s32 $0xffff, v6;
	_ =	sdelay $0x5  }
0x2a5: {  	v5, _, _ =	vpop (xrf0)  }
0x2a6: {  	(v2sf) =	vpush v5, $0xF;
	_ =	sdelay $0xe  }
0x2a7: {  	s1 =	spop (v2sf)  }
0x2a8: {  	s1 =	sadd.s32 s25, s1  }
0x2a9: {  	p2 =	sgt.s32 s1, $0x2665  }
0x2aa: {  	s24 =	smov.u32 @p2 s0;
	s0 =	smov.u32 @p2 s31  }
0x2ab: {  	s1 =	ssub.s32 s0, s24  }
0x2ac: {  	p2 =	seq.s32 s1, $0x1  }
.Ltmp31:
0x2ad: {  	_ = 	snop;
	(pc) =	sbr.rel @p2 .LBB2_53-.Ltmp31, $2  }
0x2ae: {  	_ =	sdelay $0x2  }
0x2af: {  	s31 =	smov.u32 s0  }
.LBB2_41:
0x2b0: {  	s0 =	sshrl.u32 s1, $0x1  }
0x2b1: {  	s0 =	sadd.s32 s24, s0  }
0x2b2: {  	s1 =	sxor.u32 $0x7FFFFFFF, s0  }
.Ltmp32:
0x2b3: {  	p2 =	slt.s32 s0, $0x0;
	s3 =	smov.u32 s0;
	(pc) =	sbr.rel @p0 .LBB2_42-.Ltmp32, $3  }
0x2b4: {  	s3 =	smov.u32 @p2 s1  }
0x2b5: {  	v5 =	vmov s3  }
0x2b6: {  	v5 =	vbroadcast v5, $0x0;
	_ =	sdelay $0x1  }
0x2b7: {  	s14 =	simm.s32 $0x18020  }
0x2b8: {  	v7 =	vld [tilespmem:s14+$0xFFFFFFE0];
	_ =	sdelay $0x2  }
0x2b9: {  	v8 =	vld [tilespmem:s14+$0x10]  }
0x2ba: {  	p2 =	sgt.s32 s28, $0x4;
	v9 =	vld [tilespmem:s14+$0xFFFFFFF0]  }
.Ltmp33:
0x2bb: {  	s1 =	simm.s32 $0x0;
	s3 =	simm.s32 $0x2;
	vm4 =	vge.f32 v7, v5;
	v7 =	vld [tilespmem:s14+$0x0];
	(pc) =	sbr.rel @!p2 .LBB2_48-.Ltmp33, $4  }
0x2bc: {  	v6 =	vimm.s32 $0x0;
	s4 =	simm.s32 $0x3;
	s15 =	simm.s32 $0x1;
	v10 =	vmov s1;
	v11 =	vmov s3  }
0x2bd: {  	v12 =	vmov s4;
	v63 =	vmov s15;
	vm2 =	vlt.s32 v10, v4  }
0x2be: {  	vm0 =	vlt.s32 v12, v4;
	vm3 =	vlt.s32 v63, v4;
	vm1 =	vlt.s32 v11, v4  }
0x2bf: {  	s1 =	simm.s32 $0x4;
	vm5 =	vge.f32 v9, v5;
	s14 =	simm.s32 $0x18060;
	vm4 =	vmand vm2, vm4;
	vm2 =	vge.f32 v8, v5  }
.LBB2_47:
0x2c0: {  	v8 =	vld [tilespmem:s14+$0x10];
	v9 =	vsel vm4, $0x1, v1;
	vm3 =	vmand vm3, vm5;
	vm4 =	vge.f32 v7, v5;
	s3 =	smov.u32 s1  }
0x2c1: {  	s1 =	sadd.s32 $0x4, s1;
	v10 =	vld [tilespmem:s14+$0xFFFFFFE0];
	v6 =	vadd.s32 v9, v6;
	v7 =	vsel vm3, $0x1, v1;
	vm1 =	vmand vm1, vm4  }
0x2c2: {  	vm0 =	vmand vm0, vm2;
	p2 =	slt.s32 s1, s28;
	v9 =	vld [tilespmem:s14+$0xFFFFFFF0];
	v6 =	vadd.s32 v7, v6;
	v11 =	vsel vm1, $0x1, v1  }
.Ltmp34:
0x2c3: {  	v12 =	vmov s3;
	s4 =	sadd.s32 $0x2, s3;
	s15 =	sadd.s32 $0x3, s3;
	v7 =	vld [tilespmem:s14+$0x0];
	v6 =	vadd.s32 v11, v6;
	v11 =	vsel vm0, $0x1, v1;
	(pc) =	sbr.rel @p2 .LBB2_47-.Ltmp34, $4  }
0x2c4: {  	s3 =	sadd.s32 $0x1, s3;
	v13 =	vmov s4;
	v14 =	vmov s15;
	v6 =	vadd.s32 v11, v6  }
0x2c5: {  	vm2 =	vlt.s32 v12, v4;
	vm0 =	vlt.s32 v14, v4;
	v11 =	vmov s3  }
0x2c6: {  	vm1 =	vlt.s32 v13, v4;
	vm3 =	vlt.s32 v11, v4;
	vm4 =	vge.f32 v10, v5  }
0x2c7: {  	s14 =	sadd.s32 $0x40, s14;
	vm4 =	vmand vm2, vm4;
	vm5 =	vge.f32 v9, v5;
	vm2 =	vge.f32 v8, v5  }
.LBB2_48:
.Ltmp35:
0x2c8: {  	v8 =	vsel vm4, $0x1, v1;
	vm3 =	vmand vm3, vm5;
	vm15 =	vge.f32 v7, v5;
	(pc) =	sbr.rel .LBB2_43-.Ltmp35, $4  }
0x2c9: {  	v6 =	vadd.s32 v8, v6;
	v7 =	vsel vm3, $0x1, v1;
	vm1 =	vmand vm1, vm15  }
0x2ca: {  	vm0 =	vmand vm0, vm2;
	v6 =	vadd.s32 v7, v6;
	v7 =	vsel vm1, $0x1, v1  }
0x2cb: {  	v6 =	vadd.s32 v7, v6;
	v7 =	vsel vm0, $0x1, v1  }
0x2cc: {  	v6 =	vadd.s32 v7, v6  }
.LBB2_42:
0x2cd: {  	v6 =	vimm.s32 $0x0  }
.LBB2_43:
.Ltmp36:
0x2ce: {  	(pc) =	sbr.rel @p1 .LBB2_45-.Ltmp36, $2  }
0x2cf: {  	_ =	sdelay $0x2  }
0x2d0: {  	s1 =	smov.u32 s29;
	s14 =	smov.u32 s30  }
.LBB2_44:
0x2d1: {  	v7 =	vld [tilespmem:s1+$0x0];
	_ =	sdelay $0x1  }
0x2d2: {  	s3 =	sadd.s32 s14, s26;
	s14 =	sadd.s32 $0x1, s14  }
0x2d3: {  	p2 =	seq.s32 s14, $0x0  }
.Ltmp37:
0x2d4: {  	v8 =	vmov s3;
	(pc) =	sbr.rel @!p2 .LBB2_44-.Ltmp37, $4  }
0x2d5: {  	vm0 =	vlt.s32 v8, v4;
	vm1 =	vge.f32 v7, v5  }
0x2d6: {  	vm0 =	vmand vm0, vm1  }
0x2d7: {  	v7 =	vsel vm0, $0x1, v1  }
0x2d8: {  	s1 =	sadd.s32 $0x10, s1;
	v6 =	vadd.s32 v7, v6  }
.Ltmp38:
0x2d9: {  	_ = 	snop;
	(pc) =	sbr.rel .LBB2_45-.Ltmp38, $1  }
0x2da: {  	_ =	sdelay $0x3  }
.LBB2_49:
0x2db: {  	p0 =	slt.s32 s1, $0x2666;
	s24 =	simm.s32 $0x80000000;
	s25 =	simm.s32 $0x3EFAE148  }
0x2dc: {  	s1 =	simm.s32 $0xBEFAE148;
	s24 =	simm.s32 @!p0 $0x3F10A3D7  }
0x2dd: {  	s25 =	simm.s32 @!p0 $0x7FFFFFFF;
	s1 =	simm.s32 @!p0 $0x40EF5C28  }
.LBB2_50:
0x2de: {  	s0 =	sshrl.u32 s1, $0x1  }
0x2df: {  	s3 =	simm.s32 $0x0;
	s0 =	sadd.s32 s24, s0  }
0x2e0: {  	v5 =	vld [tilespmem:s3+$0x10000];
	s1 =	sxor.u32 $0x7FFFFFFF, s0;
	p0 =	slt.s32 s0, $0x0;
	s4 =	smov.u32 s0  }
0x2e1: {  	v7 =	vld [tilespmem:s3+$0x10010];
	s4 =	smov.u32 @p0 s1  }
0x2e2: {  	v9 =	vld [tilespmem:s3+$0x10020];
	v4 =	vmov s4  }
0x2e3: {  	v8 =	vld [tilespmem:s3+$0x10030];
	v4 =	vbroadcast v4, $0x0  }
0x2e4: {  	v6 =	vld [tilespmem:s3+$0x10040]  }
0x2e5: {  	vm0 =	vge.f32 v5, v4;
	v5 =	vld [tilespmem:s3+$0x10050]  }
0x2e6: {  	v10 =	vimm.s32 $0x0;
	v11 =	vsel vm0, $0x1, v1;
	vm0 =	vge.f32 v7, v4;
	v7 =	vld [tilespmem:s3+$0x10060]  }
0x2e7: {  	s26 =	simm.s32 $0x80;
	s1 =	simm.s32 $0x400;
	v10 =	vadd.s32 v11, v10;
	v11 =	vsel vm0, $0x1, v1;
	vm0 =	vge.f32 v9, v4;
	v9 =	vld [tilespmem:s3+$0x10070]  }
.LBB2_51:
0x2e8: {  	p0 =	sne.s32 s1, $0x1FE00;
	v12 =	vld [tilespmem:s26+$0x10000];
	v10 =	vadd.s32 v11, v10;
	v11 =	vsel vm0, $0x1, v1;
	vm0 =	vge.f32 v8, v4  }
0x2e9: {  	v13 =	vld [tilespmem:s26+$0x10010];
	v8 =	vadd.s32 v11, v10;
	v10 =	vsel vm0, $0x1, v1;
	vm0 =	vge.f32 v6, v4  }
0x2ea: {  	v14 =	vld [tilespmem:s26+$0x10020];
	v6 =	vadd.s32 v10, v8;
	v10 =	vsel vm0, $0x1, v1;
	vm0 =	vge.f32 v5, v4  }
.Ltmp39:
0x2eb: {  	v8 =	vld [tilespmem:s26+$0x10030];
	v5 =	vadd.s32 v10, v6;
	v10 =	vsel vm0, $0x1, v1;
	vm0 =	vge.f32 v7, v4;
	(pc) =	sbr.rel @p0 .LBB2_51-.Ltmp39, $4  }
0x2ec: {  	v6 =	vld [tilespmem:s26+$0x10040];
	v7 =	vadd.s32 v10, v5;
	v10 =	vsel vm0, $0x1, v1;
	vm0 =	vge.f32 v9, v4  }
0x2ed: {  	vm1 =	vge.f32 v12, v4;
	v5 =	vld [tilespmem:s26+$0x10050];
	v9 =	vadd.s32 v10, v7;
	v10 =	vsel vm0, $0x1, v1  }
0x2ee: {  	v11 =	vsel vm1, $0x1, v1;
	vm0 =	vge.f32 v13, v4;
	v7 =	vld [tilespmem:s26+$0x10060];
	v9 =	vadd.s32 v10, v9  }
0x2ef: {  	v10 =	vadd.s32 v11, v9;
	v11 =	vsel vm0, $0x1, v1;
	vm0 =	vge.f32 v14, v4;
	v9 =	vld [tilespmem:s26+$0x10070];
	s26 =	sshra.s32 s1, $0x2;
	s1 =	sadd.s32 $0x200, s1  }
0x2f0: {  	v12 =	vld [tilespmem:s26+$0x10000];
	v10 =	vadd.s32 v11, v10;
	v47 =	vsel vm0, $0x1, v1;
	vm4 =	vge.f32 v8, v4  }
0x2f1: {  	v48 =	vld [tilespmem:s26+$0x10010];
	v10 =	vadd.s32 v47, v10;
	v49 =	vsel vm4, $0x1, v1;
	vm5 =	vge.f32 v6, v4  }
0x2f2: {  	v50 =	vld [tilespmem:s26+$0x10020];
	v10 =	vadd.s32 v49, v10;
	v51 =	vsel vm5, $0x1, v1;
	vm6 =	vge.f32 v5, v4  }
0x2f3: {  	v5 =	vld [tilespmem:s26+$0x10030];
	v10 =	vadd.s32 v51, v10;
	v52 =	vsel vm6, $0x1, v1;
	vm7 =	vge.f32 v7, v4  }
0x2f4: {  	v53 =	vld [tilespmem:s26+$0x10040];
	v10 =	vadd.s32 v52, v10;
	v54 =	vsel vm7, $0x1, v1;
	vm8 =	vge.f32 v9, v4  }
0x2f5: {  	v55 =	vld [tilespmem:s26+$0x10050];
	vm1 =	vge.f32 v12, v4;
	v10 =	vadd.s32 v54, v10;
	v56 =	vsel vm8, $0x1, v1  }
0x2f6: {  	v57 =	vld [tilespmem:s26+$0x10060];
	vm9 =	vge.f32 v48, v4;
	v12 =	vsel vm1, $0x1, v1;
	v10 =	vadd.s32 v56, v10  }
0x2f7: {  	v59 =	vld [tilespmem:s26+$0x10070];
	vm10 =	vge.f32 v50, v4;
	v58 =	vsel vm9, $0x1, v1;
	v10 =	vadd.s32 v12, v10  }
0x2f8: {  	v60 =	vsel vm10, $0x1, v1;
	vm11 =	vge.f32 v5, v4;
	v10 =	vadd.s32 v58, v10  }
0x2f9: {  	vm12 =	vge.f32 v53, v4;
	v61 =	vsel vm11, $0x1, v1;
	v5 =	vadd.s32 v60, v10  }
0x2fa: {  	vm13 =	vge.f32 v55, v4;
	v7 =	vsel vm12, $0x1, v1;
	v5 =	vadd.s32 v61, v5  }
0x2fb: {  	vm14 =	vge.f32 v57, v4;
	v62 =	vsel vm13, $0x1, v1;
	v5 =	vadd.s32 v7, v5  }
0x2fc: {  	vm15 =	vge.f32 v59, v4;
	v63 =	vsel vm14, $0x1, v1;
	v5 =	vadd.s32 v62, v5  }
0x2fd: {  	v4 =	vadd.s32 v63, v5;
	v5 =	vsel vm15, $0x1, v1  }
0x2fe: {  	v4 =	vadd.s32 v5, v4  }
0x2ff: {  	(xrf0) =	vadd.scan.msk.s32 $0xffff, v4;
	_ =	sdelay $0x5  }
0x300: {  	v4, _, _ =	vpop (xrf0)  }
0x301: {  	(v2sf) =	vpush v4, $0xF;
	_ =	sdelay $0xe  }
0x302: {  	s1 =	spop (v2sf)  }
0x303: {  	p0 =	sgt.s32 s1, $0x2665  }
0x304: {  	s24 =	smov.u32 @p0 s0;
	s0 =	smov.u32 @p0 s25  }
0x305: {  	s1 =	ssub.s32 s0, s24  }
0x306: {  	p0 =	sne.s32 s1, $0x1  }
.Ltmp40:
0x307: {  	_ = 	snop;
	(pc) =	sbr.rel @p0 .LBB2_50-.Ltmp40, $2  }
0x308: {  	_ =	sdelay $0x2  }
0x309: {  	s25 =	smov.u32 s0  }
.LBB2_53:
0x30a: {  	s0 =	simm.s32 $0x10040  }
0x30b: {  	s1 =	sxor.u32 $0x7FFFFFFF, s24;
	p0 =	slt.s32 s24, $0x0;
	v6 =	vld [tilespmem:s0+$0x30]  }
0x30c: {  	s24 =	smov.u32 @p0 s1;
	v9 =	vld [tilespmem:s0+$0xFFFFFFD0]  }
0x30d: {  	v11 =	vld [tilespmem:s0+$0xFFFFFFE0];
	v4 =	vmov s24  }
0x30e: {  	v8 =	vld [tilespmem:s0+$0xFFFFFFF0];
	v4 =	vbroadcast v4, $0x0  }
0x30f: {  	v7 =	vld [tilespmem:s0+$0x0]  }
0x310: {  	v5 =	vld [tilespmem:s0+$0x10];
	vm0 =	vge.f32 v6, v4  }
0x311: {  	vm1 =	vge.f32 v9, v4;
	v6 =	vld [tilespmem:s0+$0x20];
	v12 =	vsel vm0, $0x3F800000, v3  }
0x312: {  	s14 =	simm.s32 $0x100C0;
	s1 =	simm.s32 $0x0;
	v9 =	vld [tilespmem:s0+$0xFFFFFFC0];
	v10 =	vsel vm1, $0x3F800000, v3;
	vm0 =	vge.f32 v11, v4;
	[tilespmem:s0+$0x30] =	vst v12  }
.LBB2_54:
0x313: {  	v11 =	vld [tilespmem:s14+$0x30];
	s1 =	sadd.s32 $0x8, s1;
	[tilespmem:s0+$0xFFFFFFD0] =	vst v10;
	v10 =	vsel vm0, $0x3F800000, v3;
	vm0 =	vge.f32 v8, v4  }
0x314: {  	v12 =	vld [tilespmem:s14+$0xFFFFFFD0];
	p0 =	slt.u32 s1, $0x7F8;
	[tilespmem:s0+$0xFFFFFFE0] =	vst v10;
	v8 =	vsel vm0, $0x3F800000, v3;
	vm0 =	vge.f32 v7, v4  }
0x315: {  	v13 =	vld [tilespmem:s14+$0xFFFFFFE0];
	[tilespmem:s0+$0xFFFFFFF0] =	vst v8;
	v7 =	vsel vm0, $0x3F800000, v3;
	vm0 =	vge.f32 v5, v4  }
.Ltmp41:
0x316: {  	v8 =	vld [tilespmem:s14+$0xFFFFFFF0];
	[tilespmem:s0+$0x0] =	vst v7;
	v5 =	vsel vm0, $0x3F800000, v3;
	vm0 =	vge.f32 v6, v4;
	(pc) =	sbr.rel @p0 .LBB2_54-.Ltmp41, $4  }
0x317: {  	v7 =	vld [tilespmem:s14+$0x0];
	vm1 =	vge.f32 v9, v4;
	[tilespmem:s0+$0x10] =	vst v5;
	v6 =	vsel vm0, $0x3F800000, v3  }
0x318: {  	v5 =	vld [tilespmem:s14+$0x10];
	vm0 =	vge.f32 v11, v4;
	v9 =	vsel vm1, $0x3F800000, v3;
	[tilespmem:s0+$0x20] =	vst v6  }
0x319: {  	vm1 =	vge.f32 v12, v4;
	v6 =	vld [tilespmem:s14+$0x20];
	v11 =	vsel vm0, $0x3F800000, v3;
	[tilespmem:s0+$0xFFFFFFC0] =	vst v9;
	s0 =	smov.u32 s14  }
0x31a: {  	s14 =	sadd.s32 $0x80, s14;
	v9 =	vld [tilespmem:s0+$0xFFFFFFC0];
	v10 =	vsel vm1, $0x3F800000, v3;
	vm0 =	vge.f32 v13, v4;
	[tilespmem:s0+$0x30] =	vst v11  }
0x31b: {  	[tilespmem:s0+$0xFFFFFFD0] =	vst v10;
	v10 =	vsel vm0, $0x3F800000, v3;
	vm0 =	vge.f32 v8, v4  }
0x31c: {  	[tilespmem:s0+$0xFFFFFFE0] =	vst v10;
	v8 =	vsel vm0, $0x3F800000, v3;
	vm0 =	vge.f32 v7, v4  }
0x31d: {  	[tilespmem:s0+$0xFFFFFFF0] =	vst v8;
	v7 =	vsel vm0, $0x3F800000, v3;
	vm0 =	vge.f32 v5, v4  }
0x31e: {  	[tilespmem:s0+$0x0] =	vst v7;
	v5 =	vsel vm0, $0x3F800000, v3;
	vm0 =	vge.f32 v6, v4  }
0x31f: {  	vm1 =	vge.f32 v9, v4;
	[tilespmem:s0+$0x10] =	vst v5;
	v4 =	vsel vm0, $0x3F800000, v3  }
0x320: {  	v5 =	vsel vm1, $0x3F800000, v3;
	[tilespmem:s0+$0x20] =	vst v4  }
0x321: {  	s30 =	simm.s32 $0x10000;
	[tilespmem:s0+$0xFFFFFFC0] =	vst v5  }
0x322: {  	[hbm4b:s9+s12] =	stream.strided.scatter [tilespmem:s30], [sflag:$0x6], $0x8000, s13, s12, $0x38;
	[tilespmem:$0x1C080] =	vst v63  }
0x323: {  	_ =	swait.ge [sflag:s16], $0x8000  }
0x324: {  	[sflag:s16] =	ssyncset.done $0x0  }
0x325: {  	s31 =	simm.s32 $0x40;
	[sflag:s16] =	ssyncadd.s32 $0xFFFF8000  }
0x326: {  	v11 =	vld [tilespmem:s31+$0x30]  }
0x327: {  	v10 =	vld [tilespmem:s31+$0x20]  }
0x328: {  	v9 =	vld [tilespmem:s31+$0x10]  }
0x329: {  	v8 =	vld [tilespmem:s31+$0x0]  }
0x32a: {  	v4 =	vimm.s32 $0x0;
	v5 =	vld [tilespmem:s31+$0xFFFFFFF0]  }
0x32b: {  	v12 =	vshll.u32 v4, $0x4;
	v6 =	vld [tilespmem:s31+$0xFFFFFFE0]  }
0x32c: {  	v12 =	vor.u32 v0, v12;
	v16 =	vld [tilespmem:s31+$0xFFFFFFC0]  }
0x32d: {  	vm0 =	vlt.s32 v12, v2;
	v7 =	vld [tilespmem:s31+$0xFFFFFFD0]  }
0x32e: {  	v18 =	vsel vm0, v12, v2  }
0x32f: {  	vm0 =	vge.f32 v10, $5.649999980e-01;
	vm1 =	vge.f32 v11, $5.649999980e-01;
	vm2 =	vge.f32 v5, $5.649999980e-01  }
0x330: {  	vm3 =	vge.f32 v8, $5.649999980e-01;
	vm4 =	vge.f32 v9, $5.649999980e-01;
	vm5 =	vge.f32 v6, $5.649999980e-01  }
0x331: {  	vm6 =	vge.f32 v11, $4.900000100e-01;
	vm7 =	vlt.f32 v11, $5.649999980e-01;
	vm8 =	vge.f32 v16, $5.649999980e-01  }
0x332: {  	vm9 =	vge.f32 v7, $5.649999980e-01;
	vm10 =	vge.f32 v8, $4.900000100e-01;
	v12 =	vsel vm0, $0x1, v1  }
0x333: {  	vm0 =	vge.f32 v10, $4.900000100e-01;
	v17 =	vsel vm1, $0x1, v1;
	vm1 =	vge.f32 v9, $4.900000100e-01  }
0x334: {  	v19 =	vsel vm2, $0x1, v1;
	vm2 =	vlt.f32 v9, $5.649999980e-01;
	v20 =	vsel vm3, $0x1, v1  }
0x335: {  	vm3 =	vlt.f32 v10, $5.649999980e-01;
	v21 =	vsel vm4, $0x1, v1;
	vm4 =	vge.f32 v5, $4.900000100e-01  }
0x336: {  	v14 =	vsel vm9, $0x1, v1;
	v15 =	vsel vm5, $0x1, v1;
	vm5 =	vlt.f32 v8, $5.649999980e-01  }
0x337: {  	vm13 =	vmand vm6, vm7;
	vm7 =	vge.f32 v6, $4.900000100e-01;
	v13 =	vsel vm8, $0x1, v1  }
0x338: {  	vm8 =	vlt.f32 v5, $5.649999980e-01;
	vm9 =	vmand vm1, vm2;
	vm1 =	vge.f32 v16, $4.900000100e-01  }
0x339: {  	vm12 =	vmand vm0, vm3;
	vm0 =	vlt.f32 v16, $5.649999980e-01;
	vm4 =	vmand vm4, vm8  }
0x33a: {  	vm2 =	vge.f32 v7, $4.900000100e-01;
	vm8 =	vmand vm10, vm5;
	vm3 =	vlt.f32 v7, $5.649999980e-01  }
0x33b: {  	v23 =	vadd.s32 v13, v4;
	vm0 =	vmand vm1, vm0;
	vm1 =	vlt.f32 v6, $5.649999980e-01  }
0x33c: {  	vm2 =	vmand vm2, vm3;
	v61 =	vadd.s32 v14, v23;
	v22 =	vsel vm0, $0x1, v1  }
0x33d: {  	vm3 =	vmand vm7, vm1;
	v13 =	vadd.s32 v22, v4;
	v4 =	vsel vm2, $0x1, v1  }
0x33e: {  	v22 =	vadd.s32 v15, v61;
	v14 =	vadd.s32 v4, v13;
	v4 =	vsel vm3, $0x1, v1  }
0x33f: {  	v19 =	vadd.s32 v19, v22;
	v15 =	vadd.s32 v4, v14;
	v4 =	vsel vm4, $0x1, v1  }
0x340: {  	v19 =	vadd.s32 v20, v19;
	v62 =	vadd.s32 v4, v15;
	v4 =	vsel vm8, $0x1, v1  }
0x341: {  	v19 =	vadd.s32 v21, v19;
	v20 =	vadd.s32 v4, v62  }
0x342: {  	v4 =	vsel vm9, $0x1, v1;
	v12 =	vadd.s32 v12, v19;
	v19 =	vsel vm13, $0x1, v1  }
0x343: {  	[tilespmem:v18+s17+$0x0] =	vst.idx.msk vm0, v16;
	v16 =	vshll.u32 v62, $0x4;
	v63 =	vadd.s32 v4, v20;
	v4 =	vsel vm12, $0x1, v1  }
0x344: {  	v12 =	vadd.s32 v17, v12;
	v18 =	vshll.u32 v20, $0x4;
	v4 =	vadd.s32 v4, v63  }
0x345: {  	s24 =	simm.s32 $0x0;
	s25 =	simm.s32 $0xC0;
	v17 =	vshll.u32 v4, $0x4;
	v4 =	vadd.s32 v19, v4;
	v19 =	vshll.u32 v63, $0x4  }
.LBB2_56:
0x346: {  	v20 =	vimm.s32 $0x0  }
0x347: {  	v20 =	vsel vm4, $0xFFFFFFFF, v20  }
0x348: {  	[tilespmem:$0x1FD40] =	vst v20;
	v20 =	vimm.s32 $0x0  }
0x349: {  	v20 =	vsel vm3, $0xFFFFFFFF, v20  }
0x34a: {  	v17 =	vor.u32 v0, v17;
	v16 =	vor.u32 v0, v16;
	[tilespmem:$0x1FD50] =	vst v20;
	v20 =	vimm.s32 $0x0  }
0x34b: {  	vm6 =	vmmov vm8;
	vm5 =	vlt.s32 v16, v2;
	v20 =	vsel vm2, $0xFFFFFFFF, v20  }
0x34c: {  	v16 =	vsel vm5, v16, v2;
	vm2 =	vlt.s32 v17, v2;
	[tilespmem:$0x1FD70] =	vst v20;
	v20 =	vld [tilespmem:s25+$0x30]  }
0x34d: {  	v25 =	vld [tilespmem:s25+$0xFFFFFFF0];
	v17 =	vsel vm2, v17, v2  }
0x34e: {  	v24 =	vld [tilespmem:s25+$0x0]  }
0x34f: {  	v23 =	vld [tilespmem:s25+$0x10];
	v18 =	vor.u32 v0, v18  }
0x350: {  	v15 =	vshll.u32 v15, $0x4;
	v26 =	vld [tilespmem:s25+$0xFFFFFFE0];
	v29 =	vimm.s32 $0x0;
	vm0 =	vlt.s32 v18, v2  }
0x351: {  	v57 =	vimm.s32 $0x0;
	v18 =	vsel vm0, v18, v2;
	[tilespmem:v16+s17+$0x0] =	vst.idx.msk vm6, v8;
	vm0 =	vge.f32 v20, $5.649999980e-01  }
0x352: {  	v58 =	vimm.s32 $0x0;
	[tilespmem:v17+s17+$0x0] =	vst.idx.msk vm13, v11;
	v29 =	vsel vm0, $0xFFFFFFFF, v29;
	vm0 =	vge.f32 v25, $5.649999980e-01  }
0x353: {  	v28 =	vld [tilespmem:s25+$0xFFFFFFC0];
	v59 =	vimm.s32 $0x0;
	[tilespmem:$0x1FD60] =	vst v29;
	v29 =	vsel vm0, $0xFFFFFFFF, v57;
	vm0 =	vge.f32 v24, $5.649999980e-01  }
0x354: {  	v60 =	vimm.s32 $0x0;
	v16 =	vld [tilespmem:$0x1FD40];
	[tilespmem:$0x1FD80] =	vst v29;
	v29 =	vsel vm0, $0xFFFFFFFF, v58;
	vm0 =	vge.f32 v23, $5.649999980e-01  }
0x355: {  	v61 =	vimm.s32 $0x0;
	[tilespmem:$0x1FD90] =	vst v29;
	v29 =	vsel vm0, $0xFFFFFFFF, v59;
	vm0 =	vge.f32 v26, $5.649999980e-01  }
0x356: {  	v62 =	vimm.s32 $0x0;
	[tilespmem:$0x1FDA0] =	vst v29;
	v29 =	vsel vm0, $0xFFFFFFFF, v60;
	vm0 =	vge.f32 v20, $4.900000100e-01  }
0x357: {  	v15 =	vor.u32 v0, v15;
	[tilespmem:$0x1FDB0] =	vst v29;
	v29 =	vsel vm0, $0xFFFFFFFF, v61;
	vm0 =	vlt.f32 v20, $5.649999980e-01  }
0x358: {  	v17 =	vimm.s32 $0x0;
	[tilespmem:$0x1FDC0] =	vst v29;
	v29 =	vsel vm0, $0xFFFFFFFF, v62;
	vm0 =	vge.f32 v28, $5.649999980e-01  }
0x359: {  	vm4 =	vlt.s32 v15, v2;
	v17 =	vsel vm0, $0xFFFFFFFF, v17;
	vm0 =	vnez.u8 v16  }
0x35a: {  	v15 =	vsel vm4, v15, v2;
	_ =	sdelay $0x4  }
0x35b: {  	[tilespmem:v15+s17+$0x0] =	vst.idx.msk vm0, v5;
	v15 =	vld [tilespmem:$0x1FD50];
	_ =	sdelay $0x2  }
0x35c: {  	v14 =	vshll.u32 v14, $0x4  }
0x35d: {  	v14 =	vor.u32 v0, v14  }
0x35e: {  	vm3 =	vlt.s32 v14, v2;
	vm0 =	vnez.u8 v15  }
0x35f: {  	v14 =	vsel vm3, v14, v2;
	_ =	sdelay $0x3  }
0x360: {  	v22 =	vld [tilespmem:s25+$0x20]  }
0x361: {  	[tilespmem:v14+s17+$0x0] =	vst.idx.msk vm0, v6;
	v14 =	vld [tilespmem:$0x1FD60];
	_ =	sdelay $0x3  }
0x362: {  	vm14 =	vge.f32 v22, $5.649999980e-01  }
0x363: {  	v16 =	vsel vm14, $0x1, v1;
	vm14 =	vnez.u8 v14;
	v14 =	vld [tilespmem:$0x1FD70];
	_ =	sdelay $0x2  }
0x364: {  	v13 =	vshll.u32 v13, $0x4  }
0x365: {  	v13 =	vor.u32 v0, v13  }
0x366: {  	vm8 =	vlt.s32 v13, v2;
	[tilespmem:$0x1FDE0] =	vst v17;
	v17 =	vsel vm14, $0x1, v1;
	vm14 =	vnez.u8 v14  }
0x367: {  	v13 =	vsel vm8, v13, v2;
	_ =	sdelay $0x3  }
0x368: {  	v27 =	vld [tilespmem:s25+$0xFFFFFFD0]  }
0x369: {  	[tilespmem:v13+s17+$0x0] =	vst.idx.msk vm14, v7;
	v13 =	vld [tilespmem:$0x1FD80];
	_ =	sdelay $0x4  }
0x36a: {  	vm14 =	vnez.u8 v13;
	v13 =	vld [tilespmem:$0x1FD90];
	_ =	sdelay $0x2  }
0x36b: {  	v19 =	vor.u32 v0, v19  }
0x36c: {  	vm1 =	vlt.s32 v19, v2  }
0x36d: {  	v19 =	vsel vm1, v19, v2;
	[tilespmem:v18+s17+$0x0] =	vst.idx.msk vm9, v9;
	v18 =	vsel vm14, $0x1, v1;
	vm14 =	vnez.u8 v13;
	v13 =	vld [tilespmem:$0x1FDA0];
	_ =	sdelay $0x4  }
0x36e: {  	[tilespmem:v19+s17+$0x0] =	vst.idx.msk vm12, v10;
	v19 =	vsel vm14, $0x1, v1;
	vm14 =	vnez.u8 v13;
	v13 =	vld [tilespmem:$0x1FDB0];
	_ =	sdelay $0x3  }
0x36f: {  	vm13 =	vge.f32 v27, $5.649999980e-01  }
0x370: {  	v14 =	vsel vm13, $0x1, v1;
	vm13 =	vnez.u8 v13;
	v13 =	vld [tilespmem:$0x1FDC0];
	_ =	sdelay $0x3  }
0x371: {  	v21 =	vshll.u32 v4, $0x4;
	[tilespmem:$0x1FDD0] =	vst v29  }
0x372: {  	v21 =	vor.u32 v0, v21;
	v15 =	vsel vm13, $0x1, v1;
	vm13 =	vnez.u8 v13;
	v13 =	vld [tilespmem:$0x1FDD0]  }
0x373: {  	vm7 =	vlt.s32 v21, v2  }
0x374: {  	v21 =	vsel vm7, v21, v2;
	vm15 =	vge.f32 v22, $4.900000100e-01  }
0x375: {  	vm11 =	vlt.f32 v23, $5.649999980e-01;
	vm8 =	vge.f32 v24, $4.900000100e-01;
	vm7 =	vlt.f32 v24, $5.649999980e-01  }
0x376: {  	vm5 =	vlt.f32 v26, $5.649999980e-01;
	vm4 =	vlt.f32 v25, $5.649999980e-01;
	vm1 =	vge.f32 v28, $4.900000100e-01  }
0x377: {  	vm3 =	vge.f32 v27, $4.900000100e-01;
	v11 =	vmovc v20;
	v20 =	vsel vm14, $0x1, v1;
	vm14 =	vnez.u8 v13;
	v13 =	vld [tilespmem:$0x1FDE0]  }
0x378: {  	vm2 =	vlt.f32 v27, $5.649999980e-01;
	vm8 =	vmand vm8, vm7;
	vm12 =	vge.f32 v23, $4.900000100e-01  }
0x379: {  	v10 =	vmovc v22;
	vm9 =	vge.f32 v25, $4.900000100e-01;
	vm6 =	vge.f32 v26, $4.900000100e-01;
	vm2 =	vmand vm3, vm2  }
0x37a: {  	vm10 =	vlt.f32 v10, $5.649999980e-01;
	vm11 =	vmand vm12, vm11;
	vm4 =	vmand vm9, vm4  }
0x37b: {  	vm3 =	vmand vm6, vm5;
	vm12 =	vmand vm15, vm10;
	vm0 =	vlt.f32 v28, $5.649999980e-01  }
0x37c: {  	vm0 =	vmand vm1, vm0;
	vm13 =	vmand vm13, vm14;
	vm14 =	vnez.u8 v13  }
0x37d: {  	vm9 =	vmmov vm11;
	v63 =	vsel vm0, $0x1, v1;
	v13 =	vsel vm14, $0x1, v1  }
0x37e: {  	v12 =	vadd.s32 v13, v12;
	v13 =	vadd.s32 v63, v4;
	v4 =	vsel vm2, $0x1, v1  }
0x37f: {  	v12 =	vadd.s32 v14, v12;
	v14 =	vadd.s32 v4, v13;
	v4 =	vsel vm3, $0x1, v1  }
0x380: {  	s24 =	sadd.s32 $0x8, s24;
	v12 =	vadd.s32 v15, v12;
	v15 =	vadd.s32 v4, v14;
	v4 =	vsel vm4, $0x1, v1  }
0x381: {  	p0 =	slt.u32 s24, $0x7F8;
	v12 =	vadd.s32 v18, v12;
	v18 =	vadd.s32 v4, v15;
	v4 =	vsel vm8, $0x1, v1  }
.Ltmp42:
0x382: {  	v12 =	vadd.s32 v19, v12;
	v19 =	vadd.s32 v4, v18;
	v4 =	vsel vm11, $0x1, v1;
	(pc) =	sbr.rel @p0 .LBB2_56-.Ltmp42, $4  }
0x383: {  	v12 =	vadd.s32 v20, v12;
	v20 =	vadd.s32 v4, v19;
	v4 =	vsel vm12, $0x1, v1  }
0x384: {  	v9 =	vmovc v23;
	v12 =	vadd.s32 v16, v12;
	v4 =	vadd.s32 v4, v20;
	v16 =	vsel vm13, $0x1, v1  }
0x385: {  	v8 =	vmovc v24;
	v5 =	vmovc v25;
	v12 =	vadd.s32 v17, v12;
	v17 =	vshll.u32 v4, $0x4;
	v4 =	vadd.s32 v16, v4  }
0x386: {  	s25 =	sadd.s32 $0x80, s25;
	v6 =	vmovc v26;
	[tilespmem:v21+s17+$0x0] =	vst.idx.msk vm0, v28;
	v7 =	vmovc v27;
	v16 =	vshll.u32 v18, $0x4;
	v18 =	vshll.u32 v19, $0x4;
	v19 =	vshll.u32 v20, $0x4  }
0x387: {  	(xrf0) =	vadd.scan.msk.s32 $0xffff, v12  }
0x388: {  	(xrf0) =	vadd.scan.msk.s32 $0xffff, v4  }
0x389: {  	v56 =	vxor.u32 $0x80000000, v4  }
0x38a: {  	(xrf0) =	vmax.scan.msk.u32 $0xffff, v56;
	_ =	sdelay $0x2  }
0x38b: {  	v57, _, _ =	vpop (xrf0)  }
0x38c: {  	v20, _, _ =	vpop (xrf0);
	(v2sf) =	vpush v57, $0xF  }
0x38d: {  	(v2sf) =	vpush v20, $0xF  }
0x38e: {  	v58, _, _ =	vpop (xrf0)  }
0x38f: {  	(v2sf) =	vpush v58, $0xF;
	_ =	sdelay $0x9  }
0x390: {  	v59 =	vshll.u32 v13, $0x4;
	v60 =	vshll.u32 v14, $0x4;
	v61 =	vor.u32 v0, v17  }
0x391: {  	v15 =	vshll.u32 v15, $0x4;
	v62 =	vor.u32 v0, v19;
	vm0 =	vlt.s32 v61, v2  }
0x392: {  	v18 =	vor.u32 v0, v18;
	vm1 =	vlt.s32 v62, v2;
	v14 =	vsel vm0, v61, v2;
	s25 =	spop (v2sf)  }
0x393: {  	v16 =	vor.u32 v0, v16;
	vm7 =	vlt.s32 v18, v2;
	v17 =	vsel vm1, v62, v2;
	s0 =	spop (v2sf)  }
0x394: {  	v15 =	vor.u32 v0, v15;
	vm10 =	vlt.s32 v16, v2;
	v18 =	vsel vm7, v18, v2;
	p0 =	sgt.s32 s25, $0x2665;
	s1 =	sadd.s32 s25, s0  }
0x395: {  	v13 =	vor.u32 v0, v60;
	vm11 =	vlt.s32 v15, v2;
	v16 =	vsel vm10, v16, v2;
	s0 =	spop (v2sf);
	p1 =	slt.s32 @!p0 s1, $0x2666  }
0x396: {  	v12 =	vor.u32 v0, v59;
	vm14 =	vlt.s32 v13, v2;
	v15 =	vsel vm11, v15, v2;
	s26 =	sxor.u32 $0x80000000, s0;
	p0 =	por p0, p1  }
0x397: {  	vm15 =	vlt.s32 v12, v2;
	v13 =	vsel vm14, v13, v2;
	[tilespmem:v14+s17+$0x0] =	vst.idx.msk vm13, v11;
	p1 =	sgt.s32 @!p0 s26, $0x3FF  }
0x398: {  	v63 =	vsel vm15, v12, v2;
	[tilespmem:v17+s17+$0x0] =	vst.idx.msk vm12, v10;
	p0 =	por p0, p1  }
.Ltmp43:
0x399: {  	[tilespmem:v18+s17+$0x0] =	vst.idx.msk vm9, v9;
	(pc) =	sbr.rel @p0 .LBB2_67-.Ltmp43, $4  }
0x39a: {  	[tilespmem:v16+s17+$0x0] =	vst.idx.msk vm8, v8  }
0x39b: {  	[tilespmem:v15+s17+$0x0] =	vst.idx.msk vm4, v5  }
0x39c: {  	[tilespmem:v13+s17+$0x0] =	vst.idx.msk vm3, v6  }
0x39d: {  	[tilespmem:v63+s17+$0x0] =	vst.idx.msk vm2, v7  }
0x39e: {  	s1 =	sshra.s32 s26, $0x1F  }
0x39f: {  	s1 =	sshrl.u32 s1, $0x1E  }
0x3a0: {  	s1 =	sadd.s32 s1, s26  }
0x3a1: {  	s28 =	sand.u32 $0xFFFFFFFC, s1  }
.Ltmp44:
0x3a2: {  	s1 =	ssub.s32 s26, s28;
	(pc) =	sbr.rel .LBB2_59-.Ltmp44, $4  }
0x3a3: {  	s0 =	sshll.u32 s0, $0x6;
	s3 =	sshll.u32 s1, $0x6  }
0x3a4: {  	s24 =	simm.s32 $0x3EFAE148;
	s31 =	simm.s32 $0x3F10A3D7;
	s0 =	ssub.s32 s0, s3  }
0x3a5: {  	p0 =	slt.s32 s28, $0x1;
	p1 =	sge.s32 s28, s26;
	s0 =	sshra.s32 s0, $0x2  }
0x3a6: {  	s30 =	ssub.s32 $0x0, s1;
	s1 =	simm.s32 $0x15C28F;
	s29 =	sadd.s32 $0x18000, s0  }
.LBB2_63:
0x3a7: {  	(xrf0) =	vadd.scan.msk.s32 $0xffff, v6;
	_ =	sdelay $0x5  }
0x3a8: {  	v5, _, _ =	vpop (xrf0)  }
0x3a9: {  	(v2sf) =	vpush v5, $0xF;
	_ =	sdelay $0xe  }
0x3aa: {  	s1 =	spop (v2sf)  }
0x3ab: {  	s1 =	sadd.s32 s25, s1  }
0x3ac: {  	p2 =	sgt.s32 s1, $0x2665  }
0x3ad: {  	s24 =	smov.u32 @p2 s0;
	s0 =	smov.u32 @p2 s31  }
0x3ae: {  	s1 =	ssub.s32 s0, s24  }
0x3af: {  	p2 =	seq.s32 s1, $0x1  }
.Ltmp45:
0x3b0: {  	_ = 	snop;
	(pc) =	sbr.rel @p2 .LBB2_71-.Ltmp45, $2  }
0x3b1: {  	_ =	sdelay $0x2  }
0x3b2: {  	s31 =	smov.u32 s0  }
.LBB2_59:
0x3b3: {  	s0 =	sshrl.u32 s1, $0x1  }
0x3b4: {  	s0 =	sadd.s32 s24, s0  }
0x3b5: {  	s1 =	sxor.u32 $0x7FFFFFFF, s0  }
.Ltmp46:
0x3b6: {  	p2 =	slt.s32 s0, $0x0;
	s3 =	smov.u32 s0;
	(pc) =	sbr.rel @p0 .LBB2_60-.Ltmp46, $3  }
0x3b7: {  	s3 =	smov.u32 @p2 s1  }
0x3b8: {  	v5 =	vmov s3  }
0x3b9: {  	v5 =	vbroadcast v5, $0x0;
	_ =	sdelay $0x1  }
0x3ba: {  	s14 =	simm.s32 $0x18020  }
0x3bb: {  	v7 =	vld [tilespmem:s14+$0xFFFFFFE0];
	_ =	sdelay $0x2  }
0x3bc: {  	v8 =	vld [tilespmem:s14+$0x10]  }
0x3bd: {  	p2 =	sgt.s32 s28, $0x4;
	v9 =	vld [tilespmem:s14+$0xFFFFFFF0]  }
.Ltmp47:
0x3be: {  	s1 =	simm.s32 $0x0;
	s3 =	simm.s32 $0x2;
	vm4 =	vge.f32 v7, v5;
	v7 =	vld [tilespmem:s14+$0x0];
	(pc) =	sbr.rel @!p2 .LBB2_66-.Ltmp47, $4  }
0x3bf: {  	v6 =	vimm.s32 $0x0;
	s4 =	simm.s32 $0x3;
	s15 =	simm.s32 $0x1;
	v10 =	vmov s1;
	v11 =	vmov s3  }
0x3c0: {  	v12 =	vmov s4;
	v63 =	vmov s15;
	vm2 =	vlt.s32 v10, v4  }
0x3c1: {  	vm0 =	vlt.s32 v12, v4;
	vm3 =	vlt.s32 v63, v4;
	vm1 =	vlt.s32 v11, v4  }
0x3c2: {  	s1 =	simm.s32 $0x4;
	vm5 =	vge.f32 v9, v5;
	s14 =	simm.s32 $0x18060;
	vm4 =	vmand vm2, vm4;
	vm2 =	vge.f32 v8, v5  }
.LBB2_65:
0x3c3: {  	v8 =	vld [tilespmem:s14+$0x10];
	v9 =	vsel vm4, $0x1, v1;
	vm3 =	vmand vm3, vm5;
	vm4 =	vge.f32 v7, v5;
	s3 =	smov.u32 s1  }
0x3c4: {  	s1 =	sadd.s32 $0x4, s1;
	v10 =	vld [tilespmem:s14+$0xFFFFFFE0];
	v6 =	vadd.s32 v9, v6;
	v7 =	vsel vm3, $0x1, v1;
	vm1 =	vmand vm1, vm4  }
0x3c5: {  	vm0 =	vmand vm0, vm2;
	p2 =	slt.s32 s1, s28;
	v9 =	vld [tilespmem:s14+$0xFFFFFFF0];
	v6 =	vadd.s32 v7, v6;
	v11 =	vsel vm1, $0x1, v1  }
.Ltmp48:
0x3c6: {  	v12 =	vmov s3;
	s4 =	sadd.s32 $0x2, s3;
	s15 =	sadd.s32 $0x3, s3;
	v7 =	vld [tilespmem:s14+$0x0];
	v6 =	vadd.s32 v11, v6;
	v11 =	vsel vm0, $0x1, v1;
	(pc) =	sbr.rel @p2 .LBB2_65-.Ltmp48, $4  }
0x3c7: {  	s3 =	sadd.s32 $0x1, s3;
	v13 =	vmov s4;
	v14 =	vmov s15;
	v6 =	vadd.s32 v11, v6  }
0x3c8: {  	vm2 =	vlt.s32 v12, v4;
	vm0 =	vlt.s32 v14, v4;
	v11 =	vmov s3  }
0x3c9: {  	vm1 =	vlt.s32 v13, v4;
	vm3 =	vlt.s32 v11, v4;
	vm4 =	vge.f32 v10, v5  }
0x3ca: {  	s14 =	sadd.s32 $0x40, s14;
	vm4 =	vmand vm2, vm4;
	vm5 =	vge.f32 v9, v5;
	vm2 =	vge.f32 v8, v5  }
.LBB2_66:
.Ltmp49:
0x3cb: {  	v8 =	vsel vm4, $0x1, v1;
	vm3 =	vmand vm3, vm5;
	vm15 =	vge.f32 v7, v5;
	(pc) =	sbr.rel .LBB2_61-.Ltmp49, $4  }
0x3cc: {  	v6 =	vadd.s32 v8, v6;
	v7 =	vsel vm3, $0x1, v1;
	vm1 =	vmand vm1, vm15  }
0x3cd: {  	vm0 =	vmand vm0, vm2;
	v6 =	vadd.s32 v7, v6;
	v7 =	vsel vm1, $0x1, v1  }
0x3ce: {  	v6 =	vadd.s32 v7, v6;
	v7 =	vsel vm0, $0x1, v1  }
0x3cf: {  	v6 =	vadd.s32 v7, v6  }
.LBB2_60:
0x3d0: {  	v6 =	vimm.s32 $0x0  }
.LBB2_61:
.Ltmp50:
0x3d1: {  	(pc) =	sbr.rel @p1 .LBB2_63-.Ltmp50, $2  }
0x3d2: {  	_ =	sdelay $0x2  }
0x3d3: {  	s1 =	smov.u32 s29;
	s14 =	smov.u32 s30  }
.LBB2_62:
0x3d4: {  	v7 =	vld [tilespmem:s1+$0x0];
	_ =	sdelay $0x1  }
0x3d5: {  	s3 =	sadd.s32 s14, s26;
	s14 =	sadd.s32 $0x1, s14  }
0x3d6: {  	p2 =	seq.s32 s14, $0x0  }
.Ltmp51:
0x3d7: {  	v8 =	vmov s3;
	(pc) =	sbr.rel @!p2 .LBB2_62-.Ltmp51, $4  }
0x3d8: {  	vm0 =	vlt.s32 v8, v4;
	vm1 =	vge.f32 v7, v5  }
0x3d9: {  	vm0 =	vmand vm0, vm1  }
0x3da: {  	v7 =	vsel vm0, $0x1, v1  }
0x3db: {  	s1 =	sadd.s32 $0x10, s1;
	v6 =	vadd.s32 v7, v6  }
.Ltmp52:
0x3dc: {  	_ = 	snop;
	(pc) =	sbr.rel .LBB2_63-.Ltmp52, $1  }
0x3dd: {  	_ =	sdelay $0x3  }
.LBB2_67:
0x3de: {  	p0 =	slt.s32 s1, $0x2666;
	s24 =	simm.s32 $0x80000000;
	s25 =	simm.s32 $0x3EFAE148  }
0x3df: {  	s1 =	simm.s32 $0xBEFAE148;
	s24 =	simm.s32 @!p0 $0x3F10A3D7  }
0x3e0: {  	s25 =	simm.s32 @!p0 $0x7FFFFFFF;
	s1 =	simm.s32 @!p0 $0x40EF5C28  }
.LBB2_68:
0x3e1: {  	s0 =	sshrl.u32 s1, $0x1  }
0x3e2: {  	s3 =	simm.s32 $0x0;
	s0 =	sadd.s32 s24, s0  }
0x3e3: {  	v5 =	vld [tilespmem:s3+$0x0];
	s1 =	sxor.u32 $0x7FFFFFFF, s0;
	p0 =	slt.s32 s0, $0x0;
	s4 =	smov.u32 s0  }
0x3e4: {  	v7 =	vld [tilespmem:s3+$0x10];
	s4 =	smov.u32 @p0 s1  }
0x3e5: {  	v9 =	vld [tilespmem:s3+$0x20];
	v4 =	vmov s4  }
0x3e6: {  	v8 =	vld [tilespmem:s3+$0x30];
	v4 =	vbroadcast v4, $0x0  }
0x3e7: {  	v6 =	vld [tilespmem:s3+$0x40]  }
0x3e8: {  	vm0 =	vge.f32 v5, v4;
	v5 =	vld [tilespmem:s3+$0x50]  }
0x3e9: {  	v10 =	vimm.s32 $0x0;
	v11 =	vsel vm0, $0x1, v1;
	vm0 =	vge.f32 v7, v4;
	v7 =	vld [tilespmem:s3+$0x60]  }
0x3ea: {  	s26 =	simm.s32 $0x80;
	s1 =	simm.s32 $0x400;
	v10 =	vadd.s32 v11, v10;
	v11 =	vsel vm0, $0x1, v1;
	vm0 =	vge.f32 v9, v4;
	v9 =	vld [tilespmem:s3+$0x70]  }
.LBB2_69:
0x3eb: {  	p0 =	sne.s32 s1, $0x1FE00;
	v12 =	vld [tilespmem:s26+$0x0];
	v10 =	vadd.s32 v11, v10;
	v11 =	vsel vm0, $0x1, v1;
	vm0 =	vge.f32 v8, v4  }
0x3ec: {  	v13 =	vld [tilespmem:s26+$0x10];
	v8 =	vadd.s32 v11, v10;
	v10 =	vsel vm0, $0x1, v1;
	vm0 =	vge.f32 v6, v4  }
0x3ed: {  	v14 =	vld [tilespmem:s26+$0x20];
	v6 =	vadd.s32 v10, v8;
	v10 =	vsel vm0, $0x1, v1;
	vm0 =	vge.f32 v5, v4  }
.Ltmp53:
0x3ee: {  	v8 =	vld [tilespmem:s26+$0x30];
	v5 =	vadd.s32 v10, v6;
	v10 =	vsel vm0, $0x1, v1;
	vm0 =	vge.f32 v7, v4;
	(pc) =	sbr.rel @p0 .LBB2_69-.Ltmp53, $4  }
0x3ef: {  	v6 =	vld [tilespmem:s26+$0x40];
	v7 =	vadd.s32 v10, v5;
	v10 =	vsel vm0, $0x1, v1;
	vm0 =	vge.f32 v9, v4  }
0x3f0: {  	vm1 =	vge.f32 v12, v4;
	v5 =	vld [tilespmem:s26+$0x50];
	v9 =	vadd.s32 v10, v7;
	v10 =	vsel vm0, $0x1, v1  }
0x3f1: {  	v11 =	vsel vm1, $0x1, v1;
	vm0 =	vge.f32 v13, v4;
	v7 =	vld [tilespmem:s26+$0x60];
	v9 =	vadd.s32 v10, v9  }
0x3f2: {  	v10 =	vadd.s32 v11, v9;
	v11 =	vsel vm0, $0x1, v1;
	vm0 =	vge.f32 v14, v4;
	v9 =	vld [tilespmem:s26+$0x70];
	s26 =	sshra.s32 s1, $0x2;
	s1 =	sadd.s32 $0x200, s1  }
0x3f3: {  	v12 =	vld [tilespmem:s26+$0x0];
	v10 =	vadd.s32 v11, v10;
	v47 =	vsel vm0, $0x1, v1;
	vm4 =	vge.f32 v8, v4  }
0x3f4: {  	v48 =	vld [tilespmem:s26+$0x10];
	v10 =	vadd.s32 v47, v10;
	v49 =	vsel vm4, $0x1, v1;
	vm5 =	vge.f32 v6, v4  }
0x3f5: {  	v50 =	vld [tilespmem:s26+$0x20];
	v10 =	vadd.s32 v49, v10;
	v51 =	vsel vm5, $0x1, v1;
	vm6 =	vge.f32 v5, v4  }
0x3f6: {  	v5 =	vld [tilespmem:s26+$0x30];
	v10 =	vadd.s32 v51, v10;
	v52 =	vsel vm6, $0x1, v1;
	vm7 =	vge.f32 v7, v4  }
0x3f7: {  	v53 =	vld [tilespmem:s26+$0x40];
	v10 =	vadd.s32 v52, v10;
	v54 =	vsel vm7, $0x1, v1;
	vm8 =	vge.f32 v9, v4  }
0x3f8: {  	v55 =	vld [tilespmem:s26+$0x50];
	vm1 =	vge.f32 v12, v4;
	v10 =	vadd.s32 v54, v10;
	v56 =	vsel vm8, $0x1, v1  }
0x3f9: {  	v57 =	vld [tilespmem:s26+$0x60];
	vm9 =	vge.f32 v48, v4;
	v12 =	vsel vm1, $0x1, v1;
	v10 =	vadd.s32 v56, v10  }
0x3fa: {  	v59 =	vld [tilespmem:s26+$0x70];
	vm10 =	vge.f32 v50, v4;
	v58 =	vsel vm9, $0x1, v1;
	v10 =	vadd.s32 v12, v10  }
0x3fb: {  	v60 =	vsel vm10, $0x1, v1;
	vm11 =	vge.f32 v5, v4;
	v10 =	vadd.s32 v58, v10  }
0x3fc: {  	vm12 =	vge.f32 v53, v4;
	v61 =	vsel vm11, $0x1, v1;
	v5 =	vadd.s32 v60, v10  }
0x3fd: {  	vm13 =	vge.f32 v55, v4;
	v7 =	vsel vm12, $0x1, v1;
	v5 =	vadd.s32 v61, v5  }
0x3fe: {  	vm14 =	vge.f32 v57, v4;
	v62 =	vsel vm13, $0x1, v1;
	v5 =	vadd.s32 v7, v5  }
0x3ff: {  	vm15 =	vge.f32 v59, v4;
	v63 =	vsel vm14, $0x1, v1;
	v5 =	vadd.s32 v62, v5  }
0x400: {  	v4 =	vadd.s32 v63, v5;
	v5 =	vsel vm15, $0x1, v1  }
0x401: {  	v4 =	vadd.s32 v5, v4  }
0x402: {  	(xrf0) =	vadd.scan.msk.s32 $0xffff, v4;
	_ =	sdelay $0x5  }
0x403: {  	v4, _, _ =	vpop (xrf0)  }
0x404: {  	(v2sf) =	vpush v4, $0xF;
	_ =	sdelay $0xe  }
0x405: {  	s1 =	spop (v2sf)  }
0x406: {  	p0 =	sgt.s32 s1, $0x2665  }
0x407: {  	s24 =	smov.u32 @p0 s0;
	s0 =	smov.u32 @p0 s25  }
0x408: {  	s1 =	ssub.s32 s0, s24  }
0x409: {  	p0 =	sne.s32 s1, $0x1  }
.Ltmp54:
0x40a: {  	_ = 	snop;
	(pc) =	sbr.rel @p0 .LBB2_68-.Ltmp54, $2  }
0x40b: {  	_ =	sdelay $0x2  }
0x40c: {  	s25 =	smov.u32 s0  }
.LBB2_71:
0x40d: {  	s0 =	simm.s32 $0x40  }
0x40e: {  	s1 =	sxor.u32 $0x7FFFFFFF, s24;
	p0 =	slt.s32 s24, $0x0;
	v6 =	vld [tilespmem:s0+$0x30]  }
0x40f: {  	s24 =	smov.u32 @p0 s1;
	v9 =	vld [tilespmem:s0+$0xFFFFFFD0]  }
0x410: {  	v11 =	vld [tilespmem:s0+$0xFFFFFFE0];
	v4 =	vmov s24  }
0x411: {  	v8 =	vld [tilespmem:s0+$0xFFFFFFF0];
	v4 =	vbroadcast v4, $0x0  }
0x412: {  	v7 =	vld [tilespmem:s0+$0x0]  }
0x413: {  	v5 =	vld [tilespmem:s0+$0x10];
	vm0 =	vge.f32 v6, v4  }
0x414: {  	vm1 =	vge.f32 v9, v4;
	v6 =	vld [tilespmem:s0+$0x20];
	v12 =	vsel vm0, $0x3F800000, v3  }
0x415: {  	s14 =	simm.s32 $0xC0;
	s1 =	simm.s32 $0x0;
	v9 =	vld [tilespmem:s0+$0xFFFFFFC0];
	v10 =	vsel vm1, $0x3F800000, v3;
	vm0 =	vge.f32 v11, v4;
	[tilespmem:s0+$0x30] =	vst v12  }
.LBB2_72:
0x416: {  	v11 =	vld [tilespmem:s14+$0x30];
	s1 =	sadd.s32 $0x8, s1;
	[tilespmem:s0+$0xFFFFFFD0] =	vst v10;
	v10 =	vsel vm0, $0x3F800000, v3;
	vm0 =	vge.f32 v8, v4  }
0x417: {  	v12 =	vld [tilespmem:s14+$0xFFFFFFD0];
	p0 =	slt.u32 s1, $0x7F8;
	[tilespmem:s0+$0xFFFFFFE0] =	vst v10;
	v8 =	vsel vm0, $0x3F800000, v3;
	vm0 =	vge.f32 v7, v4  }
0x418: {  	v13 =	vld [tilespmem:s14+$0xFFFFFFE0];
	[tilespmem:s0+$0xFFFFFFF0] =	vst v8;
	v7 =	vsel vm0, $0x3F800000, v3;
	vm0 =	vge.f32 v5, v4  }
.Ltmp55:
0x419: {  	v8 =	vld [tilespmem:s14+$0xFFFFFFF0];
	[tilespmem:s0+$0x0] =	vst v7;
	v5 =	vsel vm0, $0x3F800000, v3;
	vm0 =	vge.f32 v6, v4;
	(pc) =	sbr.rel @p0 .LBB2_72-.Ltmp55, $4  }
0x41a: {  	v7 =	vld [tilespmem:s14+$0x0];
	vm1 =	vge.f32 v9, v4;
	[tilespmem:s0+$0x10] =	vst v5;
	v6 =	vsel vm0, $0x3F800000, v3  }
0x41b: {  	v5 =	vld [tilespmem:s14+$0x10];
	vm0 =	vge.f32 v11, v4;
	v9 =	vsel vm1, $0x3F800000, v3;
	[tilespmem:s0+$0x20] =	vst v6  }
0x41c: {  	vm1 =	vge.f32 v12, v4;
	v6 =	vld [tilespmem:s14+$0x20];
	v11 =	vsel vm0, $0x3F800000, v3;
	[tilespmem:s0+$0xFFFFFFC0] =	vst v9;
	s0 =	smov.u32 s14  }
0x41d: {  	s14 =	sadd.s32 $0x80, s14;
	v9 =	vld [tilespmem:s0+$0xFFFFFFC0];
	v10 =	vsel vm1, $0x3F800000, v3;
	vm0 =	vge.f32 v13, v4;
	[tilespmem:s0+$0x30] =	vst v11  }
0x41e: {  	[tilespmem:s0+$0xFFFFFFD0] =	vst v10;
	v63 =	vsel vm0, $0x3F800000, v3;
	vm12 =	vge.f32 v8, v4  }
0x41f: {  	[tilespmem:s0+$0xFFFFFFE0] =	vst v63;
	v8 =	vsel vm12, $0x3F800000, v3;
	vm13 =	vge.f32 v7, v4  }
0x420: {  	[tilespmem:s0+$0xFFFFFFF0] =	vst v8;
	v7 =	vsel vm13, $0x3F800000, v3;
	vm14 =	vge.f32 v5, v4  }
0x421: {  	[tilespmem:s0+$0x0] =	vst v7;
	v5 =	vsel vm14, $0x3F800000, v3;
	vm15 =	vge.f32 v6, v4  }
0x422: {  	vm1 =	vge.f32 v9, v4;
	[tilespmem:s0+$0x10] =	vst v5;
	v4 =	vsel vm15, $0x3F800000, v3  }
0x423: {  	v5 =	vsel vm1, $0x3F800000, v3;
	[tilespmem:s0+$0x20] =	vst v4  }
0x424: {  	[tilespmem:s0+$0xFFFFFFC0] =	vst v5  }
0x425: {  	[hbm4b:s10+s12] =	stream.strided.scatter [tilespmem:s2], [sflag:$0x4], $0x8000, s13, s12, $0x38;
	[tilespmem:$0x1C080] =	vst v63  }
0x426: {  	_ =	swait.ge [sflag:s19], $0x8000  }
0x427: {  	[sflag:s19] =	ssyncset.done $0x0  }
0x428: {  	s23 =	sadd.s32 $0x1, s23;
	[sflag:s19] =	ssyncadd.s32 $0xFFFF8000  }
0x429: {  	p0 =	sne.s32 s23, s11;
	_ =	swait.ge [sflag:s21], $0x8000  }
.Ltmp56:
0x42a: {  	[sflag:s21] =	ssyncset.done $0x0;
	(pc) =	sbr.rel @p0 .LBB2_1-.Ltmp56, $4  }
0x42b: {  	[sflag:s21] =	ssyncadd.s32 $0xFFFF8000  }
0x42c: {  	_ =	swait.ge [sflag:s22], $0x8000  }
0x42d: {  	[sflag:s22] =	ssyncset.done $0x0  }
0x42e: {  	[sflag:s22] =	ssyncadd.s32 $0xFFFF8000  }
0x42f: {  	_ =	sfence.sel $0x180000  }
0x430: {  	[bflag:$0x0] =	sbarrier.arrive $0xFFFF  }
0x431: {  	_ =	strace $0x90000047  }
0x432: {  	s0 =	stileid.u32;
	[bflag:$0x2] =	sbarrier.arrive $0xFFFF  }
0x433: {  	p0 =	sne.s32 s0, $0x0;
	s0 =	rddreg [dreg:$0x2]  }
0x434: {  	s0 =	sadd.s32 @!p0 $0x100000, s0  }
0x435: {  	[sflag:s0] =	ssyncadd.tile.s32 @!p0 $0x1;
	_ =	shalt  }
.Lfunc_end2:
_tile_overlayer_lowered:
.L_overlay_start_2:
0x436: {  	(tag) =	ssettag $0x2  }
0x437: {  	s0 =	rddreg [dreg:$0x0];
	s2 =	stileid.u32  }
0x438: {  	s1 =	rddreg [dreg:$0x1];
	p0 =	sne.s32 s2, $0x0  }
0x439: {  	s3 =	rddreg [dreg:$0x2];
	[bflag:$0x3] =	sbarrier.arrive $0xFFFF;
	s2 =	simm.s32 @!p0 $0x1C07  }
0x43a: {  	[timem:s3], [sflag:s2] =	dma.local @!p0 [hbm:s0], s1  }
0x43b: {  	s0 =	simm.s32 @!p0 $0x7  }
0x43c: {  	_ =	swait.ge @!p0 [sflag:s0], s1  }
0x43d: {  	s1 =	ssub.s32 @!p0 $0x0, s1;
	[sflag:s0] =	ssyncset.done @!p0 $0x0  }
0x43e: {  	[sflag:s0] =	ssyncadd.s32 @!p0 s1  }
0x43f: {  	[bflag:$0x3] =	sbarrier.arrive $0xFFFF  }
0x440: {  	_ =	shalt  }

</sc_bundles>
